<compile_context>
chip_gen: v7x
topology: tpu7x:2x2x1
jax: 0.10.2.dev20260603
libtpu: 0.0.44.dev20260713+nightly
codegen_flags: <defaults>
</compile_context>

<pallas_src>
import functools

import jax
import jax.numpy as jnp
from jax import lax
from jax.experimental import pallas as pl
from jax.experimental.pallas import tpu as pltpu
from jax.experimental.pallas import tpu_sc as plsc

N_NODES = 10000
N_EDGES = 320000
DIM = 128

NC = 2
NS = 16
NW = NC * NS
EPW = N_EDGES // NW
CHUNK = 80
NCHUNK = EPW // CHUNK
N_ACC = 10240
RPW = N_ACC // NS


def _proj_body(h_ref, wp_ref, wa_ref, wh_ref, sd_ref):
    wh = lax.dot_general(h_ref[...], wp_ref[...],
                         (((1,), (1,)), ((), ())),
                         preferred_element_type=jnp.float32)
    wh_ref[...] = wh
    sd_ref[...] = lax.dot_general(wh, wa_ref[...],
                                  (((1,), (1,)), ((), ())),
                                  preferred_element_type=jnp.float32)


def _proj(h, W_proj, wa2):
    blk = 1000
    grid = N_NODES // blk
    return pl.pallas_call(
        _proj_body,
        grid=(grid,),
        in_specs=[
            pl.BlockSpec((blk, DIM), lambda i: (i, 0)),
            pl.BlockSpec((DIM, DIM), lambda i: (0, 0)),
            pl.BlockSpec((2, DIM), lambda i: (0, 0)),
        ],
        out_specs=[
            pl.BlockSpec((blk, DIM), lambda i: (i, 0)),
            pl.BlockSpec((blk, 2), lambda i: (i, 0)),
        ],
        out_shape=[
            jax.ShapeDtypeStruct((N_NODES, DIM), jnp.float32),
            jax.ShapeDtypeStruct((N_NODES, 2), jnp.float32),
        ],
    )(h, W_proj, wa2)


def _edge_body(wh_hbm, s_hbm, d_hbm, src_hbm, dst_hbm,
               acc_hbm, den_hbm,
               s_tab, d_tab, sbuf, dbuf, wbuf, rows, den_tab, acc, sem):
    sub = lax.axis_index("s")
    core = lax.axis_index("c")
    wid = sub * NC + core

    def _zrow(i, _):
        for j in range(DIM // 16):
            rows[i, pl.ds(j * 16, 16)] = jnp.zeros((16,), jnp.float32)
        return 0
    lax.fori_loop(0, CHUNK, _zrow, 0)
    for t in range(RPW // CHUNK):
        pltpu.sync_copy(rows, acc.at[pl.ds(sub * RPW + t * CHUNK, CHUNK)])

    def _zden(i, _):
        den_tab[0, pl.ds(i * 16, 16)] = jnp.zeros((16,), jnp.float32)
        return 0
    lax.fori_loop(0, N_ACC // 16, _zden, 0)
    pltpu.sync_copy(s_hbm, s_tab)
    pltpu.sync_copy(d_hbm, d_tab)

    plsc.subcore_barrier()

    ebase = wid * EPW
    zero16 = jnp.zeros((16,), jnp.int32)

    def _chunk(c, _):
        base = ebase + c * CHUNK
        pltpu.sync_copy(src_hbm.at[pl.ds(base, CHUNK)], sbuf)
        pltpu.sync_copy(dst_hbm.at[pl.ds(base, CHUNK)], dbuf)
        pltpu.async_copy(wh_hbm.at[sbuf], rows, sem).wait()
        for g in range(CHUNK // 16):
            isrc = sbuf[pl.ds(g * 16, 16)]
            idst = dbuf[pl.ds(g * 16, 16)]
            sv = plsc.load_gather(s_tab, [isrc])
            dv = plsc.load_gather(d_tab, [idst])
            w = jnp.exp(jnp.maximum(sv + dv, 0.0))
            wbuf[pl.ds(g * 16, 16)] = w
            plsc.addupdate_scatter(den_tab, [zero16, idst], w)

        def _scale(g, _):
            wv = wbuf[pl.ds(g * 16, 16)]
            for l in range(16):
                ws = wv[l]
                e = g * 16 + l
                for j in range(DIM // 16):
                    rows[e, pl.ds(j * 16, 16)] = rows[e, pl.ds(j * 16, 16)] * ws
            return 0
        lax.fori_loop(0, CHUNK // 16, _scale, 0)

        pltpu.sync_copy(rows, acc.at[dbuf], add=True)
        return 0

    lax.fori_loop(0, NCHUNK, _chunk, 0)

    plsc.subcore_barrier()

    pltpu.sync_copy(acc.at[pl.ds(sub * RPW, RPW)],
                    acc_hbm.at[core, pl.ds(sub * RPW, RPW)])
    pltpu.sync_copy(den_tab, den_hbm.at[wid])


def _edge(Wh, s, d, src, dst):
    mesh = plsc.VectorSubcoreMesh(core_axis_name="c", subcore_axis_name="s")
    fn = functools.partial(
        pl.kernel,
        mesh=mesh,
        compiler_params=pltpu.CompilerParams(needs_layout_passes=False),
        out_type=[
            jax.ShapeDtypeStruct((NC, N_ACC, DIM), jnp.float32),
            jax.ShapeDtypeStruct((NW, 1, N_ACC), jnp.float32),
        ],
        scratch_types=[
            pltpu.VMEM((N_NODES,), jnp.float32),
            pltpu.VMEM((N_NODES,), jnp.float32),
            pltpu.VMEM((CHUNK,), jnp.int32),
            pltpu.VMEM((CHUNK,), jnp.int32),
            pltpu.VMEM((CHUNK,), jnp.float32),
            pltpu.VMEM((CHUNK, DIM), jnp.float32),
            pltpu.VMEM((1, N_ACC), jnp.float32),
            pltpu.VMEM_SHARED((N_ACC, DIM), jnp.float32),
            pltpu.SemaphoreType.DMA,
        ],
    )(_edge_body)
    return fn(Wh, s, d, src, dst)


def _finish_body(acc_ref, den_ref, out_ref):
    num = acc_ref[0] + acc_ref[1]
    den = jnp.maximum(jnp.sum(den_ref[...], axis=0), 1e-16)
    out_ref[...] = num / den[:, None]


def _finish(acc, den):
    blk = 1280
    grid = N_ACC // blk
    return pl.pallas_call(
        _finish_body,
        grid=(grid,),
        in_specs=[
            pl.BlockSpec((NC, blk, DIM), lambda i: (0, i, 0)),
            pl.BlockSpec((NW, blk), lambda i: (0, i)),
        ],
        out_specs=pl.BlockSpec((blk, DIM), lambda i: (i, 0)),
        out_shape=jax.ShapeDtypeStruct((N_NODES, DIM), jnp.float32),
    )(acc, den)


def kernel(h, W_proj, W_attn, edge_index):
    ei = edge_index.astype(jnp.int32)
    src = ei[0]
    dst = ei[1]
    wa2 = W_attn.reshape(2, DIM)
    Wh, sd = _proj(h, W_proj, wa2)
    s = sd[:, 0]
    d = sd[:, 1]
    acc, den = _edge(Wh, s, d, src, dst)
    return _finish(acc, den.reshape(NW, N_ACC))

# --- scband reference (transcript-rebuilt; emitter-appended) ---
"""Pipeline reference for scband-gatlayer-27590869909900 (READ-ONLY COPY).

The authoritative reference and input builder live on the scoring server;
editing this copy changes nothing except your own understanding.
"""

import jax, jax.numpy as jnp
import numpy as np

N_NODES = 10000
N_EDGES = 320000
IN_DIM = 128
OUT_DIM = 128


def setup_inputs(seed: int = 0) -> dict:
    key = jax.random.key(seed)
    k1, k2, k3, k4 = jax.random.split(key, 4)
    h = jax.random.normal(k1, (N_NODES, IN_DIM), dtype=jnp.float32)
    edge_index = jax.random.randint(k2, (2, N_EDGES), 0, N_NODES, dtype=jnp.int64)
    # linear_proj.weight: [out_dim, in_dim], xavier_normal with relu gain
    gain = float(np.sqrt(2.0))
    std_proj = gain * float(np.sqrt(2.0 / (IN_DIM + OUT_DIM)))
    W_proj = jax.random.normal(k3, (OUT_DIM, IN_DIM), dtype=jnp.float32) * std_proj
    # attn_param.weight: [1, 2*out_dim]
    std_attn = gain * float(np.sqrt(2.0 / (2 * OUT_DIM + 1)))
    W_attn = jax.random.normal(k4, (1, 2 * OUT_DIM), dtype=jnp.float32) * std_attn
    return {"h": h, "W_proj": W_proj, "W_attn": W_attn, "edge_index": edge_index}


def reference(h, W_proj, W_attn, edge_index):
    n = h.shape[0]
    src = edge_index[0]
    dst = edge_index[1]
    # W_h = linear_proj(h)
    Wh = h @ W_proj.T  # [N, out_dim]
    # edge attention: e = relu(attn([Wh_src || Wh_dst]))
    Wh_src = jnp.take(Wh, src, axis=0)  # [E, out_dim]
    Wh_dst = jnp.take(Wh, dst, axis=0)  # [E, out_dim]
    concat = jnp.concatenate([Wh_src, Wh_dst], axis=1)  # [E, 2*out_dim]
    e = jax.nn.relu(concat @ W_attn.T)[:, 0]  # [E]
    # softmax over incoming edges per destination node (mailbox softmax)
    seg_max = jax.ops.segment_max(e, dst, num_segments=n)
    seg_max = jnp.where(jnp.isfinite(seg_max), seg_max, 0.0)
    ex = jnp.exp(e - jnp.take(seg_max, dst, axis=0))
    denom = jax.ops.segment_sum(ex, dst, num_segments=n)
    alpha = ex / jnp.maximum(jnp.take(denom, dst, axis=0), 1e-16)  # [E]
    # weighted sum of source features per destination
    h_N = jax.ops.segment_sum(alpha[:, None] * Wh_src, dst, num_segments=n)
    return h_N

if __name__ == "__main__":
    import jax
    _d = setup_inputs()
    print(jax.jit(kernel)(*tuple(_d.values())))

</pallas_src>

<mosaic_0001>
#map = affine_map<(d0, d1) -> (0, 0)>
#map1 = affine_map<(d0, d1) -> (0)>
#map2 = affine_map<(d0, d1) -> (0, 0, 0)>
module attributes {stable_mosaic.version = 14 : i64} {
  func.func @_edge_body(%arg0: i32, %arg1: i32, %arg2: memref<10000x128xf32, #tpu.memory_space<hbm>>, %arg3: memref<10000xf32, #tpu.memory_space<hbm>>, %arg4: memref<10000xf32, #tpu.memory_space<hbm>>, %arg5: memref<320000xi32, #tpu.memory_space<hbm>>, %arg6: memref<320000xi32, #tpu.memory_space<hbm>>, %arg7: memref<2x10240x128xf32, #tpu.memory_space<hbm>>, %arg8: memref<32x1x10240xf32, #tpu.memory_space<hbm>>, %arg9: memref<10000xf32, #tpu.memory_space<vmem>>, %arg10: memref<10000xf32, #tpu.memory_space<vmem>>, %arg11: memref<80xi32, #tpu.memory_space<vmem>>, %arg12: memref<80xi32, #tpu.memory_space<vmem>>, %arg13: memref<80xf32, #tpu.memory_space<vmem>>, %arg14: memref<80x128xf32, #tpu.memory_space<vmem>>, %arg15: memref<1x10240xf32, #tpu.memory_space<vmem>>, %arg16: memref<10240x128xf32, #tpu.memory_space<vmem_shared>>, %arg17: memref<!tpu.dma_semaphore, #tpu.memory_space<semaphore_mem>>) attributes {dimension_semantics = [#tpu.dimension_semantics<core_parallel>, #tpu.dimension_semantics<subcore_parallel>], iteration_bounds = array<i64: 2, 16>, scalar_prefetch = 0 : i64, scratch_operands = 9 : i64, tpu.core_type = #tpu.core_type<sc_vector_subcore>, window_params = [{transform_indices = #map}, {transform_indices = #map1}, {transform_indices = #map1}, {transform_indices = #map1}, {transform_indices = #map1}, {transform_indices = #map2}, {transform_indices = #map2}]} {
    %mul3A = arith.constant 2 : i32
    %mul3A_0 = arith.muli %arg1, %mul3A : i32
    %add3A = arith.addi %mul3A_0, %arg0 : i32
    %scan3A = arith.constant 0 : i32
    %scan3A_1 = arith.constant 0 : i32
    %scan3A_2 = arith.constant 80 : i32
    %scan3A_3 = arith.addi %scan3A_1, %scan3A_2 : i32
    %scan3A_4 = arith.constant 1 : i32
    %scan3A_5 = scf.for %scan3A_61 = %scan3A_1 to %scan3A_3 step %scan3A_4 iter_args(%scan3A_62 = %scan3A) -> (i32)  : i32 {
      %broadcast_in_dim3A_63 = arith.constant 0.000000e+00 : f32
      %broadcast_in_dim3A_64 = vector.broadcast %broadcast_in_dim3A_63 : f32 to vector<16xf32>
      %swap3A = arith.index_cast %scan3A_61 : i32 to index
      %swap3A_65 = arith.constant 0 : index
      %swap3A_66 = tpu.vector_load %arg14[%swap3A, %swap3A_65] {strides = array<i32>} : memref<80x128xf32, #tpu.memory_space<vmem>>, vector<16xf32>,
      tpu.vector_store %arg14[%swap3A, %swap3A_65], %broadcast_in_dim3A_64 {strides = array<i32>} : memref<80x128xf32, #tpu.memory_space<vmem>>, vector<16xf32>,
      %broadcast_in_dim3A_67 = arith.constant 0.000000e+00 : f32
      %broadcast_in_dim3A_68 = vector.broadcast %broadcast_in_dim3A_67 : f32 to vector<16xf32>
      %swap3A_69 = arith.index_cast %scan3A_61 : i32 to index
      %swap3A_70 = arith.constant 16 : index
      %swap3A_71 = tpu.vector_load %arg14[%swap3A_69, %swap3A_70] {strides = array<i32>} : memref<80x128xf32, #tpu.memory_space<vmem>>, vector<16xf32>,
      tpu.vector_store %arg14[%swap3A_69, %swap3A_70], %broadcast_in_dim3A_68 {strides = array<i32>} : memref<80x128xf32, #tpu.memory_space<vmem>>, vector<16xf32>,
      %broadcast_in_dim3A_72 = arith.constant 0.000000e+00 : f32
      %broadcast_in_dim3A_73 = vector.broadcast %broadcast_in_dim3A_72 : f32 to vector<16xf32>
      %swap3A_74 = arith.index_cast %scan3A_61 : i32 to index
      %swap3A_75 = arith.constant 32 : index
      %swap3A_76 = tpu.vector_load %arg14[%swap3A_74, %swap3A_75] {strides = array<i32>} : memref<80x128xf32, #tpu.memory_space<vmem>>, vector<16xf32>,
      tpu.vector_store %arg14[%swap3A_74, %swap3A_75], %broadcast_in_dim3A_73 {strides = array<i32>} : memref<80x128xf32, #tpu.memory_space<vmem>>, vector<16xf32>,
      %broadcast_in_dim3A_77 = arith.constant 0.000000e+00 : f32
      %broadcast_in_dim3A_78 = vector.broadcast %broadcast_in_dim3A_77 : f32 to vector<16xf32>
      %swap3A_79 = arith.index_cast %scan3A_61 : i32 to index
      %swap3A_80 = arith.constant 48 : index
      %swap3A_81 = tpu.vector_load %arg14[%swap3A_79, %swap3A_80] {strides = array<i32>} : memref<80x128xf32, #tpu.memory_space<vmem>>, vector<16xf32>,
      tpu.vector_store %arg14[%swap3A_79, %swap3A_80], %broadcast_in_dim3A_78 {strides = array<i32>} : memref<80x128xf32, #tpu.memory_space<vmem>>, vector<16xf32>,
      %broadcast_in_dim3A_82 = arith.constant 0.000000e+00 : f32
      %broadcast_in_dim3A_83 = vector.broadcast %broadcast_in_dim3A_82 : f32 to vector<16xf32>
      %swap3A_84 = arith.index_cast %scan3A_61 : i32 to index
      %swap3A_85 = arith.constant 64 : index
      %swap3A_86 = tpu.vector_load %arg14[%swap3A_84, %swap3A_85] {strides = array<i32>} : memref<80x128xf32, #tpu.memory_space<vmem>>, vector<16xf32>,
      tpu.vector_store %arg14[%swap3A_84, %swap3A_85], %broadcast_in_dim3A_83 {strides = array<i32>} : memref<80x128xf32, #tpu.memory_space<vmem>>, vector<16xf32>,
      %broadcast_in_dim3A_87 = arith.constant 0.000000e+00 : f32
      %broadcast_in_dim3A_88 = vector.broadcast %broadcast_in_dim3A_87 : f32 to vector<16xf32>
      %swap3A_89 = arith.index_cast %scan3A_61 : i32 to index
      %swap3A_90 = arith.constant 80 : index
      %swap3A_91 = tpu.vector_load %arg14[%swap3A_89, %swap3A_90] {strides = array<i32>} : memref<80x128xf32, #tpu.memory_space<vmem>>, vector<16xf32>,
      tpu.vector_store %arg14[%swap3A_89, %swap3A_90], %broadcast_in_dim3A_88 {strides = array<i32>} : memref<80x128xf32, #tpu.memory_space<vmem>>, vector<16xf32>,
      %broadcast_in_dim3A_92 = arith.constant 0.000000e+00 : f32
      %broadcast_in_dim3A_93 = vector.broadcast %broadcast_in_dim3A_92 : f32 to vector<16xf32>
      %swap3A_94 = arith.index_cast %scan3A_61 : i32 to index
      %swap3A_95 = arith.constant 96 : index
      %swap3A_96 = tpu.vector_load %arg14[%swap3A_94, %swap3A_95] {strides = array<i32>} : memref<80x128xf32, #tpu.memory_space<vmem>>, vector<16xf32>,
      tpu.vector_store %arg14[%swap3A_94, %swap3A_95], %broadcast_in_dim3A_93 {strides = array<i32>} : memref<80x128xf32, #tpu.memory_space<vmem>>, vector<16xf32>,
      %broadcast_in_dim3A_97 = arith.constant 0.000000e+00 : f32
      %broadcast_in_dim3A_98 = vector.broadcast %broadcast_in_dim3A_97 : f32 to vector<16xf32>
      %swap3A_99 = arith.index_cast %scan3A_61 : i32 to index
      %swap3A_100 = arith.constant 112 : index
      %swap3A_101 = tpu.vector_load %arg14[%swap3A_99, %swap3A_100] {strides = array<i32>} : memref<80x128xf32, #tpu.memory_space<vmem>>, vector<16xf32>,
      tpu.vector_store %arg14[%swap3A_99, %swap3A_100], %broadcast_in_dim3A_98 {strides = array<i32>} : memref<80x128xf32, #tpu.memory_space<vmem>>, vector<16xf32>,
      %scan3A_102 = arith.constant 0 : i32
      scf.yield %scan3A_102 : i32
    }
    %scan3A_6 = arith.constant 80 : i32
    %mul3A_7 = arith.constant 640 : i32
    %mul3A_8 = arith.muli %arg1, %mul3A_7 : i32
    %add3A_9 = arith.constant 0 : i32
    %add3A_10 = arith.addi %mul3A_8, %add3A_9 : i32
    "tpu.region"() ({
      %run_scoped3A = tpu.sem_alloc : memref<!tpu.dma_semaphore, #tpu.memory_space<semaphore_mem>>
      %dma_start3A = arith.constant 0 : i32
      %dma_start3A_61 = tpu.memref_slice %arg16[%add3A_10, %dma_start3A] : memref<10240x128xf32, #tpu.memory_space<vmem_shared>> -> memref<80x128xf32, #tpu.memory_space<vmem_shared>>
      %dma_start3A_62 = arith.constant 0 : i32
      %dma_start3A_63 = tpu.memref_slice %arg16[%add3A_10, %dma_start3A_62] : memref<10240x128xf32, #tpu.memory_space<vmem_shared>> -> memref<80x128xf32, #tpu.memory_space<vmem_shared>>
      tpu.enqueue_dma source(%arg14 : memref<80x128xf32, #tpu.memory_space<vmem>>) target(%dma_start3A_63 : memref<80x128xf32, #tpu.memory_space<vmem_shared>>) target_semaphore(%run_scoped3A : memref<!tpu.dma_semaphore, #tpu.memory_space<semaphore_mem>>)
      %dma_wait3A = arith.constant 0 : i32
      %dma_wait3A_64 = tpu.memref_slice %arg16[%add3A_10, %dma_wait3A] : memref<10240x128xf32, #tpu.memory_space<vmem_shared>> -> memref<80x128xf32, #tpu.memory_space<vmem_shared>>
      %dma_wait3A_65 = arith.constant 0 : i32
      %dma_wait3A_66 = tpu.memref_slice %arg16[%add3A_10, %dma_wait3A_65] : memref<10240x128xf32, #tpu.memory_space<vmem_shared>> -> memref<80x128xf32, #tpu.memory_space<vmem_shared>>
      tpu.wait_dma2 semaphore(%run_scoped3A : memref<!tpu.dma_semaphore, #tpu.memory_space<semaphore_mem>>) src(%arg14 : memref<80x128xf32, #tpu.memory_space<vmem>>) dst(%dma_wait3A_66 : memref<80x128xf32, #tpu.memory_space<vmem_shared>>)
      tpu.yield
    }) : () -> ()
    %mul3A_11 = arith.constant 640 : i32
    %mul3A_12 = arith.muli %arg1, %mul3A_11 : i32
    %add3A_13 = arith.constant 80 : i32
    %add3A_14 = arith.addi %mul3A_12, %add3A_13 : i32
    "tpu.region"() ({
      %run_scoped3A = tpu.sem_alloc : memref<!tpu.dma_semaphore, #tpu.memory_space<semaphore_mem>>
      %dma_start3A = arith.constant 0 : i32
      %dma_start3A_61 = tpu.memref_slice %arg16[%add3A_14, %dma_start3A] : memref<10240x128xf32, #tpu.memory_space<vmem_shared>> -> memref<80x128xf32, #tpu.memory_space<vmem_shared>>
      %dma_start3A_62 = arith.constant 0 : i32
      %dma_start3A_63 = tpu.memref_slice %arg16[%add3A_14, %dma_start3A_62] : memref<10240x128xf32, #tpu.memory_space<vmem_shared>> -> memref<80x128xf32, #tpu.memory_space<vmem_shared>>
      tpu.enqueue_dma source(%arg14 : memref<80x128xf32, #tpu.memory_space<vmem>>) target(%dma_start3A_63 : memref<80x128xf32, #tpu.memory_space<vmem_shared>>) target_semaphore(%run_scoped3A : memref<!tpu.dma_semaphore, #tpu.memory_space<semaphore_mem>>)
      %dma_wait3A = arith.constant 0 : i32
      %dma_wait3A_64 = tpu.memref_slice %arg16[%add3A_14, %dma_wait3A] : memref<10240x128xf32, #tpu.memory_space<vmem_shared>> -> memref<80x128xf32, #tpu.memory_space<vmem_shared>>
      %dma_wait3A_65 = arith.constant 0 : i32
      %dma_wait3A_66 = tpu.memref_slice %arg16[%add3A_14, %dma_wait3A_65] : memref<10240x128xf32, #tpu.memory_space<vmem_shared>> -> memref<80x128xf32, #tpu.memory_space<vmem_shared>>
      tpu.wait_dma2 semaphore(%run_scoped3A : memref<!tpu.dma_semaphore, #tpu.memory_space<semaphore_mem>>) src(%arg14 : memref<80x128xf32, #tpu.memory_space<vmem>>) dst(%dma_wait3A_66 : memref<80x128xf32, #tpu.memory_space<vmem_shared>>)
      tpu.yield
    }) : () -> ()
    %mul3A_15 = arith.constant 640 : i32
    %mul3A_16 = arith.muli %arg1, %mul3A_15 : i32
    %add3A_17 = arith.constant 160 : i32
    %add3A_18 = arith.addi %mul3A_16, %add3A_17 : i32
    "tpu.region"() ({
      %run_scoped3A = tpu.sem_alloc : memref<!tpu.dma_semaphore, #tpu.memory_space<semaphore_mem>>
      %dma_start3A = arith.constant 0 : i32
      %dma_start3A_61 = tpu.memref_slice %arg16[%add3A_18, %dma_start3A] : memref<10240x128xf32, #tpu.memory_space<vmem_shared>> -> memref<80x128xf32, #tpu.memory_space<vmem_shared>>
      %dma_start3A_62 = arith.constant 0 : i32
      %dma_start3A_63 = tpu.memref_slice %arg16[%add3A_18, %dma_start3A_62] : memref<10240x128xf32, #tpu.memory_space<vmem_shared>> -> memref<80x128xf32, #tpu.memory_space<vmem_shared>>
      tpu.enqueue_dma source(%arg14 : memref<80x128xf32, #tpu.memory_space<vmem>>) target(%dma_start3A_63 : memref<80x128xf32, #tpu.memory_space<vmem_shared>>) target_semaphore(%run_scoped3A : memref<!tpu.dma_semaphore, #tpu.memory_space<semaphore_mem>>)
      %dma_wait3A = arith.constant 0 : i32
      %dma_wait3A_64 = tpu.memref_slice %arg16[%add3A_18, %dma_wait3A] : memref<10240x128xf32, #tpu.memory_space<vmem_shared>> -> memref<80x128xf32, #tpu.memory_space<vmem_shared>>
      %dma_wait3A_65 = arith.constant 0 : i32
      %dma_wait3A_66 = tpu.memref_slice %arg16[%add3A_18, %dma_wait3A_65] : memref<10240x128xf32, #tpu.memory_space<vmem_shared>> -> memref<80x128xf32, #tpu.memory_space<vmem_shared>>
      tpu.wait_dma2 semaphore(%run_scoped3A : memref<!tpu.dma_semaphore, #tpu.memory_space<semaphore_mem>>) src(%arg14 : memref<80x128xf32, #tpu.memory_space<vmem>>) dst(%dma_wait3A_66 : memref<80x128xf32, #tpu.memory_space<vmem_shared>>)
      tpu.yield
    }) : () -> ()
    %mul3A_19 = arith.constant 640 : i32
    %mul3A_20 = arith.muli %arg1, %mul3A_19 : i32
    %add3A_21 = arith.constant 240 : i32
    %add3A_22 = arith.addi %mul3A_20, %add3A_21 : i32
    "tpu.region"() ({
      %run_scoped3A = tpu.sem_alloc : memref<!tpu.dma_semaphore, #tpu.memory_space<semaphore_mem>>
      %dma_start3A = arith.constant 0 : i32
      %dma_start3A_61 = tpu.memref_slice %arg16[%add3A_22, %dma_start3A] : memref<10240x128xf32, #tpu.memory_space<vmem_shared>> -> memref<80x128xf32, #tpu.memory_space<vmem_shared>>
      %dma_start3A_62 = arith.constant 0 : i32
      %dma_start3A_63 = tpu.memref_slice %arg16[%add3A_22, %dma_start3A_62] : memref<10240x128xf32, #tpu.memory_space<vmem_shared>> -> memref<80x128xf32, #tpu.memory_space<vmem_shared>>
      tpu.enqueue_dma source(%arg14 : memref<80x128xf32, #tpu.memory_space<vmem>>) target(%dma_start3A_63 : memref<80x128xf32, #tpu.memory_space<vmem_shared>>) target_semaphore(%run_scoped3A : memref<!tpu.dma_semaphore, #tpu.memory_space<semaphore_mem>>)
      %dma_wait3A = arith.constant 0 : i32
      %dma_wait3A_64 = tpu.memref_slice %arg16[%add3A_22, %dma_wait3A] : memref<10240x128xf32, #tpu.memory_space<vmem_shared>> -> memref<80x128xf32, #tpu.memory_space<vmem_shared>>
      %dma_wait3A_65 = arith.constant 0 : i32
      %dma_wait3A_66 = tpu.memref_slice %arg16[%add3A_22, %dma_wait3A_65] : memref<10240x128xf32, #tpu.memory_space<vmem_shared>> -> memref<80x128xf32, #tpu.memory_space<vmem_shared>>
      tpu.wait_dma2 semaphore(%run_scoped3A : memref<!tpu.dma_semaphore, #tpu.memory_space<semaphore_mem>>) src(%arg14 : memref<80x128xf32, #tpu.memory_space<vmem>>) dst(%dma_wait3A_66 : memref<80x128xf32, #tpu.memory_space<vmem_shared>>)
      tpu.yield
    }) : () -> ()
    %mul3A_23 = arith.constant 640 : i32
    %mul3A_24 = arith.muli %arg1, %mul3A_23 : i32
    %add3A_25 = arith.constant 320 : i32
    %add3A_26 = arith.addi %mul3A_24, %add3A_25 : i32
    "tpu.region"() ({
      %run_scoped3A = tpu.sem_alloc : memref<!tpu.dma_semaphore, #tpu.memory_space<semaphore_mem>>
      %dma_start3A = arith.constant 0 : i32
      %dma_start3A_61 = tpu.memref_slice %arg16[%add3A_26, %dma_start3A] : memref<10240x128xf32, #tpu.memory_space<vmem_shared>> -> memref<80x128xf32, #tpu.memory_space<vmem_shared>>
      %dma_start3A_62 = arith.constant 0 : i32
      %dma_start3A_63 = tpu.memref_slice %arg16[%add3A_26, %dma_start3A_62] : memref<10240x128xf32, #tpu.memory_space<vmem_shared>> -> memref<80x128xf32, #tpu.memory_space<vmem_shared>>
      tpu.enqueue_dma source(%arg14 : memref<80x128xf32, #tpu.memory_space<vmem>>) target(%dma_start3A_63 : memref<80x128xf32, #tpu.memory_space<vmem_shared>>) target_semaphore(%run_scoped3A : memref<!tpu.dma_semaphore, #tpu.memory_space<semaphore_mem>>)
      %dma_wait3A = arith.constant 0 : i32
      %dma_wait3A_64 = tpu.memref_slice %arg16[%add3A_26, %dma_wait3A] : memref<10240x128xf32, #tpu.memory_space<vmem_shared>> -> memref<80x128xf32, #tpu.memory_space<vmem_shared>>
      %dma_wait3A_65 = arith.constant 0 : i32
      %dma_wait3A_66 = tpu.memref_slice %arg16[%add3A_26, %dma_wait3A_65] : memref<10240x128xf32, #tpu.memory_space<vmem_shared>> -> memref<80x128xf32, #tpu.memory_space<vmem_shared>>
      tpu.wait_dma2 semaphore(%run_scoped3A : memref<!tpu.dma_semaphore, #tpu.memory_space<semaphore_mem>>) src(%arg14 : memref<80x128xf32, #tpu.memory_space<vmem>>) dst(%dma_wait3A_66 : memref<80x128xf32, #tpu.memory_space<vmem_shared>>)
      tpu.yield
    }) : () -> ()
    %mul3A_27 = arith.constant 640 : i32
    %mul3A_28 = arith.muli %arg1, %mul3A_27 : i32
    %add3A_29 = arith.constant 400 : i32
    %add3A_30 = arith.addi %mul3A_28, %add3A_29 : i32
    "tpu.region"() ({
      %run_scoped3A = tpu.sem_alloc : memref<!tpu.dma_semaphore, #tpu.memory_space<semaphore_mem>>
      %dma_start3A = arith.constant 0 : i32
      %dma_start3A_61 = tpu.memref_slice %arg16[%add3A_30, %dma_start3A] : memref<10240x128xf32, #tpu.memory_space<vmem_shared>> -> memref<80x128xf32, #tpu.memory_space<vmem_shared>>
      %dma_start3A_62 = arith.constant 0 : i32
      %dma_start3A_63 = tpu.memref_slice %arg16[%add3A_30, %dma_start3A_62] : memref<10240x128xf32, #tpu.memory_space<vmem_shared>> -> memref<80x128xf32, #tpu.memory_space<vmem_shared>>
      tpu.enqueue_dma source(%arg14 : memref<80x128xf32, #tpu.memory_space<vmem>>) target(%dma_start3A_63 : memref<80x128xf32, #tpu.memory_space<vmem_shared>>) target_semaphore(%run_scoped3A : memref<!tpu.dma_semaphore, #tpu.memory_space<semaphore_mem>>)
      %dma_wait3A = arith.constant 0 : i32
      %dma_wait3A_64 = tpu.memref_slice %arg16[%add3A_30, %dma_wait3A] : memref<10240x128xf32, #tpu.memory_space<vmem_shared>> -> memref<80x128xf32, #tpu.memory_space<vmem_shared>>
      %dma_wait3A_65 = arith.constant 0 : i32
      %dma_wait3A_66 = tpu.memref_slice %arg16[%add3A_30, %dma_wait3A_65] : memref<10240x128xf32, #tpu.memory_space<vmem_shared>> -> memref<80x128xf32, #tpu.memory_space<vmem_shared>>
      tpu.wait_dma2 semaphore(%run_scoped3A : memref<!tpu.dma_semaphore, #tpu.memory_space<semaphore_mem>>) src(%arg14 : memref<80x128xf32, #tpu.memory_space<vmem>>) dst(%dma_wait3A_66 : memref<80x128xf32, #tpu.memory_space<vmem_shared>>)
      tpu.yield
    }) : () -> ()
    %mul3A_31 = arith.constant 640 : i32
    %mul3A_32 = arith.muli %arg1, %mul3A_31 : i32
    %add3A_33 = arith.constant 480 : i32
    %add3A_34 = arith.addi %mul3A_32, %add3A_33 : i32
    "tpu.region"() ({
      %run_scoped3A = tpu.sem_alloc : memref<!tpu.dma_semaphore, #tpu.memory_space<semaphore_mem>>
      %dma_start3A = arith.constant 0 : i32
      %dma_start3A_61 = tpu.memref_slice %arg16[%add3A_34, %dma_start3A] : memref<10240x128xf32, #tpu.memory_space<vmem_shared>> -> memref<80x128xf32, #tpu.memory_space<vmem_shared>>
      %dma_start3A_62 = arith.constant 0 : i32
      %dma_start3A_63 = tpu.memref_slice %arg16[%add3A_34, %dma_start3A_62] : memref<10240x128xf32, #tpu.memory_space<vmem_shared>> -> memref<80x128xf32, #tpu.memory_space<vmem_shared>>
      tpu.enqueue_dma source(%arg14 : memref<80x128xf32, #tpu.memory_space<vmem>>) target(%dma_start3A_63 : memref<80x128xf32, #tpu.memory_space<vmem_shared>>) target_semaphore(%run_scoped3A : memref<!tpu.dma_semaphore, #tpu.memory_space<semaphore_mem>>)
      %dma_wait3A = arith.constant 0 : i32
      %dma_wait3A_64 = tpu.memref_slice %arg16[%add3A_34, %dma_wait3A] : memref<10240x128xf32, #tpu.memory_space<vmem_shared>> -> memref<80x128xf32, #tpu.memory_space<vmem_shared>>
      %dma_wait3A_65 = arith.constant 0 : i32
      %dma_wait3A_66 = tpu.memref_slice %arg16[%add3A_34, %dma_wait3A_65] : memref<10240x128xf32, #tpu.memory_space<vmem_shared>> -> memref<80x128xf32, #tpu.memory_space<vmem_shared>>
      tpu.wait_dma2 semaphore(%run_scoped3A : memref<!tpu.dma_semaphore, #tpu.memory_space<semaphore_mem>>) src(%arg14 : memref<80x128xf32, #tpu.memory_space<vmem>>) dst(%dma_wait3A_66 : memref<80x128xf32, #tpu.memory_space<vmem_shared>>)
      tpu.yield
    }) : () -> ()
    %mul3A_35 = arith.constant 640 : i32
    %mul3A_36 = arith.muli %arg1, %mul3A_35 : i32
    %add3A_37 = arith.constant 560 : i32
    %add3A_38 = arith.addi %mul3A_36, %add3A_37 : i32
    "tpu.region"() ({
      %run_scoped3A = tpu.sem_alloc : memref<!tpu.dma_semaphore, #tpu.memory_space<semaphore_mem>>
      %dma_start3A = arith.constant 0 : i32
      %dma_start3A_61 = tpu.memref_slice %arg16[%add3A_38, %dma_start3A] : memref<10240x128xf32, #tpu.memory_space<vmem_shared>> -> memref<80x128xf32, #tpu.memory_space<vmem_shared>>
      %dma_start3A_62 = arith.constant 0 : i32
      %dma_start3A_63 = tpu.memref_slice %arg16[%add3A_38, %dma_start3A_62] : memref<10240x128xf32, #tpu.memory_space<vmem_shared>> -> memref<80x128xf32, #tpu.memory_space<vmem_shared>>
      tpu.enqueue_dma source(%arg14 : memref<80x128xf32, #tpu.memory_space<vmem>>) target(%dma_start3A_63 : memref<80x128xf32, #tpu.memory_space<vmem_shared>>) target_semaphore(%run_scoped3A : memref<!tpu.dma_semaphore, #tpu.memory_space<semaphore_mem>>)
      %dma_wait3A = arith.constant 0 : i32
      %dma_wait3A_64 = tpu.memref_slice %arg16[%add3A_38, %dma_wait3A] : memref<10240x128xf32, #tpu.memory_space<vmem_shared>> -> memref<80x128xf32, #tpu.memory_space<vmem_shared>>
      %dma_wait3A_65 = arith.constant 0 : i32
      %dma_wait3A_66 = tpu.memref_slice %arg16[%add3A_38, %dma_wait3A_65] : memref<10240x128xf32, #tpu.memory_space<vmem_shared>> -> memref<80x128xf32, #tpu.memory_space<vmem_shared>>
      tpu.wait_dma2 semaphore(%run_scoped3A : memref<!tpu.dma_semaphore, #tpu.memory_space<semaphore_mem>>) src(%arg14 : memref<80x128xf32, #tpu.memory_space<vmem>>) dst(%dma_wait3A_66 : memref<80x128xf32, #tpu.memory_space<vmem_shared>>)
      tpu.yield
    }) : () -> ()
    %scan3A_39 = arith.constant 0 : i32
    %scan3A_40 = arith.constant 0 : i32
    %scan3A_41 = arith.constant 640 : i32
    %scan3A_42 = arith.addi %scan3A_40, %scan3A_41 : i32
    %scan3A_43 = arith.constant 1 : i32
    %scan3A_44 = scf.for %scan3A_61 = %scan3A_40 to %scan3A_42 step %scan3A_43 iter_args(%scan3A_62 = %scan3A_39) -> (i32)  : i32 {
      %broadcast_in_dim3A_63 = arith.constant 0.000000e+00 : f32
      %broadcast_in_dim3A_64 = vector.broadcast %broadcast_in_dim3A_63 : f32 to vector<16xf32>
      %mul3A_65 = arith.constant 16 : i32
      %mul3A_66 = arith.muli %scan3A_61, %mul3A_65 : i32
      %swap3A = arith.constant 0 : i32
      %swap3A_67 = arith.index_cast %swap3A : i32 to index
      %swap3A_68 = arith.index_cast %mul3A_66 : i32 to index
      %swap3A_69 = tpu.vector_load %arg15[%swap3A_67, %swap3A_68] {strides = array<i32>} : memref<1x10240xf32, #tpu.memory_space<vmem>>, vector<16xf32>,
      tpu.vector_store %arg15[%swap3A_67, %swap3A_68], %broadcast_in_dim3A_64 {strides = array<i32>} : memref<1x10240xf32, #tpu.memory_space<vmem>>, vector<16xf32>,
      %scan3A_70 = arith.constant 0 : i32
      scf.yield %scan3A_70 : i32
    }
    %scan3A_45 = arith.constant 640 : i32
    "tpu.region"() ({
      %run_scoped3A = tpu.sem_alloc : memref<!tpu.dma_semaphore, #tpu.memory_space<semaphore_mem>>
      tpu.enqueue_dma source(%arg3 : memref<10000xf32, #tpu.memory_space<hbm>>) target(%arg9 : memref<10000xf32, #tpu.memory_space<vmem>>) target_semaphore(%run_scoped3A : memref<!tpu.dma_semaphore, #tpu.memory_space<semaphore_mem>>)
      tpu.wait_dma2 semaphore(%run_scoped3A : memref<!tpu.dma_semaphore, #tpu.memory_space<semaphore_mem>>) src(%arg3 : memref<10000xf32, #tpu.memory_space<hbm>>) dst(%arg9 : memref<10000xf32, #tpu.memory_space<vmem>>)
      tpu.yield
    }) : () -> ()
    "tpu.region"() ({
      %run_scoped3A = tpu.sem_alloc : memref<!tpu.dma_semaphore, #tpu.memory_space<semaphore_mem>>
      tpu.enqueue_dma source(%arg4 : memref<10000xf32, #tpu.memory_space<hbm>>) target(%arg10 : memref<10000xf32, #tpu.memory_space<vmem>>) target_semaphore(%run_scoped3A : memref<!tpu.dma_semaphore, #tpu.memory_space<semaphore_mem>>)
      tpu.wait_dma2 semaphore(%run_scoped3A : memref<!tpu.dma_semaphore, #tpu.memory_space<semaphore_mem>>) src(%arg4 : memref<10000xf32, #tpu.memory_space<hbm>>) dst(%arg10 : memref<10000xf32, #tpu.memory_space<vmem>>)
      tpu.yield
    }) : () -> ()
    %barrier3A = arith.constant 0 : index
    tpu.barrier barrier_id(%barrier3A)
    %mul3A_46 = arith.constant 10000 : i32
    %mul3A_47 = arith.muli %add3A, %mul3A_46 : i32
    %broadcast_in_dim3A = arith.constant 0 : i32
    %broadcast_in_dim3A_48 = vector.broadcast %broadcast_in_dim3A : i32 to vector<16xi32>
    %scan3A_49 = arith.constant 0 : i32
    %scan3A_50 = arith.constant 0 : i32
    %scan3A_51 = arith.constant 125 : i32
    %scan3A_52 = arith.addi %scan3A_50, %scan3A_51 : i32
    %scan3A_53 = arith.constant 1 : i32
    %scan3A_54 = scf.for %scan3A_61 = %scan3A_50 to %scan3A_52 step %scan3A_53 iter_args(%scan3A_62 = %scan3A_49) -> (i32)  : i32 {
      %mul3A_63 = arith.constant 80 : i32
      %mul3A_64 = arith.muli %scan3A_61, %mul3A_63 : i32
      %add3A_65 = arith.addi %mul3A_47, %mul3A_64 : i32
      "tpu.region"() ({
        %run_scoped3A = tpu.sem_alloc : memref<!tpu.dma_semaphore, #tpu.memory_space<semaphore_mem>>
        %dma_start3A_138 = tpu.memref_slice %arg5[%add3A_65] : memref<320000xi32, #tpu.memory_space<hbm>> -> memref<80xi32, #tpu.memory_space<hbm>>
        %dma_start3A_139 = tpu.memref_slice %arg5[%add3A_65] : memref<320000xi32, #tpu.memory_space<hbm>> -> memref<80xi32, #tpu.memory_space<hbm>>
        tpu.enqueue_dma source(%dma_start3A_139 : memref<80xi32, #tpu.memory_space<hbm>>) target(%arg11 : memref<80xi32, #tpu.memory_space<vmem>>) target_semaphore(%run_scoped3A : memref<!tpu.dma_semaphore, #tpu.memory_space<semaphore_mem>>)
        %dma_wait3A_140 = tpu.memref_slice %arg5[%add3A_65] : memref<320000xi32, #tpu.memory_space<hbm>> -> memref<80xi32, #tpu.memory_space<hbm>>
        %dma_wait3A_141 = tpu.memref_slice %arg5[%add3A_65] : memref<320000xi32, #tpu.memory_space<hbm>> -> memref<80xi32, #tpu.memory_space<hbm>>
        tpu.wait_dma2 semaphore(%run_scoped3A : memref<!tpu.dma_semaphore, #tpu.memory_space<semaphore_mem>>) src(%dma_wait3A_141 : memref<80xi32, #tpu.memory_space<hbm>>) dst(%arg11 : memref<80xi32, #tpu.memory_space<vmem>>)
        tpu.yield
      }) : () -> ()
      "tpu.region"() ({
        %run_scoped3A = tpu.sem_alloc : memref<!tpu.dma_semaphore, #tpu.memory_space<semaphore_mem>>
        %dma_start3A_138 = tpu.memref_slice %arg6[%add3A_65] : memref<320000xi32, #tpu.memory_space<hbm>> -> memref<80xi32, #tpu.memory_space<hbm>>
        %dma_start3A_139 = tpu.memref_slice %arg6[%add3A_65] : memref<320000xi32, #tpu.memory_space<hbm>> -> memref<80xi32, #tpu.memory_space<hbm>>
        tpu.enqueue_dma source(%dma_start3A_139 : memref<80xi32, #tpu.memory_space<hbm>>) target(%arg12 : memref<80xi32, #tpu.memory_space<vmem>>) target_semaphore(%run_scoped3A : memref<!tpu.dma_semaphore, #tpu.memory_space<semaphore_mem>>)
        %dma_wait3A_140 = tpu.memref_slice %arg6[%add3A_65] : memref<320000xi32, #tpu.memory_space<hbm>> -> memref<80xi32, #tpu.memory_space<hbm>>
        %dma_wait3A_141 = tpu.memref_slice %arg6[%add3A_65] : memref<320000xi32, #tpu.memory_space<hbm>> -> memref<80xi32, #tpu.memory_space<hbm>>
        tpu.wait_dma2 semaphore(%run_scoped3A : memref<!tpu.dma_semaphore, #tpu.memory_space<semaphore_mem>>) src(%dma_wait3A_141 : memref<80xi32, #tpu.memory_space<hbm>>) dst(%arg12 : memref<80xi32, #tpu.memory_space<vmem>>)
        tpu.yield
      }) : () -> ()
      %dma_start3A = arith.constant 0 : i32
      %dma_start3A_66 = arith.constant 0 : i32
      %dma_start3A_67 = tpu.memref_slice %arg2[%dma_start3A, %dma_start3A_66] : memref<10000x128xf32, #tpu.memory_space<hbm>> -> memref<10000x128xf32, #tpu.memory_space<hbm>>
      tpu.enqueue_indirect_dma source(%dma_start3A_67 : memref<10000x128xf32, #tpu.memory_space<hbm>>) target(%arg14 : memref<80x128xf32, #tpu.memory_space<vmem>>) offsets(%arg11 : memref<80xi32, #tpu.memory_space<vmem>>) semaphore(%arg17 : memref<!tpu.dma_semaphore, #tpu.memory_space<semaphore_mem>>)
      %dma_wait3A = arith.constant 0 : i32
      %dma_wait3A_68 = arith.constant 0 : i32
      %dma_wait3A_69 = tpu.memref_slice %arg2[%dma_wait3A, %dma_wait3A_68] : memref<10000x128xf32, #tpu.memory_space<hbm>> -> memref<10000x128xf32, #tpu.memory_space<hbm>>
      tpu.wait_indirect_dma semaphore(%arg17 : memref<!tpu.dma_semaphore, #tpu.memory_space<semaphore_mem>>) src(%dma_wait3A_69 : memref<10000x128xf32, #tpu.memory_space<hbm>>) dst(%arg14 : memref<80x128xf32, #tpu.memory_space<vmem>>)
      %get3A = arith.constant 0 : index
      %get3A_70 = tpu.vector_load %arg11[%get3A] {strides = array<i32>} : memref<80xi32, #tpu.memory_space<vmem>>, vector<16xi32>,
      %get3A_71 = arith.constant 0 : index
      %get3A_72 = tpu.vector_load %arg12[%get3A_71] {strides = array<i32>} : memref<80xi32, #tpu.memory_space<vmem>>, vector<16xi32>,
      %gather3A = tpu.vector_load_idx %arg9[%get3A_70] : memref<10000xf32, #tpu.memory_space<vmem>>[vector<16xi32>], vector<16xf32>,
      %gather3A_73 = tpu.vector_load_idx %arg10[%get3A_72] : memref<10000xf32, #tpu.memory_space<vmem>>[vector<16xi32>], vector<16xf32>,
      %add3A_74 = arith.addf %gather3A, %gather3A_73 : vector<16xf32>
      %max3A = arith.constant 0.000000e+00 : f32
      %max3A_75 = vector.broadcast %max3A : f32 to vector<16xf32>
      %max3A_76 = arith.maximumf %add3A_74, %max3A_75 : vector<16xf32>
      %exp3A = math.exp %max3A_76 : vector<16xf32>
      %swap3A = arith.constant 0 : index
      %swap3A_77 = tpu.vector_load %arg13[%swap3A] {strides = array<i32>} : memref<80xf32, #tpu.memory_space<vmem>>, vector<16xf32>,
      tpu.vector_store %arg13[%swap3A], %exp3A {strides = array<i32>} : memref<80xf32, #tpu.memory_space<vmem>>, vector<16xf32>,
      tpu.vector_store_idx %arg15[%broadcast_in_dim3A_48, %get3A_72], %exp3A {add = true} : memref<1x10240xf32, #tpu.memory_space<vmem>>[vector<16xi32>, vector<16xi32>], vector<16xf32>,
      %get3A_78 = arith.constant 16 : index
      %get3A_79 = tpu.vector_load %arg11[%get3A_78] {strides = array<i32>} : memref<80xi32, #tpu.memory_space<vmem>>, vector<16xi32>,
      %get3A_80 = arith.constant 16 : index
      %get3A_81 = tpu.vector_load %arg12[%get3A_80] {strides = array<i32>} : memref<80xi32, #tpu.memory_space<vmem>>, vector<16xi32>,
      %gather3A_82 = tpu.vector_load_idx %arg9[%get3A_79] : memref<10000xf32, #tpu.memory_space<vmem>>[vector<16xi32>], vector<16xf32>,
      %gather3A_83 = tpu.vector_load_idx %arg10[%get3A_81] : memref<10000xf32, #tpu.memory_space<vmem>>[vector<16xi32>], vector<16xf32>,
      %add3A_84 = arith.addf %gather3A_82, %gather3A_83 : vector<16xf32>
      %max3A_85 = arith.constant 0.000000e+00 : f32
      %max3A_86 = vector.broadcast %max3A_85 : f32 to vector<16xf32>
      %max3A_87 = arith.maximumf %add3A_84, %max3A_86 : vector<16xf32>
      %exp3A_88 = math.exp %max3A_87 : vector<16xf32>
      %swap3A_89 = arith.constant 16 : index
      %swap3A_90 = tpu.vector_load %arg13[%swap3A_89] {strides = array<i32>} : memref<80xf32, #tpu.memory_space<vmem>>, vector<16xf32>,
      tpu.vector_store %arg13[%swap3A_89], %exp3A_88 {strides = array<i32>} : memref<80xf32, #tpu.memory_space<vmem>>, vector<16xf32>,
      tpu.vector_store_idx %arg15[%broadcast_in_dim3A_48, %get3A_81], %exp3A_88 {add = true} : memref<1x10240xf32, #tpu.memory_space<vmem>>[vector<16xi32>, vector<16xi32>], vector<16xf32>,
      %get3A_91 = arith.constant 32 : index
      %get3A_92 = tpu.vector_load %arg11[%get3A_91] {strides = array<i32>} : memref<80xi32, #tpu.memory_space<vmem>>, vector<16xi32>,
      %get3A_93 = arith.constant 32 : index
      %get3A_94 = tpu.vector_load %arg12[%get3A_93] {strides = array<i32>} : memref<80xi32, #tpu.memory_space<vmem>>, vector<16xi32>,
      %gather3A_95 = tpu.vector_load_idx %arg9[%get3A_92] : memref<10000xf32, #tpu.memory_space<vmem>>[vector<16xi32>], vector<16xf32>,
      %gather3A_96 = tpu.vector_load_idx %arg10[%get3A_94] : memref<10000xf32, #tpu.memory_space<vmem>>[vector<16xi32>], vector<16xf32>,
      %add3A_97 = arith.addf %gather3A_95, %gather3A_96 : vector<16xf32>
      %max3A_98 = arith.constant 0.000000e+00 : f32
      %max3A_99 = vector.broadcast %max3A_98 : f32 to vector<16xf32>
      %max3A_100 = arith.maximumf %add3A_97, %max3A_99 : vector<16xf32>
      %exp3A_101 = math.exp %max3A_100 : vector<16xf32>
      %swap3A_102 = arith.constant 32 : index
      %swap3A_103 = tpu.vector_load %arg13[%swap3A_102] {strides = array<i32>} : memref<80xf32, #tpu.memory_space<vmem>>, vector<16xf32>,
      tpu.vector_store %arg13[%swap3A_102], %exp3A_101 {strides = array<i32>} : memref<80xf32, #tpu.memory_space<vmem>>, vector<16xf32>,
      tpu.vector_store_idx %arg15[%broadcast_in_dim3A_48, %get3A_94], %exp3A_101 {add = true} : memref<1x10240xf32, #tpu.memory_space<vmem>>[vector<16xi32>, vector<16xi32>], vector<16xf32>,
      %get3A_104 = arith.constant 48 : index
      %get3A_105 = tpu.vector_load %arg11[%get3A_104] {strides = array<i32>} : memref<80xi32, #tpu.memory_space<vmem>>, vector<16xi32>,
      %get3A_106 = arith.constant 48 : index
      %get3A_107 = tpu.vector_load %arg12[%get3A_106] {strides = array<i32>} : memref<80xi32, #tpu.memory_space<vmem>>, vector<16xi32>,
      %gather3A_108 = tpu.vector_load_idx %arg9[%get3A_105] : memref<10000xf32, #tpu.memory_space<vmem>>[vector<16xi32>], vector<16xf32>,
      %gather3A_109 = tpu.vector_load_idx %arg10[%get3A_107] : memref<10000xf32, #tpu.memory_space<vmem>>[vector<16xi32>], vector<16xf32>,
      %add3A_110 = arith.addf %gather3A_108, %gather3A_109 : vector<16xf32>
      %max3A_111 = arith.constant 0.000000e+00 : f32
      %max3A_112 = vector.broadcast %max3A_111 : f32 to vector<16xf32>
      %max3A_113 = arith.maximumf %add3A_110, %max3A_112 : vector<16xf32>
      %exp3A_114 = math.exp %max3A_113 : vector<16xf32>
      %swap3A_115 = arith.constant 48 : index
      %swap3A_116 = tpu.vector_load %arg13[%swap3A_115] {strides = array<i32>} : memref<80xf32, #tpu.memory_space<vmem>>, vector<16xf32>,
      tpu.vector_store %arg13[%swap3A_115], %exp3A_114 {strides = array<i32>} : memref<80xf32, #tpu.memory_space<vmem>>, vector<16xf32>,
      tpu.vector_store_idx %arg15[%broadcast_in_dim3A_48, %get3A_107], %exp3A_114 {add = true} : memref<1x10240xf32, #tpu.memory_space<vmem>>[vector<16xi32>, vector<16xi32>], vector<16xf32>,
      %get3A_117 = arith.constant 64 : index
      %get3A_118 = tpu.vector_load %arg11[%get3A_117] {strides = array<i32>} : memref<80xi32, #tpu.memory_space<vmem>>, vector<16xi32>,
      %get3A_119 = arith.constant 64 : index
      %get3A_120 = tpu.vector_load %arg12[%get3A_119] {strides = array<i32>} : memref<80xi32, #tpu.memory_space<vmem>>, vector<16xi32>,
      %gather3A_121 = tpu.vector_load_idx %arg9[%get3A_118] : memref<10000xf32, #tpu.memory_space<vmem>>[vector<16xi32>], vector<16xf32>,
      %gather3A_122 = tpu.vector_load_idx %arg10[%get3A_120] : memref<10000xf32, #tpu.memory_space<vmem>>[vector<16xi32>], vector<16xf32>,
      %add3A_123 = arith.addf %gather3A_121, %gather3A_122 : vector<16xf32>
      %max3A_124 = arith.constant 0.000000e+00 : f32
      %max3A_125 = vector.broadcast %max3A_124 : f32 to vector<16xf32>
      %max3A_126 = arith.maximumf %add3A_123, %max3A_125 : vector<16xf32>
      %exp3A_127 = math.exp %max3A_126 : vector<16xf32>
      %swap3A_128 = arith.constant 64 : index
      %swap3A_129 = tpu.vector_load %arg13[%swap3A_128] {strides = array<i32>} : memref<80xf32, #tpu.memory_space<vmem>>, vector<16xf32>,
      tpu.vector_store %arg13[%swap3A_128], %exp3A_127 {strides = array<i32>} : memref<80xf32, #tpu.memory_space<vmem>>, vector<16xf32>,
      tpu.vector_store_idx %arg15[%broadcast_in_dim3A_48, %get3A_120], %exp3A_127 {add = true} : memref<1x10240xf32, #tpu.memory_space<vmem>>[vector<16xi32>, vector<16xi32>], vector<16xf32>,
      %scan3A_130 = arith.constant 0 : i32
      %scan3A_131 = arith.constant 0 : i32
      %scan3A_132 = arith.constant 5 : i32
      %scan3A_133 = arith.addi %scan3A_131, %scan3A_132 : i32
      %scan3A_134 = arith.constant 1 : i32
      %scan3A_135 = scf.for %scan3A_138 = %scan3A_131 to %scan3A_133 step %scan3A_134 iter_args(%scan3A_139 = %scan3A_130) -> (i32)  : i32 {
        %mul3A_140 = arith.constant 16 : i32
        %mul3A_141 = arith.muli %scan3A_138, %mul3A_140 : i32
        %get3A_142 = arith.index_cast %mul3A_141 : i32 to index
        %get3A_143 = tpu.vector_load %arg13[%get3A_142] {strides = array<i32>} : memref<80xf32, #tpu.memory_space<vmem>>, vector<16xf32>,
        %slice3A = vector.extract_strided_slice %get3A_143 {offsets = [0], sizes = [1], strides = [1]} : vector<16xf32> to vector<1xf32>
        %squeeze3A = vector.extract %slice3A[0] : f32 from vector<1xf32>
        %mul3A_144 = arith.constant 16 : i32
        %mul3A_145 = arith.muli %scan3A_138, %mul3A_144 : i32
        %add3A_146 = arith.constant 0 : i32
        %add3A_147 = arith.addi %mul3A_145, %add3A_146 : i32
        %get3A_148 = arith.index_cast %add3A_147 : i32 to index
        %get3A_149 = arith.constant 0 : index
        %get3A_150 = tpu.vector_load %arg14[%get3A_148, %get3A_149] {strides = array<i32>} : memref<80x128xf32, #tpu.memory_space<vmem>>, vector<16xf32>,
        %mul3A_151 = vector.broadcast %squeeze3A : f32 to vector<16xf32>
        %mul3A_152 = arith.mulf %get3A_150, %mul3A_151 : vector<16xf32>
        %swap3A_153 = arith.index_cast %add3A_147 : i32 to index
        %swap3A_154 = arith.constant 0 : index
        %swap3A_155 = tpu.vector_load %arg14[%swap3A_153, %swap3A_154] {strides = array<i32>} : memref<80x128xf32, #tpu.memory_space<vmem>>, vector<16xf32>,
        tpu.vector_store %arg14[%swap3A_153, %swap3A_154], %mul3A_152 {strides = array<i32>} : memref<80x128xf32, #tpu.memory_space<vmem>>, vector<16xf32>,
        %get3A_156 = arith.index_cast %add3A_147 : i32 to index
        %get3A_157 = arith.constant 16 : index
        %get3A_158 = tpu.vector_load %arg14[%get3A_156, %get3A_157] {strides = array<i32>} : memref<80x128xf32, #tpu.memory_space<vmem>>, vector<16xf32>,
        %mul3A_159 = vector.broadcast %squeeze3A : f32 to vector<16xf32>
        %mul3A_160 = arith.mulf %get3A_158, %mul3A_159 : vector<16xf32>
        %swap3A_161 = arith.index_cast %add3A_147 : i32 to index
        %swap3A_162 = arith.constant 16 : index
        %swap3A_163 = tpu.vector_load %arg14[%swap3A_161, %swap3A_162] {strides = array<i32>} : memref<80x128xf32, #tpu.memory_space<vmem>>, vector<16xf32>,
        tpu.vector_store %arg14[%swap3A_161, %swap3A_162], %mul3A_160 {strides = array<i32>} : memref<80x128xf32, #tpu.memory_space<vmem>>, vector<16xf32>,
        %get3A_164 = arith.index_cast %add3A_147 : i32 to index
        %get3A_165 = arith.constant 32 : index
        %get3A_166 = tpu.vector_load %arg14[%get3A_164, %get3A_165] {strides = array<i32>} : memref<80x128xf32, #tpu.memory_space<vmem>>, vector<16xf32>,
        %mul3A_167 = vector.broadcast %squeeze3A : f32 to vector<16xf32>
        %mul3A_168 = arith.mulf %get3A_166, %mul3A_167 : vector<16xf32>
        %swap3A_169 = arith.index_cast %add3A_147 : i32 to index
        %swap3A_170 = arith.constant 32 : index
        %swap3A_171 = tpu.vector_load %arg14[%swap3A_169, %swap3A_170] {strides = array<i32>} : memref<80x128xf32, #tpu.memory_space<vmem>>, vector<16xf32>,
        tpu.vector_store %arg14[%swap3A_169, %swap3A_170], %mul3A_168 {strides = array<i32>} : memref<80x128xf32, #tpu.memory_space<vmem>>, vector<16xf32>,
        %get3A_172 = arith.index_cast %add3A_147 : i32 to index
        %get3A_173 = arith.constant 48 : index
        %get3A_174 = tpu.vector_load %arg14[%get3A_172, %get3A_173] {strides = array<i32>} : memref<80x128xf32, #tpu.memory_space<vmem>>, vector<16xf32>,
        %mul3A_175 = vector.broadcast %squeeze3A : f32 to vector<16xf32>
        %mul3A_176 = arith.mulf %get3A_174, %mul3A_175 : vector<16xf32>
        %swap3A_177 = arith.index_cast %add3A_147 : i32 to index
        %swap3A_178 = arith.constant 48 : index
        %swap3A_179 = tpu.vector_load %arg14[%swap3A_177, %swap3A_178] {strides = array<i32>} : memref<80x128xf32, #tpu.memory_space<vmem>>, vector<16xf32>,
        tpu.vector_store %arg14[%swap3A_177, %swap3A_178], %mul3A_176 {strides = array<i32>} : memref<80x128xf32, #tpu.memory_space<vmem>>, vector<16xf32>,
        %get3A_180 = arith.index_cast %add3A_147 : i32 to index
        %get3A_181 = arith.constant 64 : index
        %get3A_182 = tpu.vector_load %arg14[%get3A_180, %get3A_181] {strides = array<i32>} : memref<80x128xf32, #tpu.memory_space<vmem>>, vector<16xf32>,
        %mul3A_183 = vector.broadcast %squeeze3A : f32 to vector<16xf32>
        %mul3A_184 = arith.mulf %get3A_182, %mul3A_183 : vector<16xf32>
        %swap3A_185 = arith.index_cast %add3A_147 : i32 to index
        %swap3A_186 = arith.constant 64 : index
        %swap3A_187 = tpu.vector_load %arg14[%swap3A_185, %swap3A_186] {strides = array<i32>} : memref<80x128xf32, #tpu.memory_space<vmem>>, vector<16xf32>,
        tpu.vector_store %arg14[%swap3A_185, %swap3A_186], %mul3A_184 {strides = array<i32>} : memref<80x128xf32, #tpu.memory_space<vmem>>, vector<16xf32>,
        %get3A_188 = arith.index_cast %add3A_147 : i32 to index
        %get3A_189 = arith.constant 80 : index
        %get3A_190 = tpu.vector_load %arg14[%get3A_188, %get3A_189] {strides = array<i32>} : memref<80x128xf32, #tpu.memory_space<vmem>>, vector<16xf32>,
        %mul3A_191 = vector.broadcast %squeeze3A : f32 to vector<16xf32>
        %mul3A_192 = arith.mulf %get3A_190, %mul3A_191 : vector<16xf32>
        %swap3A_193 = arith.index_cast %add3A_147 : i32 to index
        %swap3A_194 = arith.constant 80 : index
        %swap3A_195 = tpu.vector_load %arg14[%swap3A_193, %swap3A_194] {strides = array<i32>} : memref<80x128xf32, #tpu.memory_space<vmem>>, vector<16xf32>,
        tpu.vector_store %arg14[%swap3A_193, %swap3A_194], %mul3A_192 {strides = array<i32>} : memref<80x128xf32, #tpu.memory_space<vmem>>, vector<16xf32>,
        %get3A_196 = arith.index_cast %add3A_147 : i32 to index
        %get3A_197 = arith.constant 96 : index
        %get3A_198 = tpu.vector_load %arg14[%get3A_196, %get3A_197] {strides = array<i32>} : memref<80x128xf32, #tpu.memory_space<vmem>>, vector<16xf32>,
        %mul3A_199 = vector.broadcast %squeeze3A : f32 to vector<16xf32>
        %mul3A_200 = arith.mulf %get3A_198, %mul3A_199 : vector<16xf32>
        %swap3A_201 = arith.index_cast %add3A_147 : i32 to index
        %swap3A_202 = arith.constant 96 : index
        %swap3A_203 = tpu.vector_load %arg14[%swap3A_201, %swap3A_202] {strides = array<i32>} : memref<80x128xf32, #tpu.memory_space<vmem>>, vector<16xf32>,
        tpu.vector_store %arg14[%swap3A_201, %swap3A_202], %mul3A_200 {strides = array<i32>} : memref<80x128xf32, #tpu.memory_space<vmem>>, vector<16xf32>,
        %get3A_204 = arith.index_cast %add3A_147 : i32 to index
        %get3A_205 = arith.constant 112 : index
        %get3A_206 = tpu.vector_load %arg14[%get3A_204, %get3A_205] {strides = array<i32>} : memref<80x128xf32, #tpu.memory_space<vmem>>, vector<16xf32>,
        %mul3A_207 = vector.broadcast %squeeze3A : f32 to vector<16xf32>
        %mul3A_208 = arith.mulf %get3A_206, %mul3A_207 : vector<16xf32>
        %swap3A_209 = arith.index_cast %add3A_147 : i32 to index
        %swap3A_210 = arith.constant 112 : index
        %swap3A_211 = tpu.vector_load %arg14[%swap3A_209, %swap3A_210] {strides = array<i32>} : memref<80x128xf32, #tpu.memory_space<vmem>>, vector<16xf32>,
        tpu.vector_store %arg14[%swap3A_209, %swap3A_210], %mul3A_208 {strides = array<i32>} : memref<80x128xf32, #tpu.memory_space<vmem>>, vector<16xf32>,
        %slice3A_212 = vector.extract_strided_slice %get3A_143 {offsets = [1], sizes = [1], strides = [1]} : vector<16xf32> to vector<1xf32>
        %squeeze3A_213 = vector.extract %slice3A_212[0] : f32 from vector<1xf32>
        %mul3A_214 = arith.constant 16 : i32
        %mul3A_215 = arith.muli %scan3A_138, %mul3A_214 : i32
        %add3A_216 = arith.constant 1 : i32
        %add3A_217 = arith.addi %mul3A_215, %add3A_216 : i32
        %get3A_218 = arith.index_cast %add3A_217 : i32 to index
        %get3A_219 = arith.constant 0 : index
        %get3A_220 = tpu.vector_load %arg14[%get3A_218, %get3A_219] {strides = array<i32>} : memref<80x128xf32, #tpu.memory_space<vmem>>, vector<16xf32>,
        %mul3A_221 = vector.broadcast %squeeze3A_213 : f32 to vector<16xf32>
        %mul3A_222 = arith.mulf %get3A_220, %mul3A_221 : vector<16xf32>
        %swap3A_223 = arith.index_cast %add3A_217 : i32 to index
        %swap3A_224 = arith.constant 0 : index
        %swap3A_225 = tpu.vector_load %arg14[%swap3A_223, %swap3A_224] {strides = array<i32>} : memref<80x128xf32, #tpu.memory_space<vmem>>, vector<16xf32>,
        tpu.vector_store %arg14[%swap3A_223, %swap3A_224], %mul3A_222 {strides = array<i32>} : memref<80x128xf32, #tpu.memory_space<vmem>>, vector<16xf32>,
        %get3A_226 = arith.index_cast %add3A_217 : i32 to index
        %get3A_227 = arith.constant 16 : index
        %get3A_228 = tpu.vector_load %arg14[%get3A_226, %get3A_227] {strides = array<i32>} : memref<80x128xf32, #tpu.memory_space<vmem>>, vector<16xf32>,
        %mul3A_229 = vector.broadcast %squeeze3A_213 : f32 to vector<16xf32>
        %mul3A_230 = arith.mulf %get3A_228, %mul3A_229 : vector<16xf32>
        %swap3A_231 = arith.index_cast %add3A_217 : i32 to index
        %swap3A_232 = arith.constant 16 : index
        %swap3A_233 = tpu.vector_load %arg14[%swap3A_231, %swap3A_232] {strides = array<i32>} : memref<80x128xf32, #tpu.memory_space<vmem>>, vector<16xf32>,
        tpu.vector_store %arg14[%swap3A_231, %swap3A_232], %mul3A_230 {strides = array<i32>} : memref<80x128xf32, #tpu.memory_space<vmem>>, vector<16xf32>,
        %get3A_234 = arith.index_cast %add3A_217 : i32 to index
        %get3A_235 = arith.constant 32 : index
        %get3A_236 = tpu.vector_load %arg14[%get3A_234, %get3A_235] {strides = array<i32>} : memref<80x128xf32, #tpu.memory_space<vmem>>, vector<16xf32>,
        %mul3A_237 = vector.broadcast %squeeze3A_213 : f32 to vector<16xf32>
        %mul3A_238 = arith.mulf %get3A_236, %mul3A_237 : vector<16xf32>
        %swap3A_239 = arith.index_cast %add3A_217 : i32 to index
        %swap3A_240 = arith.constant 32 : index
        %swap3A_241 = tpu.vector_load %arg14[%swap3A_239, %swap3A_240] {strides = array<i32>} : memref<80x128xf32, #tpu.memory_space<vmem>>, vector<16xf32>,
        tpu.vector_store %arg14[%swap3A_239, %swap3A_240], %mul3A_238 {strides = array<i32>} : memref<80x128xf32, #tpu.memory_space<vmem>>, vector<16xf32>,
        %get3A_242 = arith.index_cast %add3A_217 : i32 to index
        %get3A_243 = arith.constant 48 : index
        %get3A_244 = tpu.vector_load %arg14[%get3A_242, %get3A_243] {strides = array<i32>} : memref<80x128xf32, #tpu.memory_space<vmem>>, vector<16xf32>,
        %mul3A_245 = vector.broadcast %squeeze3A_213 : f32 to vector<16xf32>
        %mul3A_246 = arith.mulf %get3A_244, %mul3A_245 : vector<16xf32>
        %swap3A_247 = arith.index_cast %add3A_217 : i32 to index
        %swap3A_248 = arith.constant 48 : index
        %swap3A_249 = tpu.vector_load %arg14[%swap3A_247, %swap3A_248] {strides = array<i32>} : memref<80x128xf32, #tpu.memory_space<vmem>>, vector<16xf32>,
        tpu.vector_store %arg14[%swap3A_247, %swap3A_248], %mul3A_246 {strides = array<i32>} : memref<80x128xf32, #tpu.memory_space<vmem>>, vector<16xf32>,
        %get3A_250 = arith.index_cast %add3A_217 : i32 to index
        %get3A_251 = arith.constant 64 : index
        %get3A_252 = tpu.vector_load %arg14[%get3A_250, %get3A_251] {strides = array<i32>} : memref<80x128xf32, #tpu.memory_space<vmem>>, vector<16xf32>,
        %mul3A_253 = vector.broadcast %squeeze3A_213 : f32 to vector<16xf32>
        %mul3A_254 = arith.mulf %get3A_252, %mul3A_253 : vector<16xf32>
        %swap3A_255 = arith.index_cast %add3A_217 : i32 to index
        %swap3A_256 = arith.constant 64 : index
        %swap3A_257 = tpu.vector_load %arg14[%swap3A_255, %swap3A_256] {strides = array<i32>} : memref<80x128xf32, #tpu.memory_space<vmem>>, vector<16xf32>,
        tpu.vector_store %arg14[%swap3A_255, %swap3A_256], %mul3A_254 {strides = array<i32>} : memref<80x128xf32, #tpu.memory_space<vmem>>, vector<16xf32>,
        %get3A_258 = arith.index_cast %add3A_217 : i32 to index
        %get3A_259 = arith.constant 80 : index
        %get3A_260 = tpu.vector_load %arg14[%get3A_258, %get3A_259] {strides = array<i32>} : memref<80x128xf32, #tpu.memory_space<vmem>>, vector<16xf32>,
        %mul3A_261 = vector.broadcast %squeeze3A_213 : f32 to vector<16xf32>
        %mul3A_262 = arith.mulf %get3A_260, %mul3A_261 : vector<16xf32>
        %swap3A_263 = arith.index_cast %add3A_217 : i32 to index
        %swap3A_264 = arith.constant 80 : index
        %swap3A_265 = tpu.vector_load %arg14[%swap3A_263, %swap3A_264] {strides = array<i32>} : memref<80x128xf32, #tpu.memory_space<vmem>>, vector<16xf32>,
        tpu.vector_store %arg14[%swap3A_263, %swap3A_264], %mul3A_262 {strides = array<i32>} : memref<80x128xf32, #tpu.memory_space<vmem>>, vector<16xf32>,
        %get3A_266 = arith.index_cast %add3A_217 : i32 to index
        %get3A_267 = arith.constant 96 : index
        %get3A_268 = tpu.vector_load %arg14[%get3A_266, %get3A_267] {strides = array<i32>} : memref<80x128xf32, #tpu.memory_space<vmem>>, vector<16xf32>,
        %mul3A_269 = vector.broadcast %squeeze3A_213 : f32 to vector<16xf32>
        %mul3A_270 = arith.mulf %get3A_268, %mul3A_269 : vector<16xf32>
        %swap3A_271 = arith.index_cast %add3A_217 : i32 to index
        %swap3A_272 = arith.constant 96 : index
        %swap3A_273 = tpu.vector_load %arg14[%swap3A_271, %swap3A_272] {strides = array<i32>} : memref<80x128xf32, #tpu.memory_space<vmem>>, vector<16xf32>,
        tpu.vector_store %arg14[%swap3A_271, %swap3A_272], %mul3A_270 {strides = array<i32>} : memref<80x128xf32, #tpu.memory_space<vmem>>, vector<16xf32>,
        %get3A_274 = arith.index_cast %add3A_217 : i32 to index
        %get3A_275 = arith.constant 112 : index
        %get3A_276 = tpu.vector_load %arg14[%get3A_274, %get3A_275] {strides = array<i32>} : memref<80x128xf32, #tpu.memory_space<vmem>>, vector<16xf32>,
        %mul3A_277 = vector.broadcast %squeeze3A_213 : f32 to vector<16xf32>
        %mul3A_278 = arith.mulf %get3A_276, %mul3A_277 : vector<16xf32>
        %swap3A_279 = arith.index_cast %add3A_217 : i32 to index
        %swap3A_280 = arith.constant 112 : index
        %swap3A_281 = tpu.vector_load %arg14[%swap3A_279, %swap3A_280] {strides = array<i32>} : memref<80x128xf32, #tpu.memory_space<vmem>>, vector<16xf32>,
        tpu.vector_store %arg14[%swap3A_279, %swap3A_280], %mul3A_278 {strides = array<i32>} : memref<80x128xf32, #tpu.memory_space<vmem>>, vector<16xf32>,
        %slice3A_282 = vector.extract_strided_slice %get3A_143 {offsets = [2], sizes = [1], strides = [1]} : vector<16xf32> to vector<1xf32>
        %squeeze3A_283 = vector.extract %slice3A_282[0] : f32 from vector<1xf32>
        %mul3A_284 = arith.constant 16 : i32
        %mul3A_285 = arith.muli %scan3A_138, %mul3A_284 : i32
        %add3A_286 = arith.constant 2 : i32
        %add3A_287 = arith.addi %mul3A_285, %add3A_286 : i32
        %get3A_288 = arith.index_cast %add3A_287 : i32 to index
        %get3A_289 = arith.constant 0 : index
        %get3A_290 = tpu.vector_load %arg14[%get3A_288, %get3A_289] {strides = array<i32>} : memref<80x128xf32, #tpu.memory_space<vmem>>, vector<16xf32>,
        %mul3A_291 = vector.broadcast %squeeze3A_283 : f32 to vector<16xf32>
        %mul3A_292 = arith.mulf %get3A_290, %mul3A_291 : vector<16xf32>
        %swap3A_293 = arith.index_cast %add3A_287 : i32 to index
        %swap3A_294 = arith.constant 0 : index
        %swap3A_295 = tpu.vector_load %arg14[%swap3A_293, %swap3A_294] {strides = array<i32>} : memref<80x128xf32, #tpu.memory_space<vmem>>, vector<16xf32>,
        tpu.vector_store %arg14[%swap3A_293, %swap3A_294], %mul3A_292 {strides = array<i32>} : memref<80x128xf32, #tpu.memory_space<vmem>>, vector<16xf32>,
        %get3A_296 = arith.index_cast %add3A_287 : i32 to index
        %get3A_297 = arith.constant 16 : index
        %get3A_298 = tpu.vector_load %arg14[%get3A_296, %get3A_297] {strides = array<i32>} : memref<80x128xf32, #tpu.memory_space<vmem>>, vector<16xf32>,
        %mul3A_299 = vector.broadcast %squeeze3A_283 : f32 to vector<16xf32>
        %mul3A_300 = arith.mulf %get3A_298, %mul3A_299 : vector<16xf32>
        %swap3A_301 = arith.index_cast %add3A_287 : i32 to index
        %swap3A_302 = arith.constant 16 : index
        %swap3A_303 = tpu.vector_load %arg14[%swap3A_301, %swap3A_302] {strides = array<i32>} : memref<80x128xf32, #tpu.memory_space<vmem>>, vector<16xf32>,
        tpu.vector_store %arg14[%swap3A_301, %swap3A_302], %mul3A_300 {strides = array<i32>} : memref<80x128xf32, #tpu.memory_space<vmem>>, vector<16xf32>,
        %get3A_304 = arith.index_cast %add3A_287 : i32 to index
        %get3A_305 = arith.constant 32 : index
        %get3A_306 = tpu.vector_load %arg14[%get3A_304, %get3A_305] {strides = array<i32>} : memref<80x128xf32, #tpu.memory_space<vmem>>, vector<16xf32>,
        %mul3A_307 = vector.broadcast %squeeze3A_283 : f32 to vector<16xf32>
        %mul3A_308 = arith.mulf %get3A_306, %mul3A_307 : vector<16xf32>
        %swap3A_309 = arith.index_cast %add3A_287 : i32 to index
        %swap3A_310 = arith.constant 32 : index
        %swap3A_311 = tpu.vector_load %arg14[%swap3A_309, %swap3A_310] {strides = array<i32>} : memref<80x128xf32, #tpu.memory_space<vmem>>, vector<16xf32>,
        tpu.vector_store %arg14[%swap3A_309, %swap3A_310], %mul3A_308 {strides = array<i32>} : memref<80x128xf32, #tpu.memory_space<vmem>>, vector<16xf32>,
        %get3A_312 = arith.index_cast %add3A_287 : i32 to index
        %get3A_313 = arith.constant 48 : index
        %get3A_314 = tpu.vector_load %arg14[%get3A_312, %get3A_313] {strides = array<i32>} : memref<80x128xf32, #tpu.memory_space<vmem>>, vector<16xf32>,
        %mul3A_315 = vector.broadcast %squeeze3A_283 : f32 to vector<16xf32>
        %mul3A_316 = arith.mulf %get3A_314, %mul3A_315 : vector<16xf32>
        %swap3A_317 = arith.index_cast %add3A_287 : i32 to index
        %swap3A_318 = arith.constant 48 : index
        %swap3A_319 = tpu.vector_load %arg14[%swap3A_317, %swap3A_318] {strides = array<i32>} : memref<80x128xf32, #tpu.memory_space<vmem>>, vector<16xf32>,
        tpu.vector_store %arg14[%swap3A_317, %swap3A_318], %mul3A_316 {strides = array<i32>} : memref<80x128xf32, #tpu.memory_space<vmem>>, vector<16xf32>,
        %get3A_320 = arith.index_cast %add3A_287 : i32 to index
        %get3A_321 = arith.constant 64 : index
        %get3A_322 = tpu.vector_load %arg14[%get3A_320, %get3A_321] {strides = array<i32>} : memref<80x128xf32, #tpu.memory_space<vmem>>, vector<16xf32>,
        %mul3A_323 = vector.broadcast %squeeze3A_283 : f32 to vector<16xf32>
        %mul3A_324 = arith.mulf %get3A_322, %mul3A_323 : vector<16xf32>
        %swap3A_325 = arith.index_cast %add3A_287 : i32 to index
        %swap3A_326 = arith.constant 64 : index
        %swap3A_327 = tpu.vector_load %arg14[%swap3A_325, %swap3A_326] {strides = array<i32>} : memref<80x128xf32, #tpu.memory_space<vmem>>, vector<16xf32>,
        tpu.vector_store %arg14[%swap3A_325, %swap3A_326], %mul3A_324 {strides = array<i32>} : memref<80x128xf32, #tpu.memory_space<vmem>>, vector<16xf32>,
        %get3A_328 = arith.index_cast %add3A_287 : i32 to index
        %get3A_329 = arith.constant 80 : index
        %get3A_330 = tpu.vector_load %arg14[%get3A_328, %get3A_329] {strides = array<i32>} : memref<80x128xf32, #tpu.memory_space<vmem>>, vector<16xf32>,
        %mul3A_331 = vector.broadcast %squeeze3A_283 : f32 to vector<16xf32>
        %mul3A_332 = arith.mulf %get3A_330, %mul3A_331 : vector<16xf32>
        %swap3A_333 = arith.index_cast %add3A_287 : i32 to index
        %swap3A_334 = arith.constant 80 : index
        %swap3A_335 = tpu.vector_load %arg14[%swap3A_333, %swap3A_334] {strides = array<i32>} : memref<80x128xf32, #tpu.memory_space<vmem>>, vector<16xf32>,
        tpu.vector_store %arg14[%swap3A_333, %swap3A_334], %mul3A_332 {strides = array<i32>} : memref<80x128xf32, #tpu.memory_space<vmem>>, vector<16xf32>,
        %get3A_336 = arith.index_cast %add3A_287 : i32 to index
        %get3A_337 = arith.constant 96 : index
        %get3A_338 = tpu.vector_load %arg14[%get3A_336, %get3A_337] {strides = array<i32>} : memref<80x128xf32, #tpu.memory_space<vmem>>, vector<16xf32>,
        %mul3A_339 = vector.broadcast %squeeze3A_283 : f32 to vector<16xf32>
        %mul3A_340 = arith.mulf %get3A_338, %mul3A_339 : vector<16xf32>
        %swap3A_341 = arith.index_cast %add3A_287 : i32 to index
        %swap3A_342 = arith.constant 96 : index
        %swap3A_343 = tpu.vector_load %arg14[%swap3A_341, %swap3A_342] {strides = array<i32>} : memref<80x128xf32, #tpu.memory_space<vmem>>, vector<16xf32>,
        tpu.vector_store %arg14[%swap3A_341, %swap3A_342], %mul3A_340 {strides = array<i32>} : memref<80x128xf32, #tpu.memory_space<vmem>>, vector<16xf32>,
        %get3A_344 = arith.index_cast %add3A_287 : i32 to index
        %get3A_345 = arith.constant 112 : index
        %get3A_346 = tpu.vector_load %arg14[%get3A_344, %get3A_345] {strides = array<i32>} : memref<80x128xf32, #tpu.memory_space<vmem>>, vector<16xf32>,
        %mul3A_347 = vector.broadcast %squeeze3A_283 : f32 to vector<16xf32>
        %mul3A_348 = arith.mulf %get3A_346, %mul3A_347 : vector<16xf32>
        %swap3A_349 = arith.index_cast %add3A_287 : i32 to index
        %swap3A_350 = arith.constant 112 : index
        %swap3A_351 = tpu.vector_load %arg14[%swap3A_349, %swap3A_350] {strides = array<i32>} : memref<80x128xf32, #tpu.memory_space<vmem>>, vector<16xf32>,
        tpu.vector_store %arg14[%swap3A_349, %swap3A_350], %mul3A_348 {strides = array<i32>} : memref<80x128xf32, #tpu.memory_space<vmem>>, vector<16xf32>,
        %slice3A_352 = vector.extract_strided_slice %get3A_143 {offsets = [3], sizes = [1], strides = [1]} : vector<16xf32> to vector<1xf32>
        %squeeze3A_353 = vector.extract %slice3A_352[0] : f32 from vector<1xf32>
        %mul3A_354 = arith.constant 16 : i32
        %mul3A_355 = arith.muli %scan3A_138, %mul3A_354 : i32
        %add3A_356 = arith.constant 3 : i32
        %add3A_357 = arith.addi %mul3A_355, %add3A_356 : i32
        %get3A_358 = arith.index_cast %add3A_357 : i32 to index
        %get3A_359 = arith.constant 0 : index
        %get3A_360 = tpu.vector_load %arg14[%get3A_358, %get3A_359] {strides = array<i32>} : memref<80x128xf32, #tpu.memory_space<vmem>>, vector<16xf32>,
        %mul3A_361 = vector.broadcast %squeeze3A_353 : f32 to vector<16xf32>
        %mul3A_362 = arith.mulf %get3A_360, %mul3A_361 : vector<16xf32>
        %swap3A_363 = arith.index_cast %add3A_357 : i32 to index
        %swap3A_364 = arith.constant 0 : index
        %swap3A_365 = tpu.vector_load %arg14[%swap3A_363, %swap3A_364] {strides = array<i32>} : memref<80x128xf32, #tpu.memory_space<vmem>>, vector<16xf32>,
        tpu.vector_store %arg14[%swap3A_363, %swap3A_364], %mul3A_362 {strides = array<i32>} : memref<80x128xf32, #tpu.memory_space<vmem>>, vector<16xf32>,
        %get3A_366 = arith.index_cast %add3A_357 : i32 to index
        %get3A_367 = arith.constant 16 : index
        %get3A_368 = tpu.vector_load %arg14[%get3A_366, %get3A_367] {strides = array<i32>} : memref<80x128xf32, #tpu.memory_space<vmem>>, vector<16xf32>,
        %mul3A_369 = vector.broadcast %squeeze3A_353 : f32 to vector<16xf32>
        %mul3A_370 = arith.mulf %get3A_368, %mul3A_369 : vector<16xf32>
        %swap3A_371 = arith.index_cast %add3A_357 : i32 to index
        %swap3A_372 = arith.constant 16 : index
        %swap3A_373 = tpu.vector_load %arg14[%swap3A_371, %swap3A_372] {strides = array<i32>} : memref<80x128xf32, #tpu.memory_space<vmem>>, vector<16xf32>,
        tpu.vector_store %arg14[%swap3A_371, %swap3A_372], %mul3A_370 {strides = array<i32>} : memref<80x128xf32, #tpu.memory_space<vmem>>, vector<16xf32>,
        %get3A_374 = arith.index_cast %add3A_357 : i32 to index
        %get3A_375 = arith.constant 32 : index
        %get3A_376 = tpu.vector_load %arg14[%get3A_374, %get3A_375] {strides = array<i32>} : memref<80x128xf32, #tpu.memory_space<vmem>>, vector<16xf32>,
        %mul3A_377 = vector.broadcast %squeeze3A_353 : f32 to vector<16xf32>
        %mul3A_378 = arith.mulf %get3A_376, %mul3A_377 : vector<16xf32>
        %swap3A_379 = arith.index_cast %add3A_357 : i32 to index
        %swap3A_380 = arith.constant 32 : index
        %swap3A_381 = tpu.vector_load %arg14[%swap3A_379, %swap3A_380] {strides = array<i32>} : memref<80x128xf32, #tpu.memory_space<vmem>>, vector<16xf32>,
        tpu.vector_store %arg14[%swap3A_379, %swap3A_380], %mul3A_378 {strides = array<i32>} : memref<80x128xf32, #tpu.memory_space<vmem>>, vector<16xf32>,
        %get3A_382 = arith.index_cast %add3A_357 : i32 to index
        %get3A_383 = arith.constant 48 : index
        %get3A_384 = tpu.vector_load %arg14[%get3A_382, %get3A_383] {strides = array<i32>} : memref<80x128xf32, #tpu.memory_space<vmem>>, vector<16xf32>,
        %mul3A_385 = vector.broadcast %squeeze3A_353 : f32 to vector<16xf32>
        %mul3A_386 = arith.mulf %get3A_384, %mul3A_385 : vector<16xf32>
        %swap3A_387 = arith.index_cast %add3A_357 : i32 to index
        %swap3A_388 = arith.constant 48 : index
        %swap3A_389 = tpu.vector_load %arg14[%swap3A_387, %swap3A_388] {strides = array<i32>} : memref<80x128xf32, #tpu.memory_space<vmem>>, vector<16xf32>,
        tpu.vector_store %arg14[%swap3A_387, %swap3A_388], %mul3A_386 {strides = array<i32>} : memref<80x128xf32, #tpu.memory_space<vmem>>, vector<16xf32>,
        %get3A_390 = arith.index_cast %add3A_357 : i32 to index
        %get3A_391 = arith.constant 64 : index
        %get3A_392 = tpu.vector_load %arg14[%get3A_390, %get3A_391] {strides = array<i32>} : memref<80x128xf32, #tpu.memory_space<vmem>>, vector<16xf32>,
        %mul3A_393 = vector.broadcast %squeeze3A_353 : f32 to vector<16xf32>
        %mul3A_394 = arith.mulf %get3A_392, %mul3A_393 : vector<16xf32>
        %swap3A_395 = arith.index_cast %add3A_357 : i32 to index
        %swap3A_396 = arith.constant 64 : index
        %swap3A_397 = tpu.vector_load %arg14[%swap3A_395, %swap3A_396] {strides = array<i32>} : memref<80x128xf32, #tpu.memory_space<vmem>>, vector<16xf32>,
        tpu.vector_store %arg14[%swap3A_395, %swap3A_396], %mul3A_394 {strides = array<i32>} : memref<80x128xf32, #tpu.memory_space<vmem>>, vector<16xf32>,
        %get3A_398 = arith.index_cast %add3A_357 : i32 to index
        %get3A_399 = arith.constant 80 : index
        %get3A_400 = tpu.vector_load %arg14[%get3A_398, %get3A_399] {strides = array<i32>} : memref<80x128xf32, #tpu.memory_space<vmem>>, vector<16xf32>,
        %mul3A_401 = vector.broadcast %squeeze3A_353 : f32 to vector<16xf32>
        %mul3A_402 = arith.mulf %get3A_400, %mul3A_401 : vector<16xf32>
        %swap3A_403 = arith.index_cast %add3A_357 : i32 to index
        %swap3A_404 = arith.constant 80 : index
        %swap3A_405 = tpu.vector_load %arg14[%swap3A_403, %swap3A_404] {strides = array<i32>} : memref<80x128xf32, #tpu.memory_space<vmem>>, vector<16xf32>,
        tpu.vector_store %arg14[%swap3A_403, %swap3A_404], %mul3A_402 {strides = array<i32>} : memref<80x128xf32, #tpu.memory_space<vmem>>, vector<16xf32>,
        %get3A_406 = arith.index_cast %add3A_357 : i32 to index
        %get3A_407 = arith.constant 96 : index
        %get3A_408 = tpu.vector_load %arg14[%get3A_406, %get3A_407] {strides = array<i32>} : memref<80x128xf32, #tpu.memory_space<vmem>>, vector<16xf32>,
        %mul3A_409 = vector.broadcast %squeeze3A_353 : f32 to vector<16xf32>
        %mul3A_410 = arith.mulf %get3A_408, %mul3A_409 : vector<16xf32>
        %swap3A_411 = arith.index_cast %add3A_357 : i32 to index
        %swap3A_412 = arith.constant 96 : index
        %swap3A_413 = tpu.vector_load %arg14[%swap3A_411, %swap3A_412] {strides = array<i32>} : memref<80x128xf32, #tpu.memory_space<vmem>>, vector<16xf32>,
        tpu.vector_store %arg14[%swap3A_411, %swap3A_412], %mul3A_410 {strides = array<i32>} : memref<80x128xf32, #tpu.memory_space<vmem>>, vector<16xf32>,
        %get3A_414 = arith.index_cast %add3A_357 : i32 to index
        %get3A_415 = arith.constant 112 : index
        %get3A_416 = tpu.vector_load %arg14[%get3A_414, %get3A_415] {strides = array<i32>} : memref<80x128xf32, #tpu.memory_space<vmem>>, vector<16xf32>,
        %mul3A_417 = vector.broadcast %squeeze3A_353 : f32 to vector<16xf32>
        %mul3A_418 = arith.mulf %get3A_416, %mul3A_417 : vector<16xf32>
        %swap3A_419 = arith.index_cast %add3A_357 : i32 to index
        %swap3A_420 = arith.constant 112 : index
        %swap3A_421 = tpu.vector_load %arg14[%swap3A_419, %swap3A_420] {strides = array<i32>} : memref<80x128xf32, #tpu.memory_space<vmem>>, vector<16xf32>,
        tpu.vector_store %arg14[%swap3A_419, %swap3A_420], %mul3A_418 {strides = array<i32>} : memref<80x128xf32, #tpu.memory_space<vmem>>, vector<16xf32>,
        %slice3A_422 = vector.extract_strided_slice %get3A_143 {offsets = [4], sizes = [1], strides = [1]} : vector<16xf32> to vector<1xf32>
        %squeeze3A_423 = vector.extract %slice3A_422[0] : f32 from vector<1xf32>
        %mul3A_424 = arith.constant 16 : i32
        %mul3A_425 = arith.muli %scan3A_138, %mul3A_424 : i32
        %add3A_426 = arith.constant 4 : i32
        %add3A_427 = arith.addi %mul3A_425, %add3A_426 : i32
        %get3A_428 = arith.index_cast %add3A_427 : i32 to index
        %get3A_429 = arith.constant 0 : index
        %get3A_430 = tpu.vector_load %arg14[%get3A_428, %get3A_429] {strides = array<i32>} : memref<80x128xf32, #tpu.memory_space<vmem>>, vector<16xf32>,
        %mul3A_431 = vector.broadcast %squeeze3A_423 : f32 to vector<16xf32>
        %mul3A_432 = arith.mulf %get3A_430, %mul3A_431 : vector<16xf32>
        %swap3A_433 = arith.index_cast %add3A_427 : i32 to index
        %swap3A_434 = arith.constant 0 : index
        %swap3A_435 = tpu.vector_load %arg14[%swap3A_433, %swap3A_434] {strides = array<i32>} : memref<80x128xf32, #tpu.memory_space<vmem>>, vector<16xf32>,
        tpu.vector_store %arg14[%swap3A_433, %swap3A_434], %mul3A_432 {strides = array<i32>} : memref<80x128xf32, #tpu.memory_space<vmem>>, vector<16xf32>,
        %get3A_436 = arith.index_cast %add3A_427 : i32 to index
        %get3A_437 = arith.constant 16 : index
        %get3A_438 = tpu.vector_load %arg14[%get3A_436, %get3A_437] {strides = array<i32>} : memref<80x128xf32, #tpu.memory_space<vmem>>, vector<16xf32>,
        %mul3A_439 = vector.broadcast %squeeze3A_423 : f32 to vector<16xf32>
        %mul3A_440 = arith.mulf %get3A_438, %mul3A_439 : vector<16xf32>
        %swap3A_441 = arith.index_cast %add3A_427 : i32 to index
        %swap3A_442 = arith.constant 16 : index
        %swap3A_443 = tpu.vector_load %arg14[%swap3A_441, %swap3A_442] {strides = array<i32>} : memref<80x128xf32, #tpu.memory_space<vmem>>, vector<16xf32>,
        tpu.vector_store %arg14[%swap3A_441, %swap3A_442], %mul3A_440 {strides = array<i32>} : memref<80x128xf32, #tpu.memory_space<vmem>>, vector<16xf32>,
        %get3A_444 = arith.index_cast %add3A_427 : i32 to index
        %get3A_445 = arith.constant 32 : index
        %get3A_446 = tpu.vector_load %arg14[%get3A_444, %get3A_445] {strides = array<i32>} : memref<80x128xf32, #tpu.memory_space<vmem>>, vector<16xf32>,
        %mul3A_447 = vector.broadcast %squeeze3A_423 : f32 to vector<16xf32>
        %mul3A_448 = arith.mulf %get3A_446, %mul3A_447 : vector<16xf32>
        %swap3A_449 = arith.index_cast %add3A_427 : i32 to index
        %swap3A_450 = arith.constant 32 : index
        %swap3A_451 = tpu.vector_load %arg14[%swap3A_449, %swap3A_450] {strides = array<i32>} : memref<80x128xf32, #tpu.memory_space<vmem>>, vector<16xf32>,
        tpu.vector_store %arg14[%swap3A_449, %swap3A_450], %mul3A_448 {strides = array<i32>} : memref<80x128xf32, #tpu.memory_space<vmem>>, vector<16xf32>,
        %get3A_452 = arith.index_cast %add3A_427 : i32 to index
        %get3A_453 = arith.constant 48 : index
        %get3A_454 = tpu.vector_load %arg14[%get3A_452, %get3A_453] {strides = array<i32>} : memref<80x128xf32, #tpu.memory_space<vmem>>, vector<16xf32>,
        %mul3A_455 = vector.broadcast %squeeze3A_423 : f32 to vector<16xf32>
        %mul3A_456 = arith.mulf %get3A_454, %mul3A_455 : vector<16xf32>
        %swap3A_457 = arith.index_cast %add3A_427 : i32 to index
        %swap3A_458 = arith.constant 48 : index
        %swap3A_459 = tpu.vector_load %arg14[%swap3A_457, %swap3A_458] {strides = array<i32>} : memref<80x128xf32, #tpu.memory_space<vmem>>, vector<16xf32>,
        tpu.vector_store %arg14[%swap3A_457, %swap3A_458], %mul3A_456 {strides = array<i32>} : memref<80x128xf32, #tpu.memory_space<vmem>>, vector<16xf32>,
        %get3A_460 = arith.index_cast %add3A_427 : i32 to index
        %get3A_461 = arith.constant 64 : index
        %get3A_462 = tpu.vector_load %arg14[%get3A_460, %get3A_461] {strides = array<i32>} : memref<80x128xf32, #tpu.memory_space<vmem>>, vector<16xf32>,
        %mul3A_463 = vector.broadcast %squeeze3A_423 : f32 to vector<16xf32>
        %mul3A_464 = arith.mulf %get3A_462, %mul3A_463 : vector<16xf32>
        %swap3A_465 = arith.index_cast %add3A_427 : i32 to index
        %swap3A_466 = arith.constant 64 : index
        %swap3A_467 = tpu.vector_load %arg14[%swap3A_465, %swap3A_466] {strides = array<i32>} : memref<80x128xf32, #tpu.memory_space<vmem>>, vector<16xf32>,
        tpu.vector_store %arg14[%swap3A_465, %swap3A_466], %mul3A_464 {strides = array<i32>} : memref<80x128xf32, #tpu.memory_space<vmem>>, vector<16xf32>,
        %get3A_468 = arith.index_cast %add3A_427 : i32 to index
        %get3A_469 = arith.constant 80 : index
        %get3A_470 = tpu.vector_load %arg14[%get3A_468, %get3A_469] {strides = array<i32>} : memref<80x128xf32, #tpu.memory_space<vmem>>, vector<16xf32>,
        %mul3A_471 = vector.broadcast %squeeze3A_423 : f32 to vector<16xf32>
        %mul3A_472 = arith.mulf %get3A_470, %mul3A_471 : vector<16xf32>
        %swap3A_473 = arith.index_cast %add3A_427 : i32 to index
        %swap3A_474 = arith.constant 80 : index
        %swap3A_475 = tpu.vector_load %arg14[%swap3A_473, %swap3A_474] {strides = array<i32>} : memref<80x128xf32, #tpu.memory_space<vmem>>, vector<16xf32>,
        tpu.vector_store %arg14[%swap3A_473, %swap3A_474], %mul3A_472 {strides = array<i32>} : memref<80x128xf32, #tpu.memory_space<vmem>>, vector<16xf32>,
        %get3A_476 = arith.index_cast %add3A_427 : i32 to index
        %get3A_477 = arith.constant 96 : index
        %get3A_478 = tpu.vector_load %arg14[%get3A_476, %get3A_477] {strides = array<i32>} : memref<80x128xf32, #tpu.memory_space<vmem>>, vector<16xf32>,
        %mul3A_479 = vector.broadcast %squeeze3A_423 : f32 to vector<16xf32>
        %mul3A_480 = arith.mulf %get3A_478, %mul3A_479 : vector<16xf32>
        %swap3A_481 = arith.index_cast %add3A_427 : i32 to index
        %swap3A_482 = arith.constant 96 : index
        %swap3A_483 = tpu.vector_load %arg14[%swap3A_481, %swap3A_482] {strides = array<i32>} : memref<80x128xf32, #tpu.memory_space<vmem>>, vector<16xf32>,
        tpu.vector_store %arg14[%swap3A_481, %swap3A_482], %mul3A_480 {strides = array<i32>} : memref<80x128xf32, #tpu.memory_space<vmem>>, vector<16xf32>,
        %get3A_484 = arith.index_cast %add3A_427 : i32 to index
        %get3A_485 = arith.constant 112 : index
        %get3A_486 = tpu.vector_load %arg14[%get3A_484, %get3A_485] {strides = array<i32>} : memref<80x128xf32, #tpu.memory_space<vmem>>, vector<16xf32>,
        %mul3A_487 = vector.broadcast %squeeze3A_423 : f32 to vector<16xf32>
        %mul3A_488 = arith.mulf %get3A_486, %mul3A_487 : vector<16xf32>
        %swap3A_489 = arith.index_cast %add3A_427 : i32 to index
        %swap3A_490 = arith.constant 112 : index
        %swap3A_491 = tpu.vector_load %arg14[%swap3A_489, %swap3A_490] {strides = array<i32>} : memref<80x128xf32, #tpu.memory_space<vmem>>, vector<16xf32>,
        tpu.vector_store %arg14[%swap3A_489, %swap3A_490], %mul3A_488 {strides = array<i32>} : memref<80x128xf32, #tpu.memory_space<vmem>>, vector<16xf32>,
        %slice3A_492 = vector.extract_strided_slice %get3A_143 {offsets = [5], sizes = [1], strides = [1]} : vector<16xf32> to vector<1xf32>
        %squeeze3A_493 = vector.extract %slice3A_492[0] : f32 from vector<1xf32>
        %mul3A_494 = arith.constant 16 : i32
        %mul3A_495 = arith.muli %scan3A_138, %mul3A_494 : i32
        %add3A_496 = arith.constant 5 : i32
        %add3A_497 = arith.addi %mul3A_495, %add3A_496 : i32
        %get3A_498 = arith.index_cast %add3A_497 : i32 to index
        %get3A_499 = arith.constant 0 : index
        %get3A_500 = tpu.vector_load %arg14[%get3A_498, %get3A_499] {strides = array<i32>} : memref<80x128xf32, #tpu.memory_space<vmem>>, vector<16xf32>,
        %mul3A_501 = vector.broadcast %squeeze3A_493 : f32 to vector<16xf32>
        %mul3A_502 = arith.mulf %get3A_500, %mul3A_501 : vector<16xf32>
        %swap3A_503 = arith.index_cast %add3A_497 : i32 to index
        %swap3A_504 = arith.constant 0 : index
        %swap3A_505 = tpu.vector_load %arg14[%swap3A_503, %swap3A_504] {strides = array<i32>} : memref<80x128xf32, #tpu.memory_space<vmem>>, vector<16xf32>,
        tpu.vector_store %arg14[%swap3A_503, %swap3A_504], %mul3A_502 {strides = array<i32>} : memref<80x128xf32, #tpu.memory_space<vmem>>, vector<16xf32>,
        %get3A_506 = arith.index_cast %add3A_497 : i32 to index
        %get3A_507 = arith.constant 16 : index
        %get3A_508 = tpu.vector_load %arg14[%get3A_506, %get3A_507] {strides = array<i32>} : memref<80x128xf32, #tpu.memory_space<vmem>>, vector<16xf32>,
        %mul3A_509 = vector.broadcast %squeeze3A_493 : f32 to vector<16xf32>
        %mul3A_510 = arith.mulf %get3A_508, %mul3A_509 : vector<16xf32>
        %swap3A_511 = arith.index_cast %add3A_497 : i32 to index
        %swap3A_512 = arith.constant 16 : index
        %swap3A_513 = tpu.vector_load %arg14[%swap3A_511, %swap3A_512] {strides = array<i32>} : memref<80x128xf32, #tpu.memory_space<vmem>>, vector<16xf32>,
        tpu.vector_store %arg14[%swap3A_511, %swap3A_512], %mul3A_510 {strides = array<i32>} : memref<80x128xf32, #tpu.memory_space<vmem>>, vector<16xf32>,
        %get3A_514 = arith.index_cast %add3A_497 : i32 to index
        %get3A_515 = arith.constant 32 : index
        %get3A_516 = tpu.vector_load %arg14[%get3A_514, %get3A_515] {strides = array<i32>} : memref<80x128xf32, #tpu.memory_space<vmem>>, vector<16xf32>,
        %mul3A_517 = vector.broadcast %squeeze3A_493 : f32 to vector<16xf32>
        %mul3A_518 = arith.mulf %get3A_516, %mul3A_517 : vector<16xf32>
        %swap3A_519 = arith.index_cast %add3A_497 : i32 to index
        %swap3A_520 = arith.constant 32 : index
        %swap3A_521 = tpu.vector_load %arg14[%swap3A_519, %swap3A_520] {strides = array<i32>} : memref<80x128xf32, #tpu.memory_space<vmem>>, vector<16xf32>,
        tpu.vector_store %arg14[%swap3A_519, %swap3A_520], %mul3A_518 {strides = array<i32>} : memref<80x128xf32, #tpu.memory_space<vmem>>, vector<16xf32>,
        %get3A_522 = arith.index_cast %add3A_497 : i32 to index
        %get3A_523 = arith.constant 48 : index
        %get3A_524 = tpu.vector_load %arg14[%get3A_522, %get3A_523] {strides = array<i32>} : memref<80x128xf32, #tpu.memory_space<vmem>>, vector<16xf32>,
        %mul3A_525 = vector.broadcast %squeeze3A_493 : f32 to vector<16xf32>
        %mul3A_526 = arith.mulf %get3A_524, %mul3A_525 : vector<16xf32>
        %swap3A_527 = arith.index_cast %add3A_497 : i32 to index
        %swap3A_528 = arith.constant 48 : index
        %swap3A_529 = tpu.vector_load %arg14[%swap3A_527, %swap3A_528] {strides = array<i32>} : memref<80x128xf32, #tpu.memory_space<vmem>>, vector<16xf32>,
        tpu.vector_store %arg14[%swap3A_527, %swap3A_528], %mul3A_526 {strides = array<i32>} : memref<80x128xf32, #tpu.memory_space<vmem>>, vector<16xf32>,
        %get3A_530 = arith.index_cast %add3A_497 : i32 to index
        %get3A_531 = arith.constant 64 : index
        %get3A_532 = tpu.vector_load %arg14[%get3A_530, %get3A_531] {strides = array<i32>} : memref<80x128xf32, #tpu.memory_space<vmem>>, vector<16xf32>,
        %mul3A_533 = vector.broadcast %squeeze3A_493 : f32 to vector<16xf32>
        %mul3A_534 = arith.mulf %get3A_532, %mul3A_533 : vector<16xf32>
        %swap3A_535 = arith.index_cast %add3A_497 : i32 to index
        %swap3A_536 = arith.constant 64 : index
        %swap3A_537 = tpu.vector_load %arg14[%swap3A_535, %swap3A_536] {strides = array<i32>} : memref<80x128xf32, #tpu.memory_space<vmem>>, vector<16xf32>,
        tpu.vector_store %arg14[%swap3A_535, %swap3A_536], %mul3A_534 {strides = array<i32>} : memref<80x128xf32, #tpu.memory_space<vmem>>, vector<16xf32>,
        %get3A_538 = arith.index_cast %add3A_497 : i32 to index
        %get3A_539 = arith.constant 80 : index
        %get3A_540 = tpu.vector_load %arg14[%get3A_538, %get3A_539] {strides = array<i32>} : memref<80x128xf32, #tpu.memory_space<vmem>>, vector<16xf32>,
        %mul3A_541 = vector.broadcast %squeeze3A_493 : f32 to vector<16xf32>
        %mul3A_542 = arith.mulf %get3A_540, %mul3A_541 : vector<16xf32>
        %swap3A_543 = arith.index_cast %add3A_497 : i32 to index
        %swap3A_544 = arith.constant 80 : index
        %swap3A_545 = tpu.vector_load %arg14[%swap3A_543, %swap3A_544] {strides = array<i32>} : memref<80x128xf32, #tpu.memory_space<vmem>>, vector<16xf32>,
        tpu.vector_store %arg14[%swap3A_543, %swap3A_544], %mul3A_542 {strides = array<i32>} : memref<80x128xf32, #tpu.memory_space<vmem>>, vector<16xf32>,
        %get3A_546 = arith.index_cast %add3A_497 : i32 to index
        %get3A_547 = arith.constant 96 : index
        %get3A_548 = tpu.vector_load %arg14[%get3A_546, %get3A_547] {strides = array<i32>} : memref<80x128xf32, #tpu.memory_space<vmem>>, vector<16xf32>,
        %mul3A_549 = vector.broadcast %squeeze3A_493 : f32 to vector<16xf32>
        %mul3A_550 = arith.mulf %get3A_548, %mul3A_549 : vector<16xf32>
        %swap3A_551 = arith.index_cast %add3A_497 : i32 to index
        %swap3A_552 = arith.constant 96 : index
        %swap3A_553 = tpu.vector_load %arg14[%swap3A_551, %swap3A_552] {strides = array<i32>} : memref<80x128xf32, #tpu.memory_space<vmem>>, vector<16xf32>,
        tpu.vector_store %arg14[%swap3A_551, %swap3A_552], %mul3A_550 {strides = array<i32>} : memref<80x128xf32, #tpu.memory_space<vmem>>, vector<16xf32>,
        %get3A_554 = arith.index_cast %add3A_497 : i32 to index
        %get3A_555 = arith.constant 112 : index
        %get3A_556 = tpu.vector_load %arg14[%get3A_554, %get3A_555] {strides = array<i32>} : memref<80x128xf32, #tpu.memory_space<vmem>>, vector<16xf32>,
        %mul3A_557 = vector.broadcast %squeeze3A_493 : f32 to vector<16xf32>
        %mul3A_558 = arith.mulf %get3A_556, %mul3A_557 : vector<16xf32>
        %swap3A_559 = arith.index_cast %add3A_497 : i32 to index
        %swap3A_560 = arith.constant 112 : index
        %swap3A_561 = tpu.vector_load %arg14[%swap3A_559, %swap3A_560] {strides = array<i32>} : memref<80x128xf32, #tpu.memory_space<vmem>>, vector<16xf32>,
        tpu.vector_store %arg14[%swap3A_559, %swap3A_560], %mul3A_558 {strides = array<i32>} : memref<80x128xf32, #tpu.memory_space<vmem>>, vector<16xf32>,
        %slice3A_562 = vector.extract_strided_slice %get3A_143 {offsets = [6], sizes = [1], strides = [1]} : vector<16xf32> to vector<1xf32>
        %squeeze3A_563 = vector.extract %slice3A_562[0] : f32 from vector<1xf32>
        %mul3A_564 = arith.constant 16 : i32
        %mul3A_565 = arith.muli %scan3A_138, %mul3A_564 : i32
        %add3A_566 = arith.constant 6 : i32
        %add3A_567 = arith.addi %mul3A_565, %add3A_566 : i32
        %get3A_568 = arith.index_cast %add3A_567 : i32 to index
        %get3A_569 = arith.constant 0 : index
        %get3A_570 = tpu.vector_load %arg14[%get3A_568, %get3A_569] {strides = array<i32>} : memref<80x128xf32, #tpu.memory_space<vmem>>, vector<16xf32>,
        %mul3A_571 = vector.broadcast %squeeze3A_563 : f32 to vector<16xf32>
        %mul3A_572 = arith.mulf %get3A_570, %mul3A_571 : vector<16xf32>
        %swap3A_573 = arith.index_cast %add3A_567 : i32 to index
        %swap3A_574 = arith.constant 0 : index
        %swap3A_575 = tpu.vector_load %arg14[%swap3A_573, %swap3A_574] {strides = array<i32>} : memref<80x128xf32, #tpu.memory_space<vmem>>, vector<16xf32>,
        tpu.vector_store %arg14[%swap3A_573, %swap3A_574], %mul3A_572 {strides = array<i32>} : memref<80x128xf32, #tpu.memory_space<vmem>>, vector<16xf32>,
        %get3A_576 = arith.index_cast %add3A_567 : i32 to index
        %get3A_577 = arith.constant 16 : index
        %get3A_578 = tpu.vector_load %arg14[%get3A_576, %get3A_577] {strides = array<i32>} : memref<80x128xf32, #tpu.memory_space<vmem>>, vector<16xf32>,
        %mul3A_579 = vector.broadcast %squeeze3A_563 : f32 to vector<16xf32>
        %mul3A_580 = arith.mulf %get3A_578, %mul3A_579 : vector<16xf32>
        %swap3A_581 = arith.index_cast %add3A_567 : i32 to index
        %swap3A_582 = arith.constant 16 : index
        %swap3A_583 = tpu.vector_load %arg14[%swap3A_581, %swap3A_582] {strides = array<i32>} : memref<80x128xf32, #tpu.memory_space<vmem>>, vector<16xf32>,
        tpu.vector_store %arg14[%swap3A_581, %swap3A_582], %mul3A_580 {strides = array<i32>} : memref<80x128xf32, #tpu.memory_space<vmem>>, vector<16xf32>,
        %get3A_584 = arith.index_cast %add3A_567 : i32 to index
        %get3A_585 = arith.constant 32 : index
        %get3A_586 = tpu.vector_load %arg14[%get3A_584, %get3A_585] {strides = array<i32>} : memref<80x128xf32, #tpu.memory_space<vmem>>, vector<16xf32>,
        %mul3A_587 = vector.broadcast %squeeze3A_563 : f32 to vector<16xf32>
        %mul3A_588 = arith.mulf %get3A_586, %mul3A_587 : vector<16xf32>
        %swap3A_589 = arith.index_cast %add3A_567 : i32 to index
        %swap3A_590 = arith.constant 32 : index
        %swap3A_591 = tpu.vector_load %arg14[%swap3A_589, %swap3A_590] {strides = array<i32>} : memref<80x128xf32, #tpu.memory_space<vmem>>, vector<16xf32>,
        tpu.vector_store %arg14[%swap3A_589, %swap3A_590], %mul3A_588 {strides = array<i32>} : memref<80x128xf32, #tpu.memory_space<vmem>>, vector<16xf32>,
        %get3A_592 = arith.index_cast %add3A_567 : i32 to index
        %get3A_593 = arith.constant 48 : index
        %get3A_594 = tpu.vector_load %arg14[%get3A_592, %get3A_593] {strides = array<i32>} : memref<80x128xf32, #tpu.memory_space<vmem>>, vector<16xf32>,
        %mul3A_595 = vector.broadcast %squeeze3A_563 : f32 to vector<16xf32>
        %mul3A_596 = arith.mulf %get3A_594, %mul3A_595 : vector<16xf32>
        %swap3A_597 = arith.index_cast %add3A_567 : i32 to index
        %swap3A_598 = arith.constant 48 : index
        %swap3A_599 = tpu.vector_load %arg14[%swap3A_597, %swap3A_598] {strides = array<i32>} : memref<80x128xf32, #tpu.memory_space<vmem>>, vector<16xf32>,
        tpu.vector_store %arg14[%swap3A_597, %swap3A_598], %mul3A_596 {strides = array<i32>} : memref<80x128xf32, #tpu.memory_space<vmem>>, vector<16xf32>,
        %get3A_600 = arith.index_cast %add3A_567 : i32 to index
        %get3A_601 = arith.constant 64 : index
        %get3A_602 = tpu.vector_load %arg14[%get3A_600, %get3A_601] {strides = array<i32>} : memref<80x128xf32, #tpu.memory_space<vmem>>, vector<16xf32>,
        %mul3A_603 = vector.broadcast %squeeze3A_563 : f32 to vector<16xf32>
        %mul3A_604 = arith.mulf %get3A_602, %mul3A_603 : vector<16xf32>
        %swap3A_605 = arith.index_cast %add3A_567 : i32 to index
        %swap3A_606 = arith.constant 64 : index
        %swap3A_607 = tpu.vector_load %arg14[%swap3A_605, %swap3A_606] {strides = array<i32>} : memref<80x128xf32, #tpu.memory_space<vmem>>, vector<16xf32>,
        tpu.vector_store %arg14[%swap3A_605, %swap3A_606], %mul3A_604 {strides = array<i32>} : memref<80x128xf32, #tpu.memory_space<vmem>>, vector<16xf32>,
        %get3A_608 = arith.index_cast %add3A_567 : i32 to index
        %get3A_609 = arith.constant 80 : index
        %get3A_610 = tpu.vector_load %arg14[%get3A_608, %get3A_609] {strides = array<i32>} : memref<80x128xf32, #tpu.memory_space<vmem>>, vector<16xf32>,
        %mul3A_611 = vector.broadcast %squeeze3A_563 : f32 to vector<16xf32>
        %mul3A_612 = arith.mulf %get3A_610, %mul3A_611 : vector<16xf32>
        %swap3A_613 = arith.index_cast %add3A_567 : i32 to index
        %swap3A_614 = arith.constant 80 : index
        %swap3A_615 = tpu.vector_load %arg14[%swap3A_613, %swap3A_614] {strides = array<i32>} : memref<80x128xf32, #tpu.memory_space<vmem>>, vector<16xf32>,
        tpu.vector_store %arg14[%swap3A_613, %swap3A_614], %mul3A_612 {strides = array<i32>} : memref<80x128xf32, #tpu.memory_space<vmem>>, vector<16xf32>,
        %get3A_616 = arith.index_cast %add3A_567 : i32 to index
        %get3A_617 = arith.constant 96 : index
        %get3A_618 = tpu.vector_load %arg14[%get3A_616, %get3A_617] {strides = array<i32>} : memref<80x128xf32, #tpu.memory_space<vmem>>, vector<16xf32>,
        %mul3A_619 = vector.broadcast %squeeze3A_563 : f32 to vector<16xf32>
        %mul3A_620 = arith.mulf %get3A_618, %mul3A_619 : vector<16xf32>
        %swap3A_621 = arith.index_cast %add3A_567 : i32 to index
        %swap3A_622 = arith.constant 96 : index
        %swap3A_623 = tpu.vector_load %arg14[%swap3A_621, %swap3A_622] {strides = array<i32>} : memref<80x128xf32, #tpu.memory_space<vmem>>, vector<16xf32>,
        tpu.vector_store %arg14[%swap3A_621, %swap3A_622], %mul3A_620 {strides = array<i32>} : memref<80x128xf32, #tpu.memory_space<vmem>>, vector<16xf32>,
        %get3A_624 = arith.index_cast %add3A_567 : i32 to index
        %get3A_625 = arith.constant 112 : index
        %get3A_626 = tpu.vector_load %arg14[%get3A_624, %get3A_625] {strides = array<i32>} : memref<80x128xf32, #tpu.memory_space<vmem>>, vector<16xf32>,
        %mul3A_627 = vector.broadcast %squeeze3A_563 : f32 to vector<16xf32>
        %mul3A_628 = arith.mulf %get3A_626, %mul3A_627 : vector<16xf32>
        %swap3A_629 = arith.index_cast %add3A_567 : i32 to index
        %swap3A_630 = arith.constant 112 : index
        %swap3A_631 = tpu.vector_load %arg14[%swap3A_629, %swap3A_630] {strides = array<i32>} : memref<80x128xf32, #tpu.memory_space<vmem>>, vector<16xf32>,
        tpu.vector_store %arg14[%swap3A_629, %swap3A_630], %mul3A_628 {strides = array<i32>} : memref<80x128xf32, #tpu.memory_space<vmem>>, vector<16xf32>,
        %slice3A_632 = vector.extract_strided_slice %get3A_143 {offsets = [7], sizes = [1], strides = [1]} : vector<16xf32> to vector<1xf32>
        %squeeze3A_633 = vector.extract %slice3A_632[0] : f32 from vector<1xf32>
        %mul3A_634 = arith.constant 16 : i32
        %mul3A_635 = arith.muli %scan3A_138, %mul3A_634 : i32
        %add3A_636 = arith.constant 7 : i32
        %add3A_637 = arith.addi %mul3A_635, %add3A_636 : i32
        %get3A_638 = arith.index_cast %add3A_637 : i32 to index
        %get3A_639 = arith.constant 0 : index
        %get3A_640 = tpu.vector_load %arg14[%get3A_638, %get3A_639] {strides = array<i32>} : memref<80x128xf32, #tpu.memory_space<vmem>>, vector<16xf32>,
        %mul3A_641 = vector.broadcast %squeeze3A_633 : f32 to vector<16xf32>
        %mul3A_642 = arith.mulf %get3A_640, %mul3A_641 : vector<16xf32>
        %swap3A_643 = arith.index_cast %add3A_637 : i32 to index
        %swap3A_644 = arith.constant 0 : index
        %swap3A_645 = tpu.vector_load %arg14[%swap3A_643, %swap3A_644] {strides = array<i32>} : memref<80x128xf32, #tpu.memory_space<vmem>>, vector<16xf32>,
        tpu.vector_store %arg14[%swap3A_643, %swap3A_644], %mul3A_642 {strides = array<i32>} : memref<80x128xf32, #tpu.memory_space<vmem>>, vector<16xf32>,
        %get3A_646 = arith.index_cast %add3A_637 : i32 to index
        %get3A_647 = arith.constant 16 : index
        %get3A_648 = tpu.vector_load %arg14[%get3A_646, %get3A_647] {strides = array<i32>} : memref<80x128xf32, #tpu.memory_space<vmem>>, vector<16xf32>,
        %mul3A_649 = vector.broadcast %squeeze3A_633 : f32 to vector<16xf32>
        %mul3A_650 = arith.mulf %get3A_648, %mul3A_649 : vector<16xf32>
        %swap3A_651 = arith.index_cast %add3A_637 : i32 to index
        %swap3A_652 = arith.constant 16 : index
        %swap3A_653 = tpu.vector_load %arg14[%swap3A_651, %swap3A_652] {strides = array<i32>} : memref<80x128xf32, #tpu.memory_space<vmem>>, vector<16xf32>,
        tpu.vector_store %arg14[%swap3A_651, %swap3A_652], %mul3A_650 {strides = array<i32>} : memref<80x128xf32, #tpu.memory_space<vmem>>, vector<16xf32>,
        %get3A_654 = arith.index_cast %add3A_637 : i32 to index
        %get3A_655 = arith.constant 32 : index
        %get3A_656 = tpu.vector_load %arg14[%get3A_654, %get3A_655] {strides = array<i32>} : memref<80x128xf32, #tpu.memory_space<vmem>>, vector<16xf32>,
        %mul3A_657 = vector.broadcast %squeeze3A_633 : f32 to vector<16xf32>
        %mul3A_658 = arith.mulf %get3A_656, %mul3A_657 : vector<16xf32>
        %swap3A_659 = arith.index_cast %add3A_637 : i32 to index
        %swap3A_660 = arith.constant 32 : index
        %swap3A_661 = tpu.vector_load %arg14[%swap3A_659, %swap3A_660] {strides = array<i32>} : memref<80x128xf32, #tpu.memory_space<vmem>>, vector<16xf32>,
        tpu.vector_store %arg14[%swap3A_659, %swap3A_660], %mul3A_658 {strides = array<i32>} : memref<80x128xf32, #tpu.memory_space<vmem>>, vector<16xf32>,
        %get3A_662 = arith.index_cast %add3A_637 : i32 to index
        %get3A_663 = arith.constant 48 : index
        %get3A_664 = tpu.vector_load %arg14[%get3A_662, %get3A_663] {strides = array<i32>} : memref<80x128xf32, #tpu.memory_space<vmem>>, vector<16xf32>,
        %mul3A_665 = vector.broadcast %squeeze3A_633 : f32 to vector<16xf32>
        %mul3A_666 = arith.mulf %get3A_664, %mul3A_665 : vector<16xf32>
        %swap3A_667 = arith.index_cast %add3A_637 : i32 to index
        %swap3A_668 = arith.constant 48 : index
        %swap3A_669 = tpu.vector_load %arg14[%swap3A_667, %swap3A_668] {strides = array<i32>} : memref<80x128xf32, #tpu.memory_space<vmem>>, vector<16xf32>,
        tpu.vector_store %arg14[%swap3A_667, %swap3A_668], %mul3A_666 {strides = array<i32>} : memref<80x128xf32, #tpu.memory_space<vmem>>, vector<16xf32>,
        %get3A_670 = arith.index_cast %add3A_637 : i32 to index
        %get3A_671 = arith.constant 64 : index
        %get3A_672 = tpu.vector_load %arg14[%get3A_670, %get3A_671] {strides = array<i32>} : memref<80x128xf32, #tpu.memory_space<vmem>>, vector<16xf32>,
        %mul3A_673 = vector.broadcast %squeeze3A_633 : f32 to vector<16xf32>
        %mul3A_674 = arith.mulf %get3A_672, %mul3A_673 : vector<16xf32>
        %swap3A_675 = arith.index_cast %add3A_637 : i32 to index
        %swap3A_676 = arith.constant 64 : index
        %swap3A_677 = tpu.vector_load %arg14[%swap3A_675, %swap3A_676] {strides = array<i32>} : memref<80x128xf32, #tpu.memory_space<vmem>>, vector<16xf32>,
        tpu.vector_store %arg14[%swap3A_675, %swap3A_676], %mul3A_674 {strides = array<i32>} : memref<80x128xf32, #tpu.memory_space<vmem>>, vector<16xf32>,
        %get3A_678 = arith.index_cast %add3A_637 : i32 to index
        %get3A_679 = arith.constant 80 : index
        %get3A_680 = tpu.vector_load %arg14[%get3A_678, %get3A_679] {strides = array<i32>} : memref<80x128xf32, #tpu.memory_space<vmem>>, vector<16xf32>,
        %mul3A_681 = vector.broadcast %squeeze3A_633 : f32 to vector<16xf32>
        %mul3A_682 = arith.mulf %get3A_680, %mul3A_681 : vector<16xf32>
        %swap3A_683 = arith.index_cast %add3A_637 : i32 to index
        %swap3A_684 = arith.constant 80 : index
        %swap3A_685 = tpu.vector_load %arg14[%swap3A_683, %swap3A_684] {strides = array<i32>} : memref<80x128xf32, #tpu.memory_space<vmem>>, vector<16xf32>,
        tpu.vector_store %arg14[%swap3A_683, %swap3A_684], %mul3A_682 {strides = array<i32>} : memref<80x128xf32, #tpu.memory_space<vmem>>, vector<16xf32>,
        %get3A_686 = arith.index_cast %add3A_637 : i32 to index
        %get3A_687 = arith.constant 96 : index
        %get3A_688 = tpu.vector_load %arg14[%get3A_686, %get3A_687] {strides = array<i32>} : memref<80x128xf32, #tpu.memory_space<vmem>>, vector<16xf32>,
        %mul3A_689 = vector.broadcast %squeeze3A_633 : f32 to vector<16xf32>
        %mul3A_690 = arith.mulf %get3A_688, %mul3A_689 : vector<16xf32>
        %swap3A_691 = arith.index_cast %add3A_637 : i32 to index
        %swap3A_692 = arith.constant 96 : index
        %swap3A_693 = tpu.vector_load %arg14[%swap3A_691, %swap3A_692] {strides = array<i32>} : memref<80x128xf32, #tpu.memory_space<vmem>>, vector<16xf32>,
        tpu.vector_store %arg14[%swap3A_691, %swap3A_692], %mul3A_690 {strides = array<i32>} : memref<80x128xf32, #tpu.memory_space<vmem>>, vector<16xf32>,
        %get3A_694 = arith.index_cast %add3A_637 : i32 to index
        %get3A_695 = arith.constant 112 : index
        %get3A_696 = tpu.vector_load %arg14[%get3A_694, %get3A_695] {strides = array<i32>} : memref<80x128xf32, #tpu.memory_space<vmem>>, vector<16xf32>,
        %mul3A_697 = vector.broadcast %squeeze3A_633 : f32 to vector<16xf32>
        %mul3A_698 = arith.mulf %get3A_696, %mul3A_697 : vector<16xf32>
        %swap3A_699 = arith.index_cast %add3A_637 : i32 to index
        %swap3A_700 = arith.constant 112 : index
        %swap3A_701 = tpu.vector_load %arg14[%swap3A_699, %swap3A_700] {strides = array<i32>} : memref<80x128xf32, #tpu.memory_space<vmem>>, vector<16xf32>,
        tpu.vector_store %arg14[%swap3A_699, %swap3A_700], %mul3A_698 {strides = array<i32>} : memref<80x128xf32, #tpu.memory_space<vmem>>, vector<16xf32>,
        %slice3A_702 = vector.extract_strided_slice %get3A_143 {offsets = [8], sizes = [1], strides = [1]} : vector<16xf32> to vector<1xf32>
        %squeeze3A_703 = vector.extract %slice3A_702[0] : f32 from vector<1xf32>
        %mul3A_704 = arith.constant 16 : i32
        %mul3A_705 = arith.muli %scan3A_138, %mul3A_704 : i32
        %add3A_706 = arith.constant 8 : i32
        %add3A_707 = arith.addi %mul3A_705, %add3A_706 : i32
        %get3A_708 = arith.index_cast %add3A_707 : i32 to index
        %get3A_709 = arith.constant 0 : index
        %get3A_710 = tpu.vector_load %arg14[%get3A_708, %get3A_709] {strides = array<i32>} : memref<80x128xf32, #tpu.memory_space<vmem>>, vector<16xf32>,
        %mul3A_711 = vector.broadcast %squeeze3A_703 : f32 to vector<16xf32>
        %mul3A_712 = arith.mulf %get3A_710, %mul3A_711 : vector<16xf32>
        %swap3A_713 = arith.index_cast %add3A_707 : i32 to index
        %swap3A_714 = arith.constant 0 : index
        %swap3A_715 = tpu.vector_load %arg14[%swap3A_713, %swap3A_714] {strides = array<i32>} : memref<80x128xf32, #tpu.memory_space<vmem>>, vector<16xf32>,
        tpu.vector_store %arg14[%swap3A_713, %swap3A_714], %mul3A_712 {strides = array<i32>} : memref<80x128xf32, #tpu.memory_space<vmem>>, vector<16xf32>,
        %get3A_716 = arith.index_cast %add3A_707 : i32 to index
        %get3A_717 = arith.constant 16 : index
        %get3A_718 = tpu.vector_load %arg14[%get3A_716, %get3A_717] {strides = array<i32>} : memref<80x128xf32, #tpu.memory_space<vmem>>, vector<16xf32>,
        %mul3A_719 = vector.broadcast %squeeze3A_703 : f32 to vector<16xf32>
        %mul3A_720 = arith.mulf %get3A_718, %mul3A_719 : vector<16xf32>
        %swap3A_721 = arith.index_cast %add3A_707 : i32 to index
        %swap3A_722 = arith.constant 16 : index
        %swap3A_723 = tpu.vector_load %arg14[%swap3A_721, %swap3A_722] {strides = array<i32>} : memref<80x128xf32, #tpu.memory_space<vmem>>, vector<16xf32>,
        tpu.vector_store %arg14[%swap3A_721, %swap3A_722], %mul3A_720 {strides = array<i32>} : memref<80x128xf32, #tpu.memory_space<vmem>>, vector<16xf32>,
        %get3A_724 = arith.index_cast %add3A_707 : i32 to index
        %get3A_725 = arith.constant 32 : index
        %get3A_726 = tpu.vector_load %arg14[%get3A_724, %get3A_725] {strides = array<i32>} : memref<80x128xf32, #tpu.memory_space<vmem>>, vector<16xf32>,
        %mul3A_727 = vector.broadcast %squeeze3A_703 : f32 to vector<16xf32>
        %mul3A_728 = arith.mulf %get3A_726, %mul3A_727 : vector<16xf32>
        %swap3A_729 = arith.index_cast %add3A_707 : i32 to index
        %swap3A_730 = arith.constant 32 : index
        %swap3A_731 = tpu.vector_load %arg14[%swap3A_729, %swap3A_730] {strides = array<i32>} : memref<80x128xf32, #tpu.memory_space<vmem>>, vector<16xf32>,
        tpu.vector_store %arg14[%swap3A_729, %swap3A_730], %mul3A_728 {strides = array<i32>} : memref<80x128xf32, #tpu.memory_space<vmem>>, vector<16xf32>,
        %get3A_732 = arith.index_cast %add3A_707 : i32 to index
        %get3A_733 = arith.constant 48 : index
        %get3A_734 = tpu.vector_load %arg14[%get3A_732, %get3A_733] {strides = array<i32>} : memref<80x128xf32, #tpu.memory_space<vmem>>, vector<16xf32>,
        %mul3A_735 = vector.broadcast %squeeze3A_703 : f32 to vector<16xf32>
        %mul3A_736 = arith.mulf %get3A_734, %mul3A_735 : vector<16xf32>
        %swap3A_737 = arith.index_cast %add3A_707 : i32 to index
        %swap3A_738 = arith.constant 48 : index
        %swap3A_739 = tpu.vector_load %arg14[%swap3A_737, %swap3A_738] {strides = array<i32>} : memref<80x128xf32, #tpu.memory_space<vmem>>, vector<16xf32>,
        tpu.vector_store %arg14[%swap3A_737, %swap3A_738], %mul3A_736 {strides = array<i32>} : memref<80x128xf32, #tpu.memory_space<vmem>>, vector<16xf32>,
        %get3A_740 = arith.index_cast %add3A_707 : i32 to index
        %get3A_741 = arith.constant 64 : index
        %get3A_742 = tpu.vector_load %arg14[%get3A_740, %get3A_741] {strides = array<i32>} : memref<80x128xf32, #tpu.memory_space<vmem>>, vector<16xf32>,
        %mul3A_743 = vector.broadcast %squeeze3A_703 : f32 to vector<16xf32>
        %mul3A_744 = arith.mulf %get3A_742, %mul3A_743 : vector<16xf32>
        %swap3A_745 = arith.index_cast %add3A_707 : i32 to index
        %swap3A_746 = arith.constant 64 : index
        %swap3A_747 = tpu.vector_load %arg14[%swap3A_745, %swap3A_746] {strides = array<i32>} : memref<80x128xf32, #tpu.memory_space<vmem>>, vector<16xf32>,
        tpu.vector_store %arg14[%swap3A_745, %swap3A_746], %mul3A_744 {strides = array<i32>} : memref<80x128xf32, #tpu.memory_space<vmem>>, vector<16xf32>,
        %get3A_748 = arith.index_cast %add3A_707 : i32 to index
        %get3A_749 = arith.constant 80 : index
        %get3A_750 = tpu.vector_load %arg14[%get3A_748, %get3A_749] {strides = array<i32>} : memref<80x128xf32, #tpu.memory_space<vmem>>, vector<16xf32>,
        %mul3A_751 = vector.broadcast %squeeze3A_703 : f32 to vector<16xf32>
        %mul3A_752 = arith.mulf %get3A_750, %mul3A_751 : vector<16xf32>
        %swap3A_753 = arith.index_cast %add3A_707 : i32 to index
        %swap3A_754 = arith.constant 80 : index
        %swap3A_755 = tpu.vector_load %arg14[%swap3A_753, %swap3A_754] {strides = array<i32>} : memref<80x128xf32, #tpu.memory_space<vmem>>, vector<16xf32>,
        tpu.vector_store %arg14[%swap3A_753, %swap3A_754], %mul3A_752 {strides = array<i32>} : memref<80x128xf32, #tpu.memory_space<vmem>>, vector<16xf32>,
        %get3A_756 = arith.index_cast %add3A_707 : i32 to index
        %get3A_757 = arith.constant 96 : index
        %get3A_758 = tpu.vector_load %arg14[%get3A_756, %get3A_757] {strides = array<i32>} : memref<80x128xf32, #tpu.memory_space<vmem>>, vector<16xf32>,
        %mul3A_759 = vector.broadcast %squeeze3A_703 : f32 to vector<16xf32>
        %mul3A_760 = arith.mulf %get3A_758, %mul3A_759 : vector<16xf32>
        %swap3A_761 = arith.index_cast %add3A_707 : i32 to index
        %swap3A_762 = arith.constant 96 : index
        %swap3A_763 = tpu.vector_load %arg14[%swap3A_761, %swap3A_762] {strides = array<i32>} : memref<80x128xf32, #tpu.memory_space<vmem>>, vector<16xf32>,
        tpu.vector_store %arg14[%swap3A_761, %swap3A_762], %mul3A_760 {strides = array<i32>} : memref<80x128xf32, #tpu.memory_space<vmem>>, vector<16xf32>,
        %get3A_764 = arith.index_cast %add3A_707 : i32 to index
        %get3A_765 = arith.constant 112 : index
        %get3A_766 = tpu.vector_load %arg14[%get3A_764, %get3A_765] {strides = array<i32>} : memref<80x128xf32, #tpu.memory_space<vmem>>, vector<16xf32>,
        %mul3A_767 = vector.broadcast %squeeze3A_703 : f32 to vector<16xf32>
        %mul3A_768 = arith.mulf %get3A_766, %mul3A_767 : vector<16xf32>
        %swap3A_769 = arith.index_cast %add3A_707 : i32 to index
        %swap3A_770 = arith.constant 112 : index
        %swap3A_771 = tpu.vector_load %arg14[%swap3A_769, %swap3A_770] {strides = array<i32>} : memref<80x128xf32, #tpu.memory_space<vmem>>, vector<16xf32>,
        tpu.vector_store %arg14[%swap3A_769, %swap3A_770], %mul3A_768 {strides = array<i32>} : memref<80x128xf32, #tpu.memory_space<vmem>>, vector<16xf32>,
        %slice3A_772 = vector.extract_strided_slice %get3A_143 {offsets = [9], sizes = [1], strides = [1]} : vector<16xf32> to vector<1xf32>
        %squeeze3A_773 = vector.extract %slice3A_772[0] : f32 from vector<1xf32>
        %mul3A_774 = arith.constant 16 : i32
        %mul3A_775 = arith.muli %scan3A_138, %mul3A_774 : i32
        %add3A_776 = arith.constant 9 : i32
        %add3A_777 = arith.addi %mul3A_775, %add3A_776 : i32
        %get3A_778 = arith.index_cast %add3A_777 : i32 to index
        %get3A_779 = arith.constant 0 : index
        %get3A_780 = tpu.vector_load %arg14[%get3A_778, %get3A_779] {strides = array<i32>} : memref<80x128xf32, #tpu.memory_space<vmem>>, vector<16xf32>,
        %mul3A_781 = vector.broadcast %squeeze3A_773 : f32 to vector<16xf32>
        %mul3A_782 = arith.mulf %get3A_780, %mul3A_781 : vector<16xf32>
        %swap3A_783 = arith.index_cast %add3A_777 : i32 to index
        %swap3A_784 = arith.constant 0 : index
        %swap3A_785 = tpu.vector_load %arg14[%swap3A_783, %swap3A_784] {strides = array<i32>} : memref<80x128xf32, #tpu.memory_space<vmem>>, vector<16xf32>,
        tpu.vector_store %arg14[%swap3A_783, %swap3A_784], %mul3A_782 {strides = array<i32>} : memref<80x128xf32, #tpu.memory_space<vmem>>, vector<16xf32>,
        %get3A_786 = arith.index_cast %add3A_777 : i32 to index
        %get3A_787 = arith.constant 16 : index
        %get3A_788 = tpu.vector_load %arg14[%get3A_786, %get3A_787] {strides = array<i32>} : memref<80x128xf32, #tpu.memory_space<vmem>>, vector<16xf32>,
        %mul3A_789 = vector.broadcast %squeeze3A_773 : f32 to vector<16xf32>
        %mul3A_790 = arith.mulf %get3A_788, %mul3A_789 : vector<16xf32>
        %swap3A_791 = arith.index_cast %add3A_777 : i32 to index
        %swap3A_792 = arith.constant 16 : index
        %swap3A_793 = tpu.vector_load %arg14[%swap3A_791, %swap3A_792] {strides = array<i32>} : memref<80x128xf32, #tpu.memory_space<vmem>>, vector<16xf32>,
        tpu.vector_store %arg14[%swap3A_791, %swap3A_792], %mul3A_790 {strides = array<i32>} : memref<80x128xf32, #tpu.memory_space<vmem>>, vector<16xf32>,
        %get3A_794 = arith.index_cast %add3A_777 : i32 to index
        %get3A_795 = arith.constant 32 : index
        %get3A_796 = tpu.vector_load %arg14[%get3A_794, %get3A_795] {strides = array<i32>} : memref<80x128xf32, #tpu.memory_space<vmem>>, vector<16xf32>,
        %mul3A_797 = vector.broadcast %squeeze3A_773 : f32 to vector<16xf32>
        %mul3A_798 = arith.mulf %get3A_796, %mul3A_797 : vector<16xf32>
        %swap3A_799 = arith.index_cast %add3A_777 : i32 to index
        %swap3A_800 = arith.constant 32 : index
        %swap3A_801 = tpu.vector_load %arg14[%swap3A_799, %swap3A_800] {strides = array<i32>} : memref<80x128xf32, #tpu.memory_space<vmem>>, vector<16xf32>,
        tpu.vector_store %arg14[%swap3A_799, %swap3A_800], %mul3A_798 {strides = array<i32>} : memref<80x128xf32, #tpu.memory_space<vmem>>, vector<16xf32>,
        %get3A_802 = arith.index_cast %add3A_777 : i32 to index
        %get3A_803 = arith.constant 48 : index
        %get3A_804 = tpu.vector_load %arg14[%get3A_802, %get3A_803] {strides = array<i32>} : memref<80x128xf32, #tpu.memory_space<vmem>>, vector<16xf32>,
        %mul3A_805 = vector.broadcast %squeeze3A_773 : f32 to vector<16xf32>
        %mul3A_806 = arith.mulf %get3A_804, %mul3A_805 : vector<16xf32>
        %swap3A_807 = arith.index_cast %add3A_777 : i32 to index
        %swap3A_808 = arith.constant 48 : index
        %swap3A_809 = tpu.vector_load %arg14[%swap3A_807, %swap3A_808] {strides = array<i32>} : memref<80x128xf32, #tpu.memory_space<vmem>>, vector<16xf32>,
        tpu.vector_store %arg14[%swap3A_807, %swap3A_808], %mul3A_806 {strides = array<i32>} : memref<80x128xf32, #tpu.memory_space<vmem>>, vector<16xf32>,
        %get3A_810 = arith.index_cast %add3A_777 : i32 to index
        %get3A_811 = arith.constant 64 : index
        %get3A_812 = tpu.vector_load %arg14[%get3A_810, %get3A_811] {strides = array<i32>} : memref<80x128xf32, #tpu.memory_space<vmem>>, vector<16xf32>,
        %mul3A_813 = vector.broadcast %squeeze3A_773 : f32 to vector<16xf32>
        %mul3A_814 = arith.mulf %get3A_812, %mul3A_813 : vector<16xf32>
        %swap3A_815 = arith.index_cast %add3A_777 : i32 to index
        %swap3A_816 = arith.constant 64 : index
        %swap3A_817 = tpu.vector_load %arg14[%swap3A_815, %swap3A_816] {strides = array<i32>} : memref<80x128xf32, #tpu.memory_space<vmem>>, vector<16xf32>,
        tpu.vector_store %arg14[%swap3A_815, %swap3A_816], %mul3A_814 {strides = array<i32>} : memref<80x128xf32, #tpu.memory_space<vmem>>, vector<16xf32>,
        %get3A_818 = arith.index_cast %add3A_777 : i32 to index
        %get3A_819 = arith.constant 80 : index
        %get3A_820 = tpu.vector_load %arg14[%get3A_818, %get3A_819] {strides = array<i32>} : memref<80x128xf32, #tpu.memory_space<vmem>>, vector<16xf32>,
        %mul3A_821 = vector.broadcast %squeeze3A_773 : f32 to vector<16xf32>
        %mul3A_822 = arith.mulf %get3A_820, %mul3A_821 : vector<16xf32>
        %swap3A_823 = arith.index_cast %add3A_777 : i32 to index
        %swap3A_824 = arith.constant 80 : index
        %swap3A_825 = tpu.vector_load %arg14[%swap3A_823, %swap3A_824] {strides = array<i32>} : memref<80x128xf32, #tpu.memory_space<vmem>>, vector<16xf32>,
        tpu.vector_store %arg14[%swap3A_823, %swap3A_824], %mul3A_822 {strides = array<i32>} : memref<80x128xf32, #tpu.memory_space<vmem>>, vector<16xf32>,
        %get3A_826 = arith.index_cast %add3A_777 : i32 to index
        %get3A_827 = arith.constant 96 : index
        %get3A_828 = tpu.vector_load %arg14[%get3A_826, %get3A_827] {strides = array<i32>} : memref<80x128xf32, #tpu.memory_space<vmem>>, vector<16xf32>,
        %mul3A_829 = vector.broadcast %squeeze3A_773 : f32 to vector<16xf32>
        %mul3A_830 = arith.mulf %get3A_828, %mul3A_829 : vector<16xf32>
        %swap3A_831 = arith.index_cast %add3A_777 : i32 to index
        %swap3A_832 = arith.constant 96 : index
        %swap3A_833 = tpu.vector_load %arg14[%swap3A_831, %swap3A_832] {strides = array<i32>} : memref<80x128xf32, #tpu.memory_space<vmem>>, vector<16xf32>,
        tpu.vector_store %arg14[%swap3A_831, %swap3A_832], %mul3A_830 {strides = array<i32>} : memref<80x128xf32, #tpu.memory_space<vmem>>, vector<16xf32>,
        %get3A_834 = arith.index_cast %add3A_777 : i32 to index
        %get3A_835 = arith.constant 112 : index
        %get3A_836 = tpu.vector_load %arg14[%get3A_834, %get3A_835] {strides = array<i32>} : memref<80x128xf32, #tpu.memory_space<vmem>>, vector<16xf32>,
        %mul3A_837 = vector.broadcast %squeeze3A_773 : f32 to vector<16xf32>
        %mul3A_838 = arith.mulf %get3A_836, %mul3A_837 : vector<16xf32>
        %swap3A_839 = arith.index_cast %add3A_777 : i32 to index
        %swap3A_840 = arith.constant 112 : index
        %swap3A_841 = tpu.vector_load %arg14[%swap3A_839, %swap3A_840] {strides = array<i32>} : memref<80x128xf32, #tpu.memory_space<vmem>>, vector<16xf32>,
        tpu.vector_store %arg14[%swap3A_839, %swap3A_840], %mul3A_838 {strides = array<i32>} : memref<80x128xf32, #tpu.memory_space<vmem>>, vector<16xf32>,
        %slice3A_842 = vector.extract_strided_slice %get3A_143 {offsets = [10], sizes = [1], strides = [1]} : vector<16xf32> to vector<1xf32>
        %squeeze3A_843 = vector.extract %slice3A_842[0] : f32 from vector<1xf32>
        %mul3A_844 = arith.constant 16 : i32
        %mul3A_845 = arith.muli %scan3A_138, %mul3A_844 : i32
        %add3A_846 = arith.constant 10 : i32
        %add3A_847 = arith.addi %mul3A_845, %add3A_846 : i32
        %get3A_848 = arith.index_cast %add3A_847 : i32 to index
        %get3A_849 = arith.constant 0 : index
        %get3A_850 = tpu.vector_load %arg14[%get3A_848, %get3A_849] {strides = array<i32>} : memref<80x128xf32, #tpu.memory_space<vmem>>, vector<16xf32>,
        %mul3A_851 = vector.broadcast %squeeze3A_843 : f32 to vector<16xf32>
        %mul3A_852 = arith.mulf %get3A_850, %mul3A_851 : vector<16xf32>
        %swap3A_853 = arith.index_cast %add3A_847 : i32 to index
        %swap3A_854 = arith.constant 0 : index
        %swap3A_855 = tpu.vector_load %arg14[%swap3A_853, %swap3A_854] {strides = array<i32>} : memref<80x128xf32, #tpu.memory_space<vmem>>, vector<16xf32>,
        tpu.vector_store %arg14[%swap3A_853, %swap3A_854], %mul3A_852 {strides = array<i32>} : memref<80x128xf32, #tpu.memory_space<vmem>>, vector<16xf32>,
        %get3A_856 = arith.index_cast %add3A_847 : i32 to index
        %get3A_857 = arith.constant 16 : index
        %get3A_858 = tpu.vector_load %arg14[%get3A_856, %get3A_857] {strides = array<i32>} : memref<80x128xf32, #tpu.memory_space<vmem>>, vector<16xf32>,
        %mul3A_859 = vector.broadcast %squeeze3A_843 : f32 to vector<16xf32>
        %mul3A_860 = arith.mulf %get3A_858, %mul3A_859 : vector<16xf32>
        %swap3A_861 = arith.index_cast %add3A_847 : i32 to index
        %swap3A_862 = arith.constant 16 : index
        %swap3A_863 = tpu.vector_load %arg14[%swap3A_861, %swap3A_862] {strides = array<i32>} : memref<80x128xf32, #tpu.memory_space<vmem>>, vector<16xf32>,
        tpu.vector_store %arg14[%swap3A_861, %swap3A_862], %mul3A_860 {strides = array<i32>} : memref<80x128xf32, #tpu.memory_space<vmem>>, vector<16xf32>,
        %get3A_864 = arith.index_cast %add3A_847 : i32 to index
        %get3A_865 = arith.constant 32 : index
        %get3A_866 = tpu.vector_load %arg14[%get3A_864, %get3A_865] {strides = array<i32>} : memref<80x128xf32, #tpu.memory_space<vmem>>, vector<16xf32>,
        %mul3A_867 = vector.broadcast %squeeze3A_843 : f32 to vector<16xf32>
        %mul3A_868 = arith.mulf %get3A_866, %mul3A_867 : vector<16xf32>
        %swap3A_869 = arith.index_cast %add3A_847 : i32 to index
        %swap3A_870 = arith.constant 32 : index
        %swap3A_871 = tpu.vector_load %arg14[%swap3A_869, %swap3A_870] {strides = array<i32>} : memref<80x128xf32, #tpu.memory_space<vmem>>, vector<16xf32>,
        tpu.vector_store %arg14[%swap3A_869, %swap3A_870], %mul3A_868 {strides = array<i32>} : memref<80x128xf32, #tpu.memory_space<vmem>>, vector<16xf32>,
        %get3A_872 = arith.index_cast %add3A_847 : i32 to index
        %get3A_873 = arith.constant 48 : index
        %get3A_874 = tpu.vector_load %arg14[%get3A_872, %get3A_873] {strides = array<i32>} : memref<80x128xf32, #tpu.memory_space<vmem>>, vector<16xf32>,
        %mul3A_875 = vector.broadcast %squeeze3A_843 : f32 to vector<16xf32>
        %mul3A_876 = arith.mulf %get3A_874, %mul3A_875 : vector<16xf32>
        %swap3A_877 = arith.index_cast %add3A_847 : i32 to index
        %swap3A_878 = arith.constant 48 : index
        %swap3A_879 = tpu.vector_load %arg14[%swap3A_877, %swap3A_878] {strides = array<i32>} : memref<80x128xf32, #tpu.memory_space<vmem>>, vector<16xf32>,
        tpu.vector_store %arg14[%swap3A_877, %swap3A_878], %mul3A_876 {strides = array<i32>} : memref<80x128xf32, #tpu.memory_space<vmem>>, vector<16xf32>,
        %get3A_880 = arith.index_cast %add3A_847 : i32 to index
        %get3A_881 = arith.constant 64 : index
        %get3A_882 = tpu.vector_load %arg14[%get3A_880, %get3A_881] {strides = array<i32>} : memref<80x128xf32, #tpu.memory_space<vmem>>, vector<16xf32>,
        %mul3A_883 = vector.broadcast %squeeze3A_843 : f32 to vector<16xf32>
        %mul3A_884 = arith.mulf %get3A_882, %mul3A_883 : vector<16xf32>
        %swap3A_885 = arith.index_cast %add3A_847 : i32 to index
        %swap3A_886 = arith.constant 64 : index
        %swap3A_887 = tpu.vector_load %arg14[%swap3A_885, %swap3A_886] {strides = array<i32>} : memref<80x128xf32, #tpu.memory_space<vmem>>, vector<16xf32>,
        tpu.vector_store %arg14[%swap3A_885, %swap3A_886], %mul3A_884 {strides = array<i32>} : memref<80x128xf32, #tpu.memory_space<vmem>>, vector<16xf32>,
        %get3A_888 = arith.index_cast %add3A_847 : i32 to index
        %get3A_889 = arith.constant 80 : index
        %get3A_890 = tpu.vector_load %arg14[%get3A_888, %get3A_889] {strides = array<i32>} : memref<80x128xf32, #tpu.memory_space<vmem>>, vector<16xf32>,
        %mul3A_891 = vector.broadcast %squeeze3A_843 : f32 to vector<16xf32>
        %mul3A_892 = arith.mulf %get3A_890, %mul3A_891 : vector<16xf32>
        %swap3A_893 = arith.index_cast %add3A_847 : i32 to index
        %swap3A_894 = arith.constant 80 : index
        %swap3A_895 = tpu.vector_load %arg14[%swap3A_893, %swap3A_894] {strides = array<i32>} : memref<80x128xf32, #tpu.memory_space<vmem>>, vector<16xf32>,
        tpu.vector_store %arg14[%swap3A_893, %swap3A_894], %mul3A_892 {strides = array<i32>} : memref<80x128xf32, #tpu.memory_space<vmem>>, vector<16xf32>,
        %get3A_896 = arith.index_cast %add3A_847 : i32 to index
        %get3A_897 = arith.constant 96 : index
        %get3A_898 = tpu.vector_load %arg14[%get3A_896, %get3A_897] {strides = array<i32>} : memref<80x128xf32, #tpu.memory_space<vmem>>, vector<16xf32>,
        %mul3A_899 = vector.broadcast %squeeze3A_843 : f32 to vector<16xf32>
        %mul3A_900 = arith.mulf %get3A_898, %mul3A_899 : vector<16xf32>
        %swap3A_901 = arith.index_cast %add3A_847 : i32 to index
        %swap3A_902 = arith.constant 96 : index
        %swap3A_903 = tpu.vector_load %arg14[%swap3A_901, %swap3A_902] {strides = array<i32>} : memref<80x128xf32, #tpu.memory_space<vmem>>, vector<16xf32>,
        tpu.vector_store %arg14[%swap3A_901, %swap3A_902], %mul3A_900 {strides = array<i32>} : memref<80x128xf32, #tpu.memory_space<vmem>>, vector<16xf32>,
        %get3A_904 = arith.index_cast %add3A_847 : i32 to index
        %get3A_905 = arith.constant 112 : index
        %get3A_906 = tpu.vector_load %arg14[%get3A_904, %get3A_905] {strides = array<i32>} : memref<80x128xf32, #tpu.memory_space<vmem>>, vector<16xf32>,
        %mul3A_907 = vector.broadcast %squeeze3A_843 : f32 to vector<16xf32>
        %mul3A_908 = arith.mulf %get3A_906, %mul3A_907 : vector<16xf32>
        %swap3A_909 = arith.index_cast %add3A_847 : i32 to index
        %swap3A_910 = arith.constant 112 : index
        %swap3A_911 = tpu.vector_load %arg14[%swap3A_909, %swap3A_910] {strides = array<i32>} : memref<80x128xf32, #tpu.memory_space<vmem>>, vector<16xf32>,
        tpu.vector_store %arg14[%swap3A_909, %swap3A_910], %mul3A_908 {strides = array<i32>} : memref<80x128xf32, #tpu.memory_space<vmem>>, vector<16xf32>,
        %slice3A_912 = vector.extract_strided_slice %get3A_143 {offsets = [11], sizes = [1], strides = [1]} : vector<16xf32> to vector<1xf32>
        %squeeze3A_913 = vector.extract %slice3A_912[0] : f32 from vector<1xf32>
        %mul3A_914 = arith.constant 16 : i32
        %mul3A_915 = arith.muli %scan3A_138, %mul3A_914 : i32
        %add3A_916 = arith.constant 11 : i32
        %add3A_917 = arith.addi %mul3A_915, %add3A_916 : i32
        %get3A_918 = arith.index_cast %add3A_917 : i32 to index
        %get3A_919 = arith.constant 0 : index
        %get3A_920 = tpu.vector_load %arg14[%get3A_918, %get3A_919] {strides = array<i32>} : memref<80x128xf32, #tpu.memory_space<vmem>>, vector<16xf32>,
        %mul3A_921 = vector.broadcast %squeeze3A_913 : f32 to vector<16xf32>
        %mul3A_922 = arith.mulf %get3A_920, %mul3A_921 : vector<16xf32>
        %swap3A_923 = arith.index_cast %add3A_917 : i32 to index
        %swap3A_924 = arith.constant 0 : index
        %swap3A_925 = tpu.vector_load %arg14[%swap3A_923, %swap3A_924] {strides = array<i32>} : memref<80x128xf32, #tpu.memory_space<vmem>>, vector<16xf32>,
        tpu.vector_store %arg14[%swap3A_923, %swap3A_924], %mul3A_922 {strides = array<i32>} : memref<80x128xf32, #tpu.memory_space<vmem>>, vector<16xf32>,
        %get3A_926 = arith.index_cast %add3A_917 : i32 to index
        %get3A_927 = arith.constant 16 : index
        %get3A_928 = tpu.vector_load %arg14[%get3A_926, %get3A_927] {strides = array<i32>} : memref<80x128xf32, #tpu.memory_space<vmem>>, vector<16xf32>,
        %mul3A_929 = vector.broadcast %squeeze3A_913 : f32 to vector<16xf32>
        %mul3A_930 = arith.mulf %get3A_928, %mul3A_929 : vector<16xf32>
        %swap3A_931 = arith.index_cast %add3A_917 : i32 to index
        %swap3A_932 = arith.constant 16 : index
        %swap3A_933 = tpu.vector_load %arg14[%swap3A_931, %swap3A_932] {strides = array<i32>} : memref<80x128xf32, #tpu.memory_space<vmem>>, vector<16xf32>,
        tpu.vector_store %arg14[%swap3A_931, %swap3A_932], %mul3A_930 {strides = array<i32>} : memref<80x128xf32, #tpu.memory_space<vmem>>, vector<16xf32>,
        %get3A_934 = arith.index_cast %add3A_917 : i32 to index
        %get3A_935 = arith.constant 32 : index
        %get3A_936 = tpu.vector_load %arg14[%get3A_934, %get3A_935] {strides = array<i32>} : memref<80x128xf32, #tpu.memory_space<vmem>>, vector<16xf32>,
        %mul3A_937 = vector.broadcast %squeeze3A_913 : f32 to vector<16xf32>
        %mul3A_938 = arith.mulf %get3A_936, %mul3A_937 : vector<16xf32>
        %swap3A_939 = arith.index_cast %add3A_917 : i32 to index
        %swap3A_940 = arith.constant 32 : index
        %swap3A_941 = tpu.vector_load %arg14[%swap3A_939, %swap3A_940] {strides = array<i32>} : memref<80x128xf32, #tpu.memory_space<vmem>>, vector<16xf32>,
        tpu.vector_store %arg14[%swap3A_939, %swap3A_940], %mul3A_938 {strides = array<i32>} : memref<80x128xf32, #tpu.memory_space<vmem>>, vector<16xf32>,
        %get3A_942 = arith.index_cast %add3A_917 : i32 to index
        %get3A_943 = arith.constant 48 : index
        %get3A_944 = tpu.vector_load %arg14[%get3A_942, %get3A_943] {strides = array<i32>} : memref<80x128xf32, #tpu.memory_space<vmem>>, vector<16xf32>,
        %mul3A_945 = vector.broadcast %squeeze3A_913 : f32 to vector<16xf32>
        %mul3A_946 = arith.mulf %get3A_944, %mul3A_945 : vector<16xf32>
        %swap3A_947 = arith.index_cast %add3A_917 : i32 to index
        %swap3A_948 = arith.constant 48 : index
        %swap3A_949 = tpu.vector_load %arg14[%swap3A_947, %swap3A_948] {strides = array<i32>} : memref<80x128xf32, #tpu.memory_space<vmem>>, vector<16xf32>,
        tpu.vector_store %arg14[%swap3A_947, %swap3A_948], %mul3A_946 {strides = array<i32>} : memref<80x128xf32, #tpu.memory_space<vmem>>, vector<16xf32>,
        %get3A_950 = arith.index_cast %add3A_917 : i32 to index
        %get3A_951 = arith.constant 64 : index
        %get3A_952 = tpu.vector_load %arg14[%get3A_950, %get3A_951] {strides = array<i32>} : memref<80x128xf32, #tpu.memory_space<vmem>>, vector<16xf32>,
        %mul3A_953 = vector.broadcast %squeeze3A_913 : f32 to vector<16xf32>
        %mul3A_954 = arith.mulf %get3A_952, %mul3A_953 : vector<16xf32>
        %swap3A_955 = arith.index_cast %add3A_917 : i32 to index
        %swap3A_956 = arith.constant 64 : index
        %swap3A_957 = tpu.vector_load %arg14[%swap3A_955, %swap3A_956] {strides = array<i32>} : memref<80x128xf32, #tpu.memory_space<vmem>>, vector<16xf32>,
        tpu.vector_store %arg14[%swap3A_955, %swap3A_956], %mul3A_954 {strides = array<i32>} : memref<80x128xf32, #tpu.memory_space<vmem>>, vector<16xf32>,
        %get3A_958 = arith.index_cast %add3A_917 : i32 to index
        %get3A_959 = arith.constant 80 : index
        %get3A_960 = tpu.vector_load %arg14[%get3A_958, %get3A_959] {strides = array<i32>} : memref<80x128xf32, #tpu.memory_space<vmem>>, vector<16xf32>,
        %mul3A_961 = vector.broadcast %squeeze3A_913 : f32 to vector<16xf32>
        %mul3A_962 = arith.mulf %get3A_960, %mul3A_961 : vector<16xf32>
        %swap3A_963 = arith.index_cast %add3A_917 : i32 to index
        %swap3A_964 = arith.constant 80 : index
        %swap3A_965 = tpu.vector_load %arg14[%swap3A_963, %swap3A_964] {strides = array<i32>} : memref<80x128xf32, #tpu.memory_space<vmem>>, vector<16xf32>,
        tpu.vector_store %arg14[%swap3A_963, %swap3A_964], %mul3A_962 {strides = array<i32>} : memref<80x128xf32, #tpu.memory_space<vmem>>, vector<16xf32>,
        %get3A_966 = arith.index_cast %add3A_917 : i32 to index
        %get3A_967 = arith.constant 96 : index
        %get3A_968 = tpu.vector_load %arg14[%get3A_966, %get3A_967] {strides = array<i32>} : memref<80x128xf32, #tpu.memory_space<vmem>>, vector<16xf32>,
        %mul3A_969 = vector.broadcast %squeeze3A_913 : f32 to vector<16xf32>
        %mul3A_970 = arith.mulf %get3A_968, %mul3A_969 : vector<16xf32>
        %swap3A_971 = arith.index_cast %add3A_917 : i32 to index
        %swap3A_972 = arith.constant 96 : index
        %swap3A_973 = tpu.vector_load %arg14[%swap3A_971, %swap3A_972] {strides = array<i32>} : memref<80x128xf32, #tpu.memory_space<vmem>>, vector<16xf32>,
        tpu.vector_store %arg14[%swap3A_971, %swap3A_972], %mul3A_970 {strides = array<i32>} : memref<80x128xf32, #tpu.memory_space<vmem>>, vector<16xf32>,
        %get3A_974 = arith.index_cast %add3A_917 : i32 to index
        %get3A_975 = arith.constant 112 : index
        %get3A_976 = tpu.vector_load %arg14[%get3A_974, %get3A_975] {strides = array<i32>} : memref<80x128xf32, #tpu.memory_space<vmem>>, vector<16xf32>,
        %mul3A_977 = vector.broadcast %squeeze3A_913 : f32 to vector<16xf32>
        %mul3A_978 = arith.mulf %get3A_976, %mul3A_977 : vector<16xf32>
        %swap3A_979 = arith.index_cast %add3A_917 : i32 to index
        %swap3A_980 = arith.constant 112 : index
        %swap3A_981 = tpu.vector_load %arg14[%swap3A_979, %swap3A_980] {strides = array<i32>} : memref<80x128xf32, #tpu.memory_space<vmem>>, vector<16xf32>,
        tpu.vector_store %arg14[%swap3A_979, %swap3A_980], %mul3A_978 {strides = array<i32>} : memref<80x128xf32, #tpu.memory_space<vmem>>, vector<16xf32>,
        %slice3A_982 = vector.extract_strided_slice %get3A_143 {offsets = [12], sizes = [1], strides = [1]} : vector<16xf32> to vector<1xf32>
        %squeeze3A_983 = vector.extract %slice3A_982[0] : f32 from vector<1xf32>
        %mul3A_984 = arith.constant 16 : i32
        %mul3A_985 = arith.muli %scan3A_138, %mul3A_984 : i32
        %add3A_986 = arith.constant 12 : i32
        %add3A_987 = arith.addi %mul3A_985, %add3A_986 : i32
        %get3A_988 = arith.index_cast %add3A_987 : i32 to index
        %get3A_989 = arith.constant 0 : index
        %get3A_990 = tpu.vector_load %arg14[%get3A_988, %get3A_989] {strides = array<i32>} : memref<80x128xf32, #tpu.memory_space<vmem>>, vector<16xf32>,
        %mul3A_991 = vector.broadcast %squeeze3A_983 : f32 to vector<16xf32>
        %mul3A_992 = arith.mulf %get3A_990, %mul3A_991 : vector<16xf32>
        %swap3A_993 = arith.index_cast %add3A_987 : i32 to index
        %swap3A_994 = arith.constant 0 : index
        %swap3A_995 = tpu.vector_load %arg14[%swap3A_993, %swap3A_994] {strides = array<i32>} : memref<80x128xf32, #tpu.memory_space<vmem>>, vector<16xf32>,
        tpu.vector_store %arg14[%swap3A_993, %swap3A_994], %mul3A_992 {strides = array<i32>} : memref<80x128xf32, #tpu.memory_space<vmem>>, vector<16xf32>,
        %get3A_996 = arith.index_cast %add3A_987 : i32 to index
        %get3A_997 = arith.constant 16 : index
        %get3A_998 = tpu.vector_load %arg14[%get3A_996, %get3A_997] {strides = array<i32>} : memref<80x128xf32, #tpu.memory_space<vmem>>, vector<16xf32>,
        %mul3A_999 = vector.broadcast %squeeze3A_983 : f32 to vector<16xf32>
        %mul3A_1000 = arith.mulf %get3A_998, %mul3A_999 : vector<16xf32>
        %swap3A_1001 = arith.index_cast %add3A_987 : i32 to index
        %swap3A_1002 = arith.constant 16 : index
        %swap3A_1003 = tpu.vector_load %arg14[%swap3A_1001, %swap3A_1002] {strides = array<i32>} : memref<80x128xf32, #tpu.memory_space<vmem>>, vector<16xf32>,
        tpu.vector_store %arg14[%swap3A_1001, %swap3A_1002], %mul3A_1000 {strides = array<i32>} : memref<80x128xf32, #tpu.memory_space<vmem>>, vector<16xf32>,
        %get3A_1004 = arith.index_cast %add3A_987 : i32 to index
        %get3A_1005 = arith.constant 32 : index
        %get3A_1006 = tpu.vector_load %arg14[%get3A_1004, %get3A_1005] {strides = array<i32>} : memref<80x128xf32, #tpu.memory_space<vmem>>, vector<16xf32>,
        %mul3A_1007 = vector.broadcast %squeeze3A_983 : f32 to vector<16xf32>
        %mul3A_1008 = arith.mulf %get3A_1006, %mul3A_1007 : vector<16xf32>
        %swap3A_1009 = arith.index_cast %add3A_987 : i32 to index
        %swap3A_1010 = arith.constant 32 : index
        %swap3A_1011 = tpu.vector_load %arg14[%swap3A_1009, %swap3A_1010] {strides = array<i32>} : memref<80x128xf32, #tpu.memory_space<vmem>>, vector<16xf32>,
        tpu.vector_store %arg14[%swap3A_1009, %swap3A_1010], %mul3A_1008 {strides = array<i32>} : memref<80x128xf32, #tpu.memory_space<vmem>>, vector<16xf32>,
        %get3A_1012 = arith.index_cast %add3A_987 : i32 to index
        %get3A_1013 = arith.constant 48 : index
        %get3A_1014 = tpu.vector_load %arg14[%get3A_1012, %get3A_1013] {strides = array<i32>} : memref<80x128xf32, #tpu.memory_space<vmem>>, vector<16xf32>,
        %mul3A_1015 = vector.broadcast %squeeze3A_983 : f32 to vector<16xf32>
        %mul3A_1016 = arith.mulf %get3A_1014, %mul3A_1015 : vector<16xf32>
        %swap3A_1017 = arith.index_cast %add3A_987 : i32 to index
        %swap3A_1018 = arith.constant 48 : index
        %swap3A_1019 = tpu.vector_load %arg14[%swap3A_1017, %swap3A_1018] {strides = array<i32>} : memref<80x128xf32, #tpu.memory_space<vmem>>, vector<16xf32>,
        tpu.vector_store %arg14[%swap3A_1017, %swap3A_1018], %mul3A_1016 {strides = array<i32>} : memref<80x128xf32, #tpu.memory_space<vmem>>, vector<16xf32>,
        %get3A_1020 = arith.index_cast %add3A_987 : i32 to index
        %get3A_1021 = arith.constant 64 : index
        %get3A_1022 = tpu.vector_load %arg14[%get3A_1020, %get3A_1021] {strides = array<i32>} : memref<80x128xf32, #tpu.memory_space<vmem>>, vector<16xf32>,
        %mul3A_1023 = vector.broadcast %squeeze3A_983 : f32 to vector<16xf32>
        %mul3A_1024 = arith.mulf %get3A_1022, %mul3A_1023 : vector<16xf32>
        %swap3A_1025 = arith.index_cast %add3A_987 : i32 to index
        %swap3A_1026 = arith.constant 64 : index
        %swap3A_1027 = tpu.vector_load %arg14[%swap3A_1025, %swap3A_1026] {strides = array<i32>} : memref<80x128xf32, #tpu.memory_space<vmem>>, vector<16xf32>,
        tpu.vector_store %arg14[%swap3A_1025, %swap3A_1026], %mul3A_1024 {strides = array<i32>} : memref<80x128xf32, #tpu.memory_space<vmem>>, vector<16xf32>,
        %get3A_1028 = arith.index_cast %add3A_987 : i32 to index
        %get3A_1029 = arith.constant 80 : index
        %get3A_1030 = tpu.vector_load %arg14[%get3A_1028, %get3A_1029] {strides = array<i32>} : memref<80x128xf32, #tpu.memory_space<vmem>>, vector<16xf32>,
        %mul3A_1031 = vector.broadcast %squeeze3A_983 : f32 to vector<16xf32>
        %mul3A_1032 = arith.mulf %get3A_1030, %mul3A_1031 : vector<16xf32>
        %swap3A_1033 = arith.index_cast %add3A_987 : i32 to index
        %swap3A_1034 = arith.constant 80 : index
        %swap3A_1035 = tpu.vector_load %arg14[%swap3A_1033, %swap3A_1034] {strides = array<i32>} : memref<80x128xf32, #tpu.memory_space<vmem>>, vector<16xf32>,
        tpu.vector_store %arg14[%swap3A_1033, %swap3A_1034], %mul3A_1032 {strides = array<i32>} : memref<80x128xf32, #tpu.memory_space<vmem>>, vector<16xf32>,
        %get3A_1036 = arith.index_cast %add3A_987 : i32 to index
        %get3A_1037 = arith.constant 96 : index
        %get3A_1038 = tpu.vector_load %arg14[%get3A_1036, %get3A_1037] {strides = array<i32>} : memref<80x128xf32, #tpu.memory_space<vmem>>, vector<16xf32>,
        %mul3A_1039 = vector.broadcast %squeeze3A_983 : f32 to vector<16xf32>
        %mul3A_1040 = arith.mulf %get3A_1038, %mul3A_1039 : vector<16xf32>
        %swap3A_1041 = arith.index_cast %add3A_987 : i32 to index
        %swap3A_1042 = arith.constant 96 : index
        %swap3A_1043 = tpu.vector_load %arg14[%swap3A_1041, %swap3A_1042] {strides = array<i32>} : memref<80x128xf32, #tpu.memory_space<vmem>>, vector<16xf32>,
        tpu.vector_store %arg14[%swap3A_1041, %swap3A_1042], %mul3A_1040 {strides = array<i32>} : memref<80x128xf32, #tpu.memory_space<vmem>>, vector<16xf32>,
        %get3A_1044 = arith.index_cast %add3A_987 : i32 to index
        %get3A_1045 = arith.constant 112 : index
        %get3A_1046 = tpu.vector_load %arg14[%get3A_1044, %get3A_1045] {strides = array<i32>} : memref<80x128xf32, #tpu.memory_space<vmem>>, vector<16xf32>,
        %mul3A_1047 = vector.broadcast %squeeze3A_983 : f32 to vector<16xf32>
        %mul3A_1048 = arith.mulf %get3A_1046, %mul3A_1047 : vector<16xf32>
        %swap3A_1049 = arith.index_cast %add3A_987 : i32 to index
        %swap3A_1050 = arith.constant 112 : index
        %swap3A_1051 = tpu.vector_load %arg14[%swap3A_1049, %swap3A_1050] {strides = array<i32>} : memref<80x128xf32, #tpu.memory_space<vmem>>, vector<16xf32>,
        tpu.vector_store %arg14[%swap3A_1049, %swap3A_1050], %mul3A_1048 {strides = array<i32>} : memref<80x128xf32, #tpu.memory_space<vmem>>, vector<16xf32>,
        %slice3A_1052 = vector.extract_strided_slice %get3A_143 {offsets = [13], sizes = [1], strides = [1]} : vector<16xf32> to vector<1xf32>
        %squeeze3A_1053 = vector.extract %slice3A_1052[0] : f32 from vector<1xf32>
        %mul3A_1054 = arith.constant 16 : i32
        %mul3A_1055 = arith.muli %scan3A_138, %mul3A_1054 : i32
        %add3A_1056 = arith.constant 13 : i32
        %add3A_1057 = arith.addi %mul3A_1055, %add3A_1056 : i32
        %get3A_1058 = arith.index_cast %add3A_1057 : i32 to index
        %get3A_1059 = arith.constant 0 : index
        %get3A_1060 = tpu.vector_load %arg14[%get3A_1058, %get3A_1059] {strides = array<i32>} : memref<80x128xf32, #tpu.memory_space<vmem>>, vector<16xf32>,
        %mul3A_1061 = vector.broadcast %squeeze3A_1053 : f32 to vector<16xf32>
        %mul3A_1062 = arith.mulf %get3A_1060, %mul3A_1061 : vector<16xf32>
        %swap3A_1063 = arith.index_cast %add3A_1057 : i32 to index
        %swap3A_1064 = arith.constant 0 : index
        %swap3A_1065 = tpu.vector_load %arg14[%swap3A_1063, %swap3A_1064] {strides = array<i32>} : memref<80x128xf32, #tpu.memory_space<vmem>>, vector<16xf32>,
        tpu.vector_store %arg14[%swap3A_1063, %swap3A_1064], %mul3A_1062 {strides = array<i32>} : memref<80x128xf32, #tpu.memory_space<vmem>>, vector<16xf32>,
        %get3A_1066 = arith.index_cast %add3A_1057 : i32 to index
        %get3A_1067 = arith.constant 16 : index
        %get3A_1068 = tpu.vector_load %arg14[%get3A_1066, %get3A_1067] {strides = array<i32>} : memref<80x128xf32, #tpu.memory_space<vmem>>, vector<16xf32>,
        %mul3A_1069 = vector.broadcast %squeeze3A_1053 : f32 to vector<16xf32>
        %mul3A_1070 = arith.mulf %get3A_1068, %mul3A_1069 : vector<16xf32>
        %swap3A_1071 = arith.index_cast %add3A_1057 : i32 to index
        %swap3A_1072 = arith.constant 16 : index
        %swap3A_1073 = tpu.vector_load %arg14[%swap3A_1071, %swap3A_1072] {strides = array<i32>} : memref<80x128xf32, #tpu.memory_space<vmem>>, vector<16xf32>,
        tpu.vector_store %arg14[%swap3A_1071, %swap3A_1072], %mul3A_1070 {strides = array<i32>} : memref<80x128xf32, #tpu.memory_space<vmem>>, vector<16xf32>,
        %get3A_1074 = arith.index_cast %add3A_1057 : i32 to index
        %get3A_1075 = arith.constant 32 : index
        %get3A_1076 = tpu.vector_load %arg14[%get3A_1074, %get3A_1075] {strides = array<i32>} : memref<80x128xf32, #tpu.memory_space<vmem>>, vector<16xf32>,
        %mul3A_1077 = vector.broadcast %squeeze3A_1053 : f32 to vector<16xf32>
        %mul3A_1078 = arith.mulf %get3A_1076, %mul3A_1077 : vector<16xf32>
        %swap3A_1079 = arith.index_cast %add3A_1057 : i32 to index
        %swap3A_1080 = arith.constant 32 : index
        %swap3A_1081 = tpu.vector_load %arg14[%swap3A_1079, %swap3A_1080] {strides = array<i32>} : memref<80x128xf32, #tpu.memory_space<vmem>>, vector<16xf32>,
        tpu.vector_store %arg14[%swap3A_1079, %swap3A_1080], %mul3A_1078 {strides = array<i32>} : memref<80x128xf32, #tpu.memory_space<vmem>>, vector<16xf32>,
        %get3A_1082 = arith.index_cast %add3A_1057 : i32 to index
        %get3A_1083 = arith.constant 48 : index
        %get3A_1084 = tpu.vector_load %arg14[%get3A_1082, %get3A_1083] {strides = array<i32>} : memref<80x128xf32, #tpu.memory_space<vmem>>, vector<16xf32>,
        %mul3A_1085 = vector.broadcast %squeeze3A_1053 : f32 to vector<16xf32>
        %mul3A_1086 = arith.mulf %get3A_1084, %mul3A_1085 : vector<16xf32>
        %swap3A_1087 = arith.index_cast %add3A_1057 : i32 to index
        %swap3A_1088 = arith.constant 48 : index
        %swap3A_1089 = tpu.vector_load %arg14[%swap3A_1087, %swap3A_1088] {strides = array<i32>} : memref<80x128xf32, #tpu.memory_space<vmem>>, vector<16xf32>,
        tpu.vector_store %arg14[%swap3A_1087, %swap3A_1088], %mul3A_1086 {strides = array<i32>} : memref<80x128xf32, #tpu.memory_space<vmem>>, vector<16xf32>,
        %get3A_1090 = arith.index_cast %add3A_1057 : i32 to index
        %get3A_1091 = arith.constant 64 : index
        %get3A_1092 = tpu.vector_load %arg14[%get3A_1090, %get3A_1091] {strides = array<i32>} : memref<80x128xf32, #tpu.memory_space<vmem>>, vector<16xf32>,
        %mul3A_1093 = vector.broadcast %squeeze3A_1053 : f32 to vector<16xf32>
        %mul3A_1094 = arith.mulf %get3A_1092, %mul3A_1093 : vector<16xf32>
        %swap3A_1095 = arith.index_cast %add3A_1057 : i32 to index
        %swap3A_1096 = arith.constant 64 : index
        %swap3A_1097 = tpu.vector_load %arg14[%swap3A_1095, %swap3A_1096] {strides = array<i32>} : memref<80x128xf32, #tpu.memory_space<vmem>>, vector<16xf32>,
        tpu.vector_store %arg14[%swap3A_1095, %swap3A_1096], %mul3A_1094 {strides = array<i32>} : memref<80x128xf32, #tpu.memory_space<vmem>>, vector<16xf32>,
        %get3A_1098 = arith.index_cast %add3A_1057 : i32 to index
        %get3A_1099 = arith.constant 80 : index
        %get3A_1100 = tpu.vector_load %arg14[%get3A_1098, %get3A_1099] {strides = array<i32>} : memref<80x128xf32, #tpu.memory_space<vmem>>, vector<16xf32>,
        %mul3A_1101 = vector.broadcast %squeeze3A_1053 : f32 to vector<16xf32>
        %mul3A_1102 = arith.mulf %get3A_1100, %mul3A_1101 : vector<16xf32>
        %swap3A_1103 = arith.index_cast %add3A_1057 : i32 to index
        %swap3A_1104 = arith.constant 80 : index
        %swap3A_1105 = tpu.vector_load %arg14[%swap3A_1103, %swap3A_1104] {strides = array<i32>} : memref<80x128xf32, #tpu.memory_space<vmem>>, vector<16xf32>,
        tpu.vector_store %arg14[%swap3A_1103, %swap3A_1104], %mul3A_1102 {strides = array<i32>} : memref<80x128xf32, #tpu.memory_space<vmem>>, vector<16xf32>,
        %get3A_1106 = arith.index_cast %add3A_1057 : i32 to index
        %get3A_1107 = arith.constant 96 : index
        %get3A_1108 = tpu.vector_load %arg14[%get3A_1106, %get3A_1107] {strides = array<i32>} : memref<80x128xf32, #tpu.memory_space<vmem>>, vector<16xf32>,
        %mul3A_1109 = vector.broadcast %squeeze3A_1053 : f32 to vector<16xf32>
        %mul3A_1110 = arith.mulf %get3A_1108, %mul3A_1109 : vector<16xf32>
        %swap3A_1111 = arith.index_cast %add3A_1057 : i32 to index
        %swap3A_1112 = arith.constant 96 : index
        %swap3A_1113 = tpu.vector_load %arg14[%swap3A_1111, %swap3A_1112] {strides = array<i32>} : memref<80x128xf32, #tpu.memory_space<vmem>>, vector<16xf32>,
        tpu.vector_store %arg14[%swap3A_1111, %swap3A_1112], %mul3A_1110 {strides = array<i32>} : memref<80x128xf32, #tpu.memory_space<vmem>>, vector<16xf32>,
        %get3A_1114 = arith.index_cast %add3A_1057 : i32 to index
        %get3A_1115 = arith.constant 112 : index
        %get3A_1116 = tpu.vector_load %arg14[%get3A_1114, %get3A_1115] {strides = array<i32>} : memref<80x128xf32, #tpu.memory_space<vmem>>, vector<16xf32>,
        %mul3A_1117 = vector.broadcast %squeeze3A_1053 : f32 to vector<16xf32>
        %mul3A_1118 = arith.mulf %get3A_1116, %mul3A_1117 : vector<16xf32>
        %swap3A_1119 = arith.index_cast %add3A_1057 : i32 to index
        %swap3A_1120 = arith.constant 112 : index
        %swap3A_1121 = tpu.vector_load %arg14[%swap3A_1119, %swap3A_1120] {strides = array<i32>} : memref<80x128xf32, #tpu.memory_space<vmem>>, vector<16xf32>,
        tpu.vector_store %arg14[%swap3A_1119, %swap3A_1120], %mul3A_1118 {strides = array<i32>} : memref<80x128xf32, #tpu.memory_space<vmem>>, vector<16xf32>,
        %slice3A_1122 = vector.extract_strided_slice %get3A_143 {offsets = [14], sizes = [1], strides = [1]} : vector<16xf32> to vector<1xf32>
        %squeeze3A_1123 = vector.extract %slice3A_1122[0] : f32 from vector<1xf32>
        %mul3A_1124 = arith.constant 16 : i32
        %mul3A_1125 = arith.muli %scan3A_138, %mul3A_1124 : i32
        %add3A_1126 = arith.constant 14 : i32
        %add3A_1127 = arith.addi %mul3A_1125, %add3A_1126 : i32
        %get3A_1128 = arith.index_cast %add3A_1127 : i32 to index
        %get3A_1129 = arith.constant 0 : index
        %get3A_1130 = tpu.vector_load %arg14[%get3A_1128, %get3A_1129] {strides = array<i32>} : memref<80x128xf32, #tpu.memory_space<vmem>>, vector<16xf32>,
        %mul3A_1131 = vector.broadcast %squeeze3A_1123 : f32 to vector<16xf32>
        %mul3A_1132 = arith.mulf %get3A_1130, %mul3A_1131 : vector<16xf32>
        %swap3A_1133 = arith.index_cast %add3A_1127 : i32 to index
        %swap3A_1134 = arith.constant 0 : index
        %swap3A_1135 = tpu.vector_load %arg14[%swap3A_1133, %swap3A_1134] {strides = array<i32>} : memref<80x128xf32, #tpu.memory_space<vmem>>, vector<16xf32>,
        tpu.vector_store %arg14[%swap3A_1133, %swap3A_1134], %mul3A_1132 {strides = array<i32>} : memref<80x128xf32, #tpu.memory_space<vmem>>, vector<16xf32>,
        %get3A_1136 = arith.index_cast %add3A_1127 : i32 to index
        %get3A_1137 = arith.constant 16 : index
        %get3A_1138 = tpu.vector_load %arg14[%get3A_1136, %get3A_1137] {strides = array<i32>} : memref<80x128xf32, #tpu.memory_space<vmem>>, vector<16xf32>,
        %mul3A_1139 = vector.broadcast %squeeze3A_1123 : f32 to vector<16xf32>
        %mul3A_1140 = arith.mulf %get3A_1138, %mul3A_1139 : vector<16xf32>
        %swap3A_1141 = arith.index_cast %add3A_1127 : i32 to index
        %swap3A_1142 = arith.constant 16 : index
        %swap3A_1143 = tpu.vector_load %arg14[%swap3A_1141, %swap3A_1142] {strides = array<i32>} : memref<80x128xf32, #tpu.memory_space<vmem>>, vector<16xf32>,
        tpu.vector_store %arg14[%swap3A_1141, %swap3A_1142], %mul3A_1140 {strides = array<i32>} : memref<80x128xf32, #tpu.memory_space<vmem>>, vector<16xf32>,
        %get3A_1144 = arith.index_cast %add3A_1127 : i32 to index
        %get3A_1145 = arith.constant 32 : index
        %get3A_1146 = tpu.vector_load %arg14[%get3A_1144, %get3A_1145] {strides = array<i32>} : memref<80x128xf32, #tpu.memory_space<vmem>>, vector<16xf32>,
        %mul3A_1147 = vector.broadcast %squeeze3A_1123 : f32 to vector<16xf32>
        %mul3A_1148 = arith.mulf %get3A_1146, %mul3A_1147 : vector<16xf32>
        %swap3A_1149 = arith.index_cast %add3A_1127 : i32 to index
        %swap3A_1150 = arith.constant 32 : index
        %swap3A_1151 = tpu.vector_load %arg14[%swap3A_1149, %swap3A_1150] {strides = array<i32>} : memref<80x128xf32, #tpu.memory_space<vmem>>, vector<16xf32>,
        tpu.vector_store %arg14[%swap3A_1149, %swap3A_1150], %mul3A_1148 {strides = array<i32>} : memref<80x128xf32, #tpu.memory_space<vmem>>, vector<16xf32>,
        %get3A_1152 = arith.index_cast %add3A_1127 : i32 to index
        %get3A_1153 = arith.constant 48 : index
        %get3A_1154 = tpu.vector_load %arg14[%get3A_1152, %get3A_1153] {strides = array<i32>} : memref<80x128xf32, #tpu.memory_space<vmem>>, vector<16xf32>,
        %mul3A_1155 = vector.broadcast %squeeze3A_1123 : f32 to vector<16xf32>
        %mul3A_1156 = arith.mulf %get3A_1154, %mul3A_1155 : vector<16xf32>
        %swap3A_1157 = arith.index_cast %add3A_1127 : i32 to index
        %swap3A_1158 = arith.constant 48 : index
        %swap3A_1159 = tpu.vector_load %arg14[%swap3A_1157, %swap3A_1158] {strides = array<i32>} : memref<80x128xf32, #tpu.memory_space<vmem>>, vector<16xf32>,
        tpu.vector_store %arg14[%swap3A_1157, %swap3A_1158], %mul3A_1156 {strides = array<i32>} : memref<80x128xf32, #tpu.memory_space<vmem>>, vector<16xf32>,
        %get3A_1160 = arith.index_cast %add3A_1127 : i32 to index
        %get3A_1161 = arith.constant 64 : index
        %get3A_1162 = tpu.vector_load %arg14[%get3A_1160, %get3A_1161] {strides = array<i32>} : memref<80x128xf32, #tpu.memory_space<vmem>>, vector<16xf32>,
        %mul3A_1163 = vector.broadcast %squeeze3A_1123 : f32 to vector<16xf32>
        %mul3A_1164 = arith.mulf %get3A_1162, %mul3A_1163 : vector<16xf32>
        %swap3A_1165 = arith.index_cast %add3A_1127 : i32 to index
        %swap3A_1166 = arith.constant 64 : index
        %swap3A_1167 = tpu.vector_load %arg14[%swap3A_1165, %swap3A_1166] {strides = array<i32>} : memref<80x128xf32, #tpu.memory_space<vmem>>, vector<16xf32>,
        tpu.vector_store %arg14[%swap3A_1165, %swap3A_1166], %mul3A_1164 {strides = array<i32>} : memref<80x128xf32, #tpu.memory_space<vmem>>, vector<16xf32>,
        %get3A_1168 = arith.index_cast %add3A_1127 : i32 to index
        %get3A_1169 = arith.constant 80 : index
        %get3A_1170 = tpu.vector_load %arg14[%get3A_1168, %get3A_1169] {strides = array<i32>} : memref<80x128xf32, #tpu.memory_space<vmem>>, vector<16xf32>,
        %mul3A_1171 = vector.broadcast %squeeze3A_1123 : f32 to vector<16xf32>
        %mul3A_1172 = arith.mulf %get3A_1170, %mul3A_1171 : vector<16xf32>
        %swap3A_1173 = arith.index_cast %add3A_1127 : i32 to index
        %swap3A_1174 = arith.constant 80 : index
        %swap3A_1175 = tpu.vector_load %arg14[%swap3A_1173, %swap3A_1174] {strides = array<i32>} : memref<80x128xf32, #tpu.memory_space<vmem>>, vector<16xf32>,
        tpu.vector_store %arg14[%swap3A_1173, %swap3A_1174], %mul3A_1172 {strides = array<i32>} : memref<80x128xf32, #tpu.memory_space<vmem>>, vector<16xf32>,
        %get3A_1176 = arith.index_cast %add3A_1127 : i32 to index
        %get3A_1177 = arith.constant 96 : index
        %get3A_1178 = tpu.vector_load %arg14[%get3A_1176, %get3A_1177] {strides = array<i32>} : memref<80x128xf32, #tpu.memory_space<vmem>>, vector<16xf32>,
        %mul3A_1179 = vector.broadcast %squeeze3A_1123 : f32 to vector<16xf32>
        %mul3A_1180 = arith.mulf %get3A_1178, %mul3A_1179 : vector<16xf32>
        %swap3A_1181 = arith.index_cast %add3A_1127 : i32 to index
        %swap3A_1182 = arith.constant 96 : index
        %swap3A_1183 = tpu.vector_load %arg14[%swap3A_1181, %swap3A_1182] {strides = array<i32>} : memref<80x128xf32, #tpu.memory_space<vmem>>, vector<16xf32>,
        tpu.vector_store %arg14[%swap3A_1181, %swap3A_1182], %mul3A_1180 {strides = array<i32>} : memref<80x128xf32, #tpu.memory_space<vmem>>, vector<16xf32>,
        %get3A_1184 = arith.index_cast %add3A_1127 : i32 to index
        %get3A_1185 = arith.constant 112 : index
        %get3A_1186 = tpu.vector_load %arg14[%get3A_1184, %get3A_1185] {strides = array<i32>} : memref<80x128xf32, #tpu.memory_space<vmem>>, vector<16xf32>,
        %mul3A_1187 = vector.broadcast %squeeze3A_1123 : f32 to vector<16xf32>
        %mul3A_1188 = arith.mulf %get3A_1186, %mul3A_1187 : vector<16xf32>
        %swap3A_1189 = arith.index_cast %add3A_1127 : i32 to index
        %swap3A_1190 = arith.constant 112 : index
        %swap3A_1191 = tpu.vector_load %arg14[%swap3A_1189, %swap3A_1190] {strides = array<i32>} : memref<80x128xf32, #tpu.memory_space<vmem>>, vector<16xf32>,
        tpu.vector_store %arg14[%swap3A_1189, %swap3A_1190], %mul3A_1188 {strides = array<i32>} : memref<80x128xf32, #tpu.memory_space<vmem>>, vector<16xf32>,
        %slice3A_1192 = vector.extract_strided_slice %get3A_143 {offsets = [15], sizes = [1], strides = [1]} : vector<16xf32> to vector<1xf32>
        %squeeze3A_1193 = vector.extract %slice3A_1192[0] : f32 from vector<1xf32>
        %mul3A_1194 = arith.constant 16 : i32
        %mul3A_1195 = arith.muli %scan3A_138, %mul3A_1194 : i32
        %add3A_1196 = arith.constant 15 : i32
        %add3A_1197 = arith.addi %mul3A_1195, %add3A_1196 : i32
        %get3A_1198 = arith.index_cast %add3A_1197 : i32 to index
        %get3A_1199 = arith.constant 0 : index
        %get3A_1200 = tpu.vector_load %arg14[%get3A_1198, %get3A_1199] {strides = array<i32>} : memref<80x128xf32, #tpu.memory_space<vmem>>, vector<16xf32>,
        %mul3A_1201 = vector.broadcast %squeeze3A_1193 : f32 to vector<16xf32>
        %mul3A_1202 = arith.mulf %get3A_1200, %mul3A_1201 : vector<16xf32>
        %swap3A_1203 = arith.index_cast %add3A_1197 : i32 to index
        %swap3A_1204 = arith.constant 0 : index
        %swap3A_1205 = tpu.vector_load %arg14[%swap3A_1203, %swap3A_1204] {strides = array<i32>} : memref<80x128xf32, #tpu.memory_space<vmem>>, vector<16xf32>,
        tpu.vector_store %arg14[%swap3A_1203, %swap3A_1204], %mul3A_1202 {strides = array<i32>} : memref<80x128xf32, #tpu.memory_space<vmem>>, vector<16xf32>,
        %get3A_1206 = arith.index_cast %add3A_1197 : i32 to index
        %get3A_1207 = arith.constant 16 : index
        %get3A_1208 = tpu.vector_load %arg14[%get3A_1206, %get3A_1207] {strides = array<i32>} : memref<80x128xf32, #tpu.memory_space<vmem>>, vector<16xf32>,
        %mul3A_1209 = vector.broadcast %squeeze3A_1193 : f32 to vector<16xf32>
        %mul3A_1210 = arith.mulf %get3A_1208, %mul3A_1209 : vector<16xf32>
        %swap3A_1211 = arith.index_cast %add3A_1197 : i32 to index
        %swap3A_1212 = arith.constant 16 : index
        %swap3A_1213 = tpu.vector_load %arg14[%swap3A_1211, %swap3A_1212] {strides = array<i32>} : memref<80x128xf32, #tpu.memory_space<vmem>>, vector<16xf32>,
        tpu.vector_store %arg14[%swap3A_1211, %swap3A_1212], %mul3A_1210 {strides = array<i32>} : memref<80x128xf32, #tpu.memory_space<vmem>>, vector<16xf32>,
        %get3A_1214 = arith.index_cast %add3A_1197 : i32 to index
        %get3A_1215 = arith.constant 32 : index
        %get3A_1216 = tpu.vector_load %arg14[%get3A_1214, %get3A_1215] {strides = array<i32>} : memref<80x128xf32, #tpu.memory_space<vmem>>, vector<16xf32>,
        %mul3A_1217 = vector.broadcast %squeeze3A_1193 : f32 to vector<16xf32>
        %mul3A_1218 = arith.mulf %get3A_1216, %mul3A_1217 : vector<16xf32>
        %swap3A_1219 = arith.index_cast %add3A_1197 : i32 to index
        %swap3A_1220 = arith.constant 32 : index
        %swap3A_1221 = tpu.vector_load %arg14[%swap3A_1219, %swap3A_1220] {strides = array<i32>} : memref<80x128xf32, #tpu.memory_space<vmem>>, vector<16xf32>,
        tpu.vector_store %arg14[%swap3A_1219, %swap3A_1220], %mul3A_1218 {strides = array<i32>} : memref<80x128xf32, #tpu.memory_space<vmem>>, vector<16xf32>,
        %get3A_1222 = arith.index_cast %add3A_1197 : i32 to index
        %get3A_1223 = arith.constant 48 : index
        %get3A_1224 = tpu.vector_load %arg14[%get3A_1222, %get3A_1223] {strides = array<i32>} : memref<80x128xf32, #tpu.memory_space<vmem>>, vector<16xf32>,
        %mul3A_1225 = vector.broadcast %squeeze3A_1193 : f32 to vector<16xf32>
        %mul3A_1226 = arith.mulf %get3A_1224, %mul3A_1225 : vector<16xf32>
        %swap3A_1227 = arith.index_cast %add3A_1197 : i32 to index
        %swap3A_1228 = arith.constant 48 : index
        %swap3A_1229 = tpu.vector_load %arg14[%swap3A_1227, %swap3A_1228] {strides = array<i32>} : memref<80x128xf32, #tpu.memory_space<vmem>>, vector<16xf32>,
        tpu.vector_store %arg14[%swap3A_1227, %swap3A_1228], %mul3A_1226 {strides = array<i32>} : memref<80x128xf32, #tpu.memory_space<vmem>>, vector<16xf32>,
        %get3A_1230 = arith.index_cast %add3A_1197 : i32 to index
        %get3A_1231 = arith.constant 64 : index
        %get3A_1232 = tpu.vector_load %arg14[%get3A_1230, %get3A_1231] {strides = array<i32>} : memref<80x128xf32, #tpu.memory_space<vmem>>, vector<16xf32>,
        %mul3A_1233 = vector.broadcast %squeeze3A_1193 : f32 to vector<16xf32>
        %mul3A_1234 = arith.mulf %get3A_1232, %mul3A_1233 : vector<16xf32>
        %swap3A_1235 = arith.index_cast %add3A_1197 : i32 to index
        %swap3A_1236 = arith.constant 64 : index
        %swap3A_1237 = tpu.vector_load %arg14[%swap3A_1235, %swap3A_1236] {strides = array<i32>} : memref<80x128xf32, #tpu.memory_space<vmem>>, vector<16xf32>,
        tpu.vector_store %arg14[%swap3A_1235, %swap3A_1236], %mul3A_1234 {strides = array<i32>} : memref<80x128xf32, #tpu.memory_space<vmem>>, vector<16xf32>,
        %get3A_1238 = arith.index_cast %add3A_1197 : i32 to index
        %get3A_1239 = arith.constant 80 : index
        %get3A_1240 = tpu.vector_load %arg14[%get3A_1238, %get3A_1239] {strides = array<i32>} : memref<80x128xf32, #tpu.memory_space<vmem>>, vector<16xf32>,
        %mul3A_1241 = vector.broadcast %squeeze3A_1193 : f32 to vector<16xf32>
        %mul3A_1242 = arith.mulf %get3A_1240, %mul3A_1241 : vector<16xf32>
        %swap3A_1243 = arith.index_cast %add3A_1197 : i32 to index
        %swap3A_1244 = arith.constant 80 : index
        %swap3A_1245 = tpu.vector_load %arg14[%swap3A_1243, %swap3A_1244] {strides = array<i32>} : memref<80x128xf32, #tpu.memory_space<vmem>>, vector<16xf32>,
        tpu.vector_store %arg14[%swap3A_1243, %swap3A_1244], %mul3A_1242 {strides = array<i32>} : memref<80x128xf32, #tpu.memory_space<vmem>>, vector<16xf32>,
        %get3A_1246 = arith.index_cast %add3A_1197 : i32 to index
        %get3A_1247 = arith.constant 96 : index
        %get3A_1248 = tpu.vector_load %arg14[%get3A_1246, %get3A_1247] {strides = array<i32>} : memref<80x128xf32, #tpu.memory_space<vmem>>, vector<16xf32>,
        %mul3A_1249 = vector.broadcast %squeeze3A_1193 : f32 to vector<16xf32>
        %mul3A_1250 = arith.mulf %get3A_1248, %mul3A_1249 : vector<16xf32>
        %swap3A_1251 = arith.index_cast %add3A_1197 : i32 to index
        %swap3A_1252 = arith.constant 96 : index
        %swap3A_1253 = tpu.vector_load %arg14[%swap3A_1251, %swap3A_1252] {strides = array<i32>} : memref<80x128xf32, #tpu.memory_space<vmem>>, vector<16xf32>,
        tpu.vector_store %arg14[%swap3A_1251, %swap3A_1252], %mul3A_1250 {strides = array<i32>} : memref<80x128xf32, #tpu.memory_space<vmem>>, vector<16xf32>,
        %get3A_1254 = arith.index_cast %add3A_1197 : i32 to index
        %get3A_1255 = arith.constant 112 : index
        %get3A_1256 = tpu.vector_load %arg14[%get3A_1254, %get3A_1255] {strides = array<i32>} : memref<80x128xf32, #tpu.memory_space<vmem>>, vector<16xf32>,
        %mul3A_1257 = vector.broadcast %squeeze3A_1193 : f32 to vector<16xf32>
        %mul3A_1258 = arith.mulf %get3A_1256, %mul3A_1257 : vector<16xf32>
        %swap3A_1259 = arith.index_cast %add3A_1197 : i32 to index
        %swap3A_1260 = arith.constant 112 : index
        %swap3A_1261 = tpu.vector_load %arg14[%swap3A_1259, %swap3A_1260] {strides = array<i32>} : memref<80x128xf32, #tpu.memory_space<vmem>>, vector<16xf32>,
        tpu.vector_store %arg14[%swap3A_1259, %swap3A_1260], %mul3A_1258 {strides = array<i32>} : memref<80x128xf32, #tpu.memory_space<vmem>>, vector<16xf32>,
        %scan3A_1262 = arith.constant 0 : i32
        scf.yield %scan3A_1262 : i32
      }
      %scan3A_136 = arith.constant 5 : i32
      "tpu.region"() ({
        %run_scoped3A = tpu.sem_alloc : memref<!tpu.dma_semaphore, #tpu.memory_space<semaphore_mem>>
        %dma_start3A_138 = arith.constant 0 : i32
        %dma_start3A_139 = arith.constant 0 : i32
        %dma_start3A_140 = tpu.memref_slice %arg16[%dma_start3A_138, %dma_start3A_139] : memref<10240x128xf32, #tpu.memory_space<vmem_shared>> -> memref<10240x128xf32, #tpu.memory_space<vmem_shared>>
        tpu.enqueue_indirect_dma source(%arg14 : memref<80x128xf32, #tpu.memory_space<vmem>>) target(%dma_start3A_140 : memref<10240x128xf32, #tpu.memory_space<vmem_shared>>) offsets(%arg12 : memref<80xi32, #tpu.memory_space<vmem>>) semaphore(%run_scoped3A : memref<!tpu.dma_semaphore, #tpu.memory_space<semaphore_mem>>) {add = true}
        %dma_wait3A_141 = arith.constant 0 : i32
        %dma_wait3A_142 = arith.constant 0 : i32
        %dma_wait3A_143 = tpu.memref_slice %arg16[%dma_wait3A_141, %dma_wait3A_142] : memref<10240x128xf32, #tpu.memory_space<vmem_shared>> -> memref<10240x128xf32, #tpu.memory_space<vmem_shared>>
        tpu.wait_indirect_dma semaphore(%run_scoped3A : memref<!tpu.dma_semaphore, #tpu.memory_space<semaphore_mem>>) src(%arg14 : memref<80x128xf32, #tpu.memory_space<vmem>>) dst(%dma_wait3A_143 : memref<10240x128xf32, #tpu.memory_space<vmem_shared>>)
        tpu.yield
      }) : () -> ()
      %scan3A_137 = arith.constant 0 : i32
      scf.yield %scan3A_137 : i32
    }
    %scan3A_55 = arith.constant 125 : i32
    %barrier3A_56 = arith.constant 0 : index
    tpu.barrier barrier_id(%barrier3A_56)
    %mul3A_57 = arith.constant 640 : i32
    %mul3A_58 = arith.muli %arg1, %mul3A_57 : i32
    %mul3A_59 = arith.constant 640 : i32
    %mul3A_60 = arith.muli %arg1, %mul3A_59 : i32
    "tpu.region"() ({
      %run_scoped3A = tpu.sem_alloc : memref<!tpu.dma_semaphore, #tpu.memory_space<semaphore_mem>>
      %dma_start3A = arith.constant 0 : i32
      %dma_start3A_61 = tpu.memref_slice %arg7[%arg0, %mul3A_60, %dma_start3A] : memref<2x10240x128xf32, #tpu.memory_space<hbm>> -> memref<1x640x128xf32, #tpu.memory_space<hbm>>
      %dma_start3A_62 = tpu.memref_squeeze %dma_start3A_61 : memref<1x640x128xf32, #tpu.memory_space<hbm>> -> memref<640x128xf32, #tpu.memory_space<hbm>>
      %dma_start3A_63 = arith.constant 0 : i32
      %dma_start3A_64 = tpu.memref_slice %arg16[%mul3A_58, %dma_start3A_63] : memref<10240x128xf32, #tpu.memory_space<vmem_shared>> -> memref<640x128xf32, #tpu.memory_space<vmem_shared>>
      tpu.enqueue_dma source(%dma_start3A_64 : memref<640x128xf32, #tpu.memory_space<vmem_shared>>) target(%dma_start3A_62 : memref<640x128xf32, #tpu.memory_space<hbm>>) target_semaphore(%run_scoped3A : memref<!tpu.dma_semaphore, #tpu.memory_space<semaphore_mem>>)
      %dma_wait3A = arith.constant 0 : i32
      %dma_wait3A_65 = tpu.memref_slice %arg7[%arg0, %mul3A_60, %dma_wait3A] : memref<2x10240x128xf32, #tpu.memory_space<hbm>> -> memref<1x640x128xf32, #tpu.memory_space<hbm>>
      %dma_wait3A_66 = tpu.memref_squeeze %dma_wait3A_65 : memref<1x640x128xf32, #tpu.memory_space<hbm>> -> memref<640x128xf32, #tpu.memory_space<hbm>>
      %dma_wait3A_67 = arith.constant 0 : i32
      %dma_wait3A_68 = tpu.memref_slice %arg16[%mul3A_58, %dma_wait3A_67] : memref<10240x128xf32, #tpu.memory_space<vmem_shared>> -> memref<640x128xf32, #tpu.memory_space<vmem_shared>>
      tpu.wait_dma2 semaphore(%run_scoped3A : memref<!tpu.dma_semaphore, #tpu.memory_space<semaphore_mem>>) src(%dma_wait3A_68 : memref<640x128xf32, #tpu.memory_space<vmem_shared>>) dst(%dma_wait3A_66 : memref<640x128xf32, #tpu.memory_space<hbm>>)
      tpu.yield
    }) : () -> ()
    "tpu.region"() ({
      %run_scoped3A = tpu.sem_alloc : memref<!tpu.dma_semaphore, #tpu.memory_space<semaphore_mem>>
      %dma_start3A = arith.constant 0 : i32
      %dma_start3A_61 = arith.constant 0 : i32
      %dma_start3A_62 = tpu.memref_slice %arg8[%add3A, %dma_start3A, %dma_start3A_61] : memref<32x1x10240xf32, #tpu.memory_space<hbm>> -> memref<1x1x10240xf32, #tpu.memory_space<hbm>>
      %dma_start3A_63 = tpu.memref_squeeze %dma_start3A_62 : memref<1x1x10240xf32, #tpu.memory_space<hbm>> -> memref<1x10240xf32, #tpu.memory_space<hbm>>
      %dma_start3A_64 = arith.constant 0 : i32
      %dma_start3A_65 = arith.constant 0 : i32
      %dma_start3A_66 = tpu.memref_slice %arg8[%add3A, %dma_start3A_64, %dma_start3A_65] : memref<32x1x10240xf32, #tpu.memory_space<hbm>> -> memref<1x1x10240xf32, #tpu.memory_space<hbm>>
      %dma_start3A_67 = tpu.memref_squeeze %dma_start3A_66 : memref<1x1x10240xf32, #tpu.memory_space<hbm>> -> memref<1x10240xf32, #tpu.memory_space<hbm>>
      tpu.enqueue_dma source(%arg15 : memref<1x10240xf32, #tpu.memory_space<vmem>>) target(%dma_start3A_67 : memref<1x10240xf32, #tpu.memory_space<hbm>>) target_semaphore(%run_scoped3A : memref<!tpu.dma_semaphore, #tpu.memory_space<semaphore_mem>>)
      %dma_wait3A = arith.constant 0 : i32
      %dma_wait3A_68 = arith.constant 0 : i32
      %dma_wait3A_69 = tpu.memref_slice %arg8[%add3A, %dma_wait3A, %dma_wait3A_68] : memref<32x1x10240xf32, #tpu.memory_space<hbm>> -> memref<1x1x10240xf32, #tpu.memory_space<hbm>>
      %dma_wait3A_70 = tpu.memref_squeeze %dma_wait3A_69 : memref<1x1x10240xf32, #tpu.memory_space<hbm>> -> memref<1x10240xf32, #tpu.memory_space<hbm>>
      %dma_wait3A_71 = arith.constant 0 : i32
      %dma_wait3A_72 = arith.constant 0 : i32
      %dma_wait3A_73 = tpu.memref_slice %arg8[%add3A, %dma_wait3A_71, %dma_wait3A_72] : memref<32x1x10240xf32, #tpu.memory_space<hbm>> -> memref<1x1x10240xf32, #tpu.memory_space<hbm>>
      %dma_wait3A_74 = tpu.memref_squeeze %dma_wait3A_73 : memref<1x1x10240xf32, #tpu.memory_space<hbm>> -> memref<1x10240xf32, #tpu.memory_space<hbm>>
      tpu.wait_dma2 semaphore(%run_scoped3A : memref<!tpu.dma_semaphore, #tpu.memory_space<semaphore_mem>>) src(%arg15 : memref<1x10240xf32, #tpu.memory_space<vmem>>) dst(%dma_wait3A_74 : memref<1x10240xf32, #tpu.memory_space<hbm>>)
      tpu.yield
    }) : () -> ()
    return
  }
}

module attributes {stable_mosaic.version = 14 : i64} {
  func.func @_proj_body(%arg0: i32, %arg1: memref<1000x128xf32, #tpu.memory_space<vmem>>, %arg2: memref<128x128xf32, #tpu.memory_space<vmem>>, %arg3: memref<2x128xf32, #tpu.memory_space<vmem>>, %arg4: memref<1000x128xf32, #tpu.memory_space<vmem>>, %arg5: memref<1000x2xf32, #tpu.memory_space<vmem>>) attributes {dimension_semantics = [#tpu.dimension_semantics<arbitrary>], iteration_bounds = array<i64: 10>, scalar_prefetch = 0 : i64, scratch_operands = 0 : i64, tpu.core_type = #tpu.core_type<tc>, window_params = [{transform_indices = @transform_0, window_bounds = array<i64: 1000, 128>}, {pipeline_mode = #tpu.pipeline_mode<synchronous>, transform_indices = @transform_1, window_bounds = array<i64: 128, 128>}, {pipeline_mode = #tpu.pipeline_mode<synchronous>, transform_indices = @transform_2, window_bounds = array<i64: 2, 128>}, {transform_indices = @transform_3, window_bounds = array<i64: 1000, 128>}, {transform_indices = @transform_4, window_bounds = array<i64: 1000, 2>}]} {
    %get3A = arith.constant 0 : index
    %get3A_0 = arith.constant 0 : index
    %get3A_1 = vector.load %arg1[%get3A, %get3A_0] : memref<1000x128xf32, #tpu.memory_space<vmem>>, vector<1000x128xf32>
    %get3A_2 = arith.constant 0 : index
    %get3A_3 = arith.constant 0 : index
    %get3A_4 = vector.load %arg2[%get3A_2, %get3A_3] : memref<128x128xf32, #tpu.memory_space<vmem>>, vector<128x128xf32>
    %dot_general3A = arith.constant dense<0.000000e+00> : vector<1000x128xf32>
    %dot_general3A_5 = tpu.matmul %get3A_1, %get3A_4, %dot_general3A {dimension_numbers = #tpu.dot_dimension_numbers<[1], [1], [0], [0], [0, 0, 1, 0], [], []>, transpose_lhs_hint = false} : vector<1000x128xf32>, vector<128x128xf32>, vector<1000x128xf32> -> vector<1000x128xf32>
    %swap3A = arith.constant 0 : index
    %swap3A_6 = arith.constant 0 : index
    %swap3A_7 = vector.load %arg4[%swap3A, %swap3A_6] : memref<1000x128xf32, #tpu.memory_space<vmem>>, vector<1000x128xf32>
    tpu.vector_store %arg4[%swap3A, %swap3A_6], %dot_general3A_5 {strides = array<i32>} : memref<1000x128xf32, #tpu.memory_space<vmem>>, vector<1000x128xf32>,
    %get3A_8 = arith.constant 0 : index
    %get3A_9 = arith.constant 0 : index
    %get3A_10 = vector.load %arg3[%get3A_8, %get3A_9] : memref<2x128xf32, #tpu.memory_space<vmem>>, vector<2x128xf32>
    %dot_general3A_11 = arith.constant dense<0.000000e+00> : vector<1000x2xf32>
    %dot_general3A_12 = tpu.matmul %dot_general3A_5, %get3A_10, %dot_general3A_11 {dimension_numbers = #tpu.dot_dimension_numbers<[1], [1], [0], [0], [0, 0, 1, 0], [], []>, transpose_lhs_hint = false} : vector<1000x128xf32>, vector<2x128xf32>, vector<1000x2xf32> -> vector<1000x2xf32>
    %swap3A_13 = arith.constant 0 : index
    %swap3A_14 = arith.constant 0 : index
    %swap3A_15 = vector.load %arg5[%swap3A_13, %swap3A_14] : memref<1000x2xf32, #tpu.memory_space<vmem>>, vector<1000x2xf32>
    tpu.vector_store %arg5[%swap3A_13, %swap3A_14], %dot_general3A_12 {strides = array<i32>} : memref<1000x2xf32, #tpu.memory_space<vmem>>, vector<1000x2xf32>,
    return
  }
  func.func @transform_0(%arg0: i32) -> (i32, i32) {
    %c0_i32 = arith.constant 0 : i32
    %c0_i32_0 = arith.constant 0 : i32
    return %arg0, %c0_i32 : i32, i32
  }
  func.func @transform_1(%arg0: i32) -> (i32, i32) {
    %c0_i32 = arith.constant 0 : i32
    %c0_i32_0 = arith.constant 0 : i32
    %c0_i32_1 = arith.constant 0 : i32
    return %c0_i32, %c0_i32_0 : i32, i32
  }
  func.func @transform_2(%arg0: i32) -> (i32, i32) {
    %c0_i32 = arith.constant 0 : i32
    %c0_i32_0 = arith.constant 0 : i32
    %c0_i32_1 = arith.constant 0 : i32
    return %c0_i32, %c0_i32_0 : i32, i32
  }
  func.func @transform_3(%arg0: i32) -> (i32, i32) {
    %c0_i32 = arith.constant 0 : i32
    %c0_i32_0 = arith.constant 0 : i32
    return %arg0, %c0_i32 : i32, i32
  }
  func.func @transform_4(%arg0: i32) -> (i32, i32) {
    %c0_i32 = arith.constant 0 : i32
    %c0_i32_0 = arith.constant 0 : i32
    return %arg0, %c0_i32 : i32, i32
  }
}

module attributes {stable_mosaic.version = 14 : i64} {
  func.func @_finish_body(%arg0: i32, %arg1: memref<2x1280x128xf32, #tpu.memory_space<vmem>>, %arg2: memref<32x1280xf32, #tpu.memory_space<vmem>>, %arg3: memref<1280x128xf32, #tpu.memory_space<vmem>>) attributes {dimension_semantics = [#tpu.dimension_semantics<arbitrary>], iteration_bounds = array<i64: 8>, scalar_prefetch = 0 : i64, scratch_operands = 0 : i64, tpu.core_type = #tpu.core_type<tc>, window_params = [{transform_indices = @transform_0, window_bounds = array<i64: 2, 1280, 128>}, {transform_indices = @transform_1, window_bounds = array<i64: 32, 1280>}, {transform_indices = @transform_2, window_bounds = array<i64: 1280, 128>}]} {
    %get3A = arith.constant 0 : index
    %get3A_0 = arith.constant 0 : index
    %get3A_1 = arith.constant 0 : index
    %get3A_2 = vector.load %arg1[%get3A, %get3A_0, %get3A_1] : memref<2x1280x128xf32, #tpu.memory_space<vmem>>, vector<1x1280x128xf32>
    %get3A_3 = vector.shape_cast %get3A_2 : vector<1x1280x128xf32> to vector<1280x128xf32>
    %get3A_4 = arith.constant 1 : index
    %get3A_5 = arith.constant 0 : index
    %get3A_6 = arith.constant 0 : index
    %get3A_7 = vector.load %arg1[%get3A_4, %get3A_5, %get3A_6] : memref<2x1280x128xf32, #tpu.memory_space<vmem>>, vector<1x1280x128xf32>
    %get3A_8 = vector.shape_cast %get3A_7 : vector<1x1280x128xf32> to vector<1280x128xf32>
    %add3A = arith.addf %get3A_3, %get3A_8 : vector<1280x128xf32>
    %get3A_9 = arith.constant 0 : index
    %get3A_10 = arith.constant 0 : index
    %get3A_11 = vector.load %arg2[%get3A_9, %get3A_10] : memref<32x1280xf32, #tpu.memory_space<vmem>>, vector<32x1280xf32>
    %reduce_sum3A = arith.constant dense<0.000000e+00> : vector<1280xf32>
    %reduce_sum3A_12 = vector.multi_reduction <add>, %get3A_11, %reduce_sum3A [0] : vector<32x1280xf32> to vector<1280xf32>
    %max3A = arith.constant 1.000000e-16 : f32
    %max3A_13 = vector.broadcast %max3A : f32 to vector<1280xf32>
    %max3A_14 = arith.maximumf %reduce_sum3A_12, %max3A_13 : vector<1280xf32>
    %broadcast_in_dim3A = vector.shape_cast %max3A_14 : vector<1280xf32> to vector<1280x1xf32>
    %div3A = vector.broadcast %broadcast_in_dim3A : vector<1280x1xf32> to vector<1280x128xf32>
    %div3A_15 = arith.divf %add3A, %div3A : vector<1280x128xf32>
    %swap3A = arith.constant 0 : index
    %swap3A_16 = arith.constant 0 : index
    %swap3A_17 = vector.load %arg3[%swap3A, %swap3A_16] : memref<1280x128xf32, #tpu.memory_space<vmem>>, vector<1280x128xf32>
    tpu.vector_store %arg3[%swap3A, %swap3A_16], %div3A_15 {strides = array<i32>} : memref<1280x128xf32, #tpu.memory_space<vmem>>, vector<1280x128xf32>,
    return
  }
  func.func @transform_0(%arg0: i32) -> (i32, i32, i32) {
    %c0_i32 = arith.constant 0 : i32
    %c0_i32_0 = arith.constant 0 : i32
    %c0_i32_1 = arith.constant 0 : i32
    return %c0_i32, %arg0, %c0_i32_0 : i32, i32, i32
  }
  func.func @transform_1(%arg0: i32) -> (i32, i32) {
    %c0_i32 = arith.constant 0 : i32
    %c0_i32_0 = arith.constant 0 : i32
    return %c0_i32, %arg0 : i32, i32
  }
  func.func @transform_2(%arg0: i32) -> (i32, i32) {
    %c0_i32 = arith.constant 0 : i32
    %c0_i32_0 = arith.constant 0 : i32
    return %arg0, %c0_i32 : i32, i32
  }
}

</mosaic_0001>

<sc_bundles>
// kernel: kernel.5.cloned.1.call-start
scs
__scs_entry_jumppad:
0x0: {  	(pc) =	sbr.rel $0x88, $3  }
0x1: {  	(tag) =	ssettag $0x0;
	lr =	simm.s32 $0x1  }
0x2: {  	[smem:$0x3F9D] =	sst lr;
	_ =	strace $0xD0000000  }
0x3: {  	_ = 	snop  }
0x4: {  	_ = 	snop  }
0x5: {  	_ = 	snop  }
0x6: {  	_ = 	snop  }
0x7: {  	_ = 	snop  }
__scs_overlays_trampoline_lowered:
0x8: {  	[smem:$0x3FAC] =	sst s0  }
0x9: {  	[smem:$0x3FAD] =	sst s1  }
0xa: {  	[smem:$0x3FAE] =	sst s2  }
0xb: {  	[smem:$0x3FAF] =	sst s3  }
0xc: {  	[smem:$0x3FB0] =	sst s4  }
0xd: {  	[smem:$0x3FB1] =	sst s5  }
0xe: {  	[smem:$0x3FB2] =	sst s6  }
0xf: {  	[smem:$0x3FB3] =	sst s7  }
0x10: {  	[smem:$0x3FB4] =	sst s8  }
0x11: {  	[smem:$0x3FB5] =	sst s9;
	s0 =	simm.s32 @!p0 $0x0  }
0x12: {  	s1 =	sld [smem:$0x3F9B];
	s0 =	simm.s32 @p0 $0x1  }
0x13: {  	[smem:$0x3FB6] =	sst s0;
	s0 =	simm.s32 @!p1 $0x0  }
0x14: {  	s2 =	sld [smem:$0x3F9A];
	s0 =	simm.s32 @p1 $0x1  }
0x15: {  	[smem:$0x3FB7] =	sst s0;
	s0 =	simm.s32 @!p2 $0x0  }
0x16: {  	s3 =	sld [smem:$0x3FDB];
	s0 =	simm.s32 @p2 $0x1  }
0x17: {  	s4 =	simm.s32 $0x1BF5;
	[smem:$0x3FB9] =	sst s0  }
0x18: {  	s0 =	sld [smem:$0x3F9C];
	_ =	swait.ge [sflag:s4], $0x0  }
0x19: {  	s7 =	sld [smem:$0x3F9D]  }
0x1a: {  	s8 =	sadd.s32 $0xFFFFE003, lr  }
0x1b: {  	s9 =	sadd.s32 $0xFFFFFEF7, lr;
	s5 =	simm.s32 $0xFFFFFFFF;
	p2 =	slt.u32 s8, $0xFFFFF086  }
0x1c: {  	p1 =	slt.u32 s9, $0xF7A;
	s5 =	simm.s32 @!p2 $0x0  }
0x1d: {  	s5 =	simm.s32 @p1 $0x1;
	p0 =	seq.s32 s7, s2  }
0x1e: {  	s7 =	smul.u32 @!p0 $0xF7A, s2;
	p2 =	seq.s32 @!p0 s5, $0x0  }
0x1f: {  	s9 =	smul.u32 $0xF7A, s1;
	s8 =	simm.s32 @!p0 $0x1BF5;
	p2 =	por !p2, p0  }
0x20: {  	[sflag:s8] =	ssyncset.s32 @!p0 $0xFFFFF086;
	s6 =	sadd.s32 @!p0 s3, s7;
	s7 =	simm.s32 @!p0 $0x108  }
0x21: {  	s3 =	sadd.s32 s3, s9;
	s6 =	sadd.s32 @!p0 $0x88, s6;
	s7 =	simm.s32 @p2 $0x1082  }
0x22: {  	[simem:s7], [sflag:s8] =	dma.local @!p0 [hbm:s6], $0xF7A  }
0x23: {  	s9 =	sor.u32 $0xD0000000, s2;
	s6 =	simm.s32 $0x108;
	_ =	swait.ge @!p0 [sflag:s8], $0x0  }
0x24: {  	s3 =	sadd.s32 $0x88, s3;
	s6 =	simm.s32 @!p1 $0x1082;
	[sflag:s4] =	ssyncset.s32 $0xFFFFF086  }
0x25: {  	[simem:s6], [sflag:s4] =	dma.local [hbm:s3], $0xF7A  }
0x26: {  	[smem:$0x3F9D] =	sst s1;
	(tag) =	ssettag s2;
	_ =	strace s9  }
0x27: {  	s1 =	sld [smem:$0x3FAD]  }
0x28: {  	s2 =	sld [smem:$0x3FAE]  }
0x29: {  	s4 =	sld [smem:$0x3FB0]  }
0x2a: {  	p0 =	seq.s32 s5, $0x0;
	s5 =	sld [smem:$0x3FB1]  }
0x2b: {  	s6 =	sld [smem:$0x3FB2]  }
0x2c: {  	s7 =	sld [smem:$0x3FB3]  }
0x2d: {  	s3 =	simm.s32 $0x108;
	s8 =	sld [smem:$0x3FB4]  }
0x2e: {  	s3 =	simm.s32 @!p0 $0x1082;
	s9 =	sld [smem:$0x3FB5]  }
0x2f: {  	lr =	sadd.s32 s0, s3;
	s0 =	sld [smem:$0x3FAC]  }
0x30: {  	s3 =	sld [smem:$0x3FAF]  }
0x31: {  	[smem:$0x3FB8] =	sst s10  }
0x32: {  	s10 =	sld [smem:$0x3FB6];
	_ =	sdelay $0x3  }
0x33: {  	p0 =	seq.s32 s10, $0x1;
	s10 =	sld [smem:$0x3FB8];
	_ =	sdelay $0x3  }
0x34: {  	[smem:$0x3FB8] =	sst s10  }
0x35: {  	s10 =	sld [smem:$0x3FB7];
	_ =	sdelay $0x3  }
0x36: {  	p1 =	seq.s32 s10, $0x1;
	s10 =	sld [smem:$0x3FB8];
	_ =	sdelay $0x3  }
0x37: {  	[smem:$0x3FB8] =	sst s10  }
0x38: {  	s10 =	sld [smem:$0x3FB9]  }
0x39: {  	_ = 	snop;
	(pc) =	sbr.ind lr, $3  }
0x3a: {  	_ = 	snop  }
0x3b: {  	_ = 	snop  }
0x3c: {  	p2 =	seq.s32 s10, $0x1;
	s10 =	sld [smem:$0x3FB8]  }
0x3d: {  	_ =	shalt  }
0x3e: {  	_ =	shalt  }
0x3f: {  	_ =	shalt  }
0x40: {  	_ =	shalt  }
0x41: {  	_ =	shalt  }
0x42: {  	_ =	shalt  }
0x43: {  	_ =	shalt  }
0x44: {  	_ =	shalt  }
0x45: {  	_ =	shalt  }
0x46: {  	_ =	shalt  }
0x47: {  	_ =	shalt  }
0x48: {  	_ =	shalt  }
0x49: {  	_ =	shalt  }
0x4a: {  	_ =	shalt  }
0x4b: {  	_ =	shalt  }
0x4c: {  	_ =	shalt  }
0x4d: {  	_ =	shalt  }
0x4e: {  	_ =	shalt  }
0x4f: {  	_ =	shalt  }
0x50: {  	_ =	shalt  }
0x51: {  	_ =	shalt  }
0x52: {  	_ =	shalt  }
0x53: {  	_ =	shalt  }
0x54: {  	_ =	shalt  }
0x55: {  	_ =	shalt  }
0x56: {  	_ =	shalt  }
0x57: {  	_ =	shalt  }
0x58: {  	_ =	shalt  }
0x59: {  	_ =	shalt  }
0x5a: {  	_ =	shalt  }
0x5b: {  	_ =	shalt  }
0x5c: {  	_ =	shalt  }
0x5d: {  	_ =	shalt  }
0x5e: {  	_ =	shalt  }
0x5f: {  	_ =	shalt  }
0x60: {  	_ =	shalt  }
0x61: {  	_ =	shalt  }
0x62: {  	_ =	shalt  }
0x63: {  	_ =	shalt  }
0x64: {  	_ =	shalt  }
0x65: {  	_ =	shalt  }
0x66: {  	_ =	shalt  }
0x67: {  	_ =	shalt  }
0x68: {  	_ =	shalt  }
0x69: {  	_ =	shalt  }
0x6a: {  	_ =	shalt  }
0x6b: {  	_ =	shalt  }
0x6c: {  	_ =	shalt  }
0x6d: {  	_ =	shalt  }
0x6e: {  	_ =	shalt  }
0x6f: {  	_ =	shalt  }
0x70: {  	_ =	shalt  }
0x71: {  	_ =	shalt  }
0x72: {  	_ =	shalt  }
0x73: {  	_ =	shalt  }
0x74: {  	_ =	shalt  }
0x75: {  	_ =	shalt  }
0x76: {  	_ =	shalt  }
0x77: {  	_ =	shalt  }
0x78: {  	_ =	shalt  }
0x79: {  	_ =	shalt  }
0x7a: {  	_ =	shalt  }
0x7b: {  	_ =	shalt  }
0x7c: {  	_ =	shalt  }
0x7d: {  	_ =	shalt  }
0x7e: {  	_ =	shalt  }
0x7f: {  	_ =	shalt  }
0x80: {  	_ =	shalt  }
0x81: {  	_ =	shalt  }
0x82: {  	_ =	shalt  }
0x83: {  	_ =	shalt  }
0x84: {  	_ =	shalt  }
0x85: {  	_ =	shalt  }
0x86: {  	_ =	shalt  }
0x87: {  	_ =	shalt  }
.Lfunc_end0:
.L_simem_size_0:
called_computation_lowered:
.L_overlay_start_0:
0x88: {  	s2 =	sld [smem:$0x3FD9]  }
0x89: {  	s3 =	sld [smem:$0x3FFE];
	_ =	sdelay $0x1  }
0x8a: {  	s1 =	srdreg.scid  }
0x8b: {  	s0 =	sand.u32 $0x1, s1  }
0x8c: {  	s17 =	sshll.u32 s0, $0xA;
	s2 =	sadd.s32 s3, s2  }
0x8d: {  	s2 =	sadd.s32 s2, s17  }
0x8e: {  	[smem:$0x3FC4] =	sst s2  }
0x8f: {  	_ = 	snop  }
0x90: {  	s2 =	sld [smem:$0x3FD0];
	(tm) =	ssettm $0x1  }
0x91: {  	s18 =	sld [smem:$0x3FFB];
	_ =	sdelay $0x3  }
0x92: {  	_ =	strace s18  }
0x93: {  	s3 =	sld [smem:$0x3FFC];
	_ =	sdelay $0x3  }
0x94: {  	_ =	strace s3  }
0x95: {  	s3 =	sld [smem:$0x3FFD];
	_ =	sdelay $0x3  }
0x96: {  	_ =	strace s3  }
0x97: {  	_ =	strace $0x8FFFFFFF  }
0x98: {  	s19 =	sld [smem:$0x3FDB];
	_ =	sdelay $0x1  }
0x99: {  	s4 =	simm.s32 $_scs_section_size  }
0x9a: {  	s5 =	simm.s32 $_size__tile_overlayer_lowered;
	s6 =	simm.s32 $_tile_overlayer_lowered  }
0x9b: {  	s22 =	simm.s32 $0x1BFF;
	s21 =	sshll.u32 s6, $0x1;
	s3 =	sadd.s32 s4, s19  }
0x9c: {  	s7 =	simm.s32 $0x0;
	s20 =	sshll.u32 s5, $0x1;
	s5 =	sadd.s32 s21, s3  }
0x9d: {  	[timem:s7], [sflag:s22] =	dma.local [hbm:s5], s20  }
0x9e: {  	_ =	swait.ge [sflag:s22], s20  }
0x9f: {  	s4 =	ssub.s32 $0x0, s20;
	[sflag:s22] =	ssyncset.done $0x0  }
0xa0: {  	[sflag:s22] =	ssyncadd.s32 s4;
	_ =	sdelay $0x1  }
0xa1: {  	s23 =	simm.s32 $0x1B8B  }
0xa2: {  	_ =	swait.ge [sflag:s23], $0x1  }
0xa3: {  	[sflag:s23] =	ssyncset.done $0x0  }
0xa4: {  	s25 =	simm.s32 $0x1B8E;
	s24 =	sld [smem:$0x3FFE];
	[sflag:s23] =	ssyncadd.s32 $0xFFFFFFFF  }
0xa5: {  	s26 =	simm.s32 $execute0_lowered;
	[smem:$0x3FD2] =	sst s25  }
0xa6: {  	s5 =	sshll.u32 s26, $0x1;
	_ =	strace $0x80000046;
	[dreg:$0x1] =	wrdreg $0xFFFFFFFF  }
0xa7: {  	s28 =	simm.s32 $_size_execute0_lowered;
	s3 =	sadd.s32 s3, s5;
	[dreg:$0x0] =	wrdreg $0x0  }
0xa8: {  	s5 =	sshll.u32 s28, $0x1;
	[dreg:$0x2] =	wrdreg s3  }
0xa9: {  	[dreg:$0x3] =	wrdreg s5  }
0xaa: {  	[dreg:$0x4] =	wrdreg $0xC0  }
0xab: {  	_ =	task [dreg:s7], $0x5FFFF  }
0xac: {  	[dreg:$0x1] =	wrdreg $0xFFFFFFFF  }
0xad: {  	[dreg:$0x0] =	wrdreg $0x60  }
0xae: {  	[dreg:$0x2] =	wrdreg s2  }
0xaf: {  	[dreg:$0x3] =	wrdreg s24  }
0xb0: {  	[dreg:$0x4] =	wrdreg $0xA0800  }
0xb1: {  	[dreg:$0x5] =	wrdreg $0x9  }
0xb2: {  	_ =	task.clear_ibuf [dreg:s7], $0x6FFFF;
	_ =	strace $0x90000046  }
0xb3: {  	s29 =	simm.s32 $0x9;
	_ =	strace $0x80000048  }
0xb4: {  	_ =	swait.ge [sflag:s29], $0x1  }
0xb5: {  	[sflag:s29] =	ssyncadd.s32 $0xFFFFFFFF  }
0xb6: {  	_ =	strace $0x90000048  }
0xb7: {  	_ =	sfence  }
0xb8: {  	s30 =	sld [smem:$0x0];
	_ =	sdelay $0x2  }
0xb9: {  	s31 =	sshll.u32 s1, $0xD;
	s1 =	sshrl.u32 s1, $0x2  }
0xba: {  	s3 =	sand.u32 $0x4000, s31;
	s1 =	sadd.s32 s1, s30  }
0xbb: {  	s0 =	sor.u32 s3, s0;
	s1 =	sshll.u32 s1, $0x11  }
0xbc: {  	s0 =	sor.u32 s1, s0  }
0xbd: {  	s0 =	sadd.s32 $0x8F2B, s0  }
0xbe: {  	[sflag:s0] =	ssyncadd.remote.s32 $0x1  }
0xbf: {  	_ =	sfence.sel $0xFFFF  }
0xc0: {  	[dreg:$0x0] =	wrdreg $0xFFFFFFFF;
	(pc) =	sbr.abs _section_cstart, $3  }
0xc1: {  	[dreg:$0x1] =	wrdreg $0xFFFFFFFF  }
0xc2: {  	_ =	task.clear_ibuf [dreg:s7], $0x2FFFF;
	_ =	strace $0x9FFFFFFF  }
0xc3: {  	(tm) =	ssettm $0x7FFFFFFF  }
tec
execute0_lowered:
.L_overlay_start_1:
0x0: {  	(tag) =	ssettag $0x1  }
0x1: {  	s1 =	rddreg [dreg:$0x0]  }
0x2: {  	s0 =	rddreg [dreg:$0x1]  }
0x3: {  	s2 =	rddreg [dreg:$0x2];
	s4 =	simm.s32 $0x0;
	s3 =	srdreg.scid  }
0x4: {  	s5 =	stileid.u32;
	s21 =	simm.s32 $0x5080;
	s22 =	simm.s32 $0x2  }
0x5: {  	s23 =	simm.s32 $0x2780;
	s28 =	simm.s32 $0x1;
	s29 =	simm.s32 $0x7880  }
0x6: {  	s30 =	simm.s32 $0x0;
	s31 =	simm.s32 $0x0;
	[smem:$0x7FF] =	sst s4  }
0x7: {  	s3 =	sand.u32 $0x1, s3;
	s6 =	sadd.s32 $0x14400, s0;
	s8 =	smul.u32 $0x14000, s5  }
0x8: {  	s7 =	sadd.s32 $0xA000, s0;
	s9 =	sshll.u32 s5, $0x1;
	s25 =	smul.u32 $0x50000, s5  }
0x9: {  	s24 =	smul.u32 $0x140000, s3;
	_ =	strace $0x80000047;
	[dreg:$0x4] =	wrdreg s6  }
0xa: {  	s6 =	sadd.s32 $0x13E00, s0;
	s17 =	sor.u32 s3, s9;
	s3 =	ssub.s32 $0x2, s3  }
0xb: {  	s10 =	smul.u32 $0x500, s17;
	s9 =	sshrl.u32 s25, $0x2;
	s26 =	sshrl.u32 s3, $0x1  }
0xc: {  	s17 =	smul.u32 $0x2710, s17;
	s25 =	simm.s32 $0x4F80;
	s4 =	sadd.s32 s8, s24  }
0xd: {  	s8 =	sadd.s32 $0x200, s0;
	s9 =	sadd.s32 s9, s2;
	s3 =	ssub.s32 s3, s26  }
0xe: {  	s24 =	simm.s32 $0x4F00;
	s26 =	simm.s32 $0x50;
	s4 =	sshrl.u32 s4, $0x3  }
0xf: {  	s11 =	sadd.s32 $0x5000, s9;
	s12 =	sadd.s32 $0x7800, s9;
	s13 =	sadd.s32 $0xA000, s9  }
0x10: {  	s14 =	sadd.s32 $0xC800, s9;
	s15 =	sadd.s32 $0xF000, s9;
	s16 =	sadd.s32 $0x11800, s9  }
0x11: {  	s20 =	smax.u32 s3, $0x1;
	s4 =	sadd.s32 s4, s0;
	s0 =	sadd.s32 s10, s0  }
0x12: {  	v0 =	vimm.f32 $0.0e+00;
	s10 =	sadd.s32 $0x2800, s9;
	s18 =	sadd.s32 $0x1EA00, s4;
	s19 =	sadd.s32 $0x14A00, s0  }
.LBB2_1:
0x13: {  	s0 =	simm.s32 $0x0;
	s3 =	simm.s32 $0x200  }
.LBB2_2:
0x14: {  	p0 =	sne.s32 s3, $0x9E00;
	[tilespmem:s0+$0x50F0] =	vst v0  }
0x15: {  	[tilespmem:s0+$0x5080] =	vst v0  }
0x16: {  	[tilespmem:s0+$0x5090] =	vst v0  }
.Ltmp0:
0x17: {  	[tilespmem:s0+$0x50A0] =	vst v0;
	(pc) =	sbr.rel @p0 .LBB2_2-.Ltmp0, $4  }
0x18: {  	[tilespmem:s0+$0x50B0] =	vst v0  }
0x19: {  	[tilespmem:s0+$0x50C0] =	vst v0  }
0x1a: {  	[tilespmem:s0+$0x50D0] =	vst v0  }
0x1b: {  	[tilespmem:s0+$0x50E0] =	vst v0;
	s0 =	sshra.s32 s3, $0x2;
	s3 =	sadd.s32 $0x200, s3  }
0x1c: {  	[tilespmem:s0+$0x50F0] =	vst v0  }
0x1d: {  	[tilespmem:s0+$0x5080] =	vst v0  }
0x1e: {  	[tilespmem:s0+$0x5090] =	vst v0  }
0x1f: {  	[tilespmem:s0+$0x50A0] =	vst v0  }
0x20: {  	[tilespmem:s0+$0x50B0] =	vst v0  }
0x21: {  	[tilespmem:s0+$0x50C0] =	vst v0  }
0x22: {  	[tilespmem:s0+$0x50D0] =	vst v0  }
0x23: {  	[tilespmem:s0+$0x50E0] =	vst v0  }
0x24: {  	[spmem:s9] =	stream.linear.scatter [tilespmem:s21], [sflag:$0x2], $0x2800, $0x38;
	[tilespmem:$0x1E080] =	vst v63  }
0x25: {  	_ =	swait.ge [sflag:s22], $0x2800  }
0x26: {  	[sflag:s22] =	ssyncset.done $0x0  }
0x27: {  	[sflag:s22] =	ssyncadd.s32 $0xFFFFD800  }
0x28: {  	[spmem:s10] =	stream.linear.scatter [tilespmem:s21], [sflag:$0x2], $0x2800, $0x38;
	[tilespmem:$0x1E080] =	vst v63  }
0x29: {  	_ =	swait.ge [sflag:s22], $0x2800  }
0x2a: {  	[sflag:s22] =	ssyncset.done $0x0  }
0x2b: {  	[sflag:s22] =	ssyncadd.s32 $0xFFFFD800  }
0x2c: {  	[spmem:s11] =	stream.linear.scatter [tilespmem:s21], [sflag:$0x2], $0x2800, $0x38;
	[tilespmem:$0x1E080] =	vst v63  }
0x2d: {  	_ =	swait.ge [sflag:s22], $0x2800  }
0x2e: {  	[sflag:s22] =	ssyncset.done $0x0  }
0x2f: {  	[sflag:s22] =	ssyncadd.s32 $0xFFFFD800  }
0x30: {  	[spmem:s12] =	stream.linear.scatter [tilespmem:s21], [sflag:$0x2], $0x2800, $0x38;
	[tilespmem:$0x1E080] =	vst v63  }
0x31: {  	_ =	swait.ge [sflag:s22], $0x2800  }
0x32: {  	[sflag:s22] =	ssyncset.done $0x0  }
0x33: {  	[sflag:s22] =	ssyncadd.s32 $0xFFFFD800  }
0x34: {  	[spmem:s13] =	stream.linear.scatter [tilespmem:s21], [sflag:$0x2], $0x2800, $0x38;
	[tilespmem:$0x1E080] =	vst v63  }
0x35: {  	_ =	swait.ge [sflag:s22], $0x2800  }
0x36: {  	[sflag:s22] =	ssyncset.done $0x0  }
0x37: {  	[sflag:s22] =	ssyncadd.s32 $0xFFFFD800  }
0x38: {  	[spmem:s14] =	stream.linear.scatter [tilespmem:s21], [sflag:$0x2], $0x2800, $0x38;
	[tilespmem:$0x1E080] =	vst v63  }
0x39: {  	_ =	swait.ge [sflag:s22], $0x2800  }
0x3a: {  	[sflag:s22] =	ssyncset.done $0x0  }
0x3b: {  	[sflag:s22] =	ssyncadd.s32 $0xFFFFD800  }
0x3c: {  	[spmem:s15] =	stream.linear.scatter [tilespmem:s21], [sflag:$0x2], $0x2800, $0x38;
	[tilespmem:$0x1E080] =	vst v63  }
0x3d: {  	_ =	swait.ge [sflag:s22], $0x2800  }
0x3e: {  	[sflag:s22] =	ssyncset.done $0x0  }
0x3f: {  	[sflag:s22] =	ssyncadd.s32 $0xFFFFD800  }
0x40: {  	[spmem:s16] =	stream.linear.scatter [tilespmem:s21], [sflag:$0x2], $0x2800, $0x38;
	[tilespmem:$0x1E080] =	vst v63  }
0x41: {  	_ =	swait.ge [sflag:s22], $0x2800  }
0x42: {  	[sflag:s22] =	ssyncset.done $0x0  }
0x43: {  	s0 =	simm.s32 $0x40;
	s3 =	simm.s32 $0x0;
	[sflag:s22] =	ssyncadd.s32 $0xFFFFD800  }
.LBB2_4:
0x44: {  	p0 =	sne.s32 s0, $0x9FC0;
	[tilespmem:s3+$0x7880] =	vst v0;
	s3 =	smov.u32 s0;
	s0 =	sadd.s32 $0x40, s0  }
.Ltmp1:
0x45: {  	(pc) =	sbr.rel @p0 .LBB2_4-.Ltmp1, $2  }
0x46: {  	_ =	sdelay $0x2  }
0x47: {  	s3 =	sshra.s32 s3, $0x2  }
0x48: {  	[tilespmem:s3+$0x7880] =	vst v0;
	s0 =	rddreg [dreg:$0x4]  }
0x49: {  	[tilespmem:s31], [sflag:$0x2] =	stream.linear.gather [hbm4b:s0+s31], $0x2780, $0x38;
	[tilespmem:$0x1E080] =	vst v63  }
0x4a: {  	_ =	swait.ge [sflag:s22], $0x2780  }
0x4b: {  	[sflag:s22] =	ssyncset.done $0x0  }
0x4c: {  	[sflag:s22] =	ssyncadd.s32 $0xFFFFD880  }
0x4d: {  	[tilespmem:s23], [sflag:$0x2] =	stream.linear.gather [hbm4b:s6+s31], $0x2780, $0x38;
	[tilespmem:$0x1E080] =	vst v63  }
0x4e: {  	_ =	swait.ge [sflag:s22], $0x2780  }
0x4f: {  	[sflag:s22] =	ssyncset.done $0x0  }
0x50: {  	[sflag:s22] =	ssyncadd.s32 $0xFFFFD880  }
0x51: {  	s0 =	simm.s32 $0x0;
	[bflag:$0x0] =	sbarrier.arrive $0xFFFF  }
.LBB2_6:
0x52: {  	s3 =	smul.u32 $0x50, s0;
	_ =	sdelay $0x1  }
0x53: {  	s3 =	sadd.s32 s17, s3  }
0x54: {  	s3 =	sshrl.u32 s3, $0x3  }
0x55: {  	s4 =	sadd.s32 s7, s3  }
0x56: {  	[tilespmem:s24], [sflag:$0x2] =	stream.linear.gather [hbm4b:s4+s31], $0x50, $0x38;
	[tilespmem:$0x1E080] =	vst v63  }
0x57: {  	_ =	swait.ge [sflag:s22], $0x50  }
0x58: {  	[sflag:s22] =	ssyncset.done $0x0  }
0x59: {  	s3 =	sadd.s32 s8, s3;
	[sflag:s22] =	ssyncadd.s32 $0xFFFFFFB0  }
0x5a: {  	[tilespmem:s25], [sflag:$0x2] =	stream.linear.gather [hbm4b:s3+s31], $0x50, $0x38;
	[tilespmem:$0x1E080] =	vst v63  }
0x5b: {  	_ =	swait.ge [sflag:s22], $0x50  }
0x5c: {  	[sflag:s22] =	ssyncset.done $0x0  }
0x5d: {  	[sflag:s22] =	ssyncadd.s32 $0xFFFFFFB0  }
0x5e: {  	[tilespmem:s21], [sflag:$0x1] =	stream.indirect.gather [hbm4b:s1+s26], $0x80, s24, s26, $0xb8;
	[tilespmem:$0x1E080] =	vst v63  }
0x5f: {  	_ =	swait.ge [sflag:s28], $0x2800  }
0x60: {  	[sflag:s28] =	ssyncset.done $0x0  }
0x61: {  	[sflag:s28] =	ssyncadd.s32 $0xFFFFD800  }
0x62: {  	v1 =	vld [tilespmem:$0x4F00]  }
0x63: {  	v2 =	vld [tilespmem:$0x4F80];
	_ =	sdelay $0x6  }
0x64: {  	v1 =	vld.idx.msk [tilespmem:v1+s31+$0x0], $0xffff  }
0x65: {  	v3 =	vld.idx.msk [tilespmem:v2+s23+$0x0], $0xffff;
	_ =	sdelay $0x4  }
0x66: {  	v1 =	vadd.f32 v3, v1;
	_ =	sdelay $0x1  }
0x67: {  	v1 =	vmax.f32 v1, $0.0e+00  }
0x68: {  	v1 =	vmul.f32 $1.442695020e+00, v1;
	_ =	sdelay $0x1  }
0x69: {  	(erf) = vpow2.f32 v1;
	_ =	sdelay $0x8  }
0x6a: {  	v1 =	vpop (erf)  }
0x6b: {  	[tilespmem:$0x5000] =	vst v1  }
0x6c: {  	[tilespmem:v2+s29+$0x0] =	vst.idx.add.f32.msk $0xffff, v1  }
0x6d: {  	v1 =	vld [tilespmem:$0x4F10]  }
0x6e: {  	v2 =	vld [tilespmem:$0x4F90];
	_ =	sdelay $0x6  }
0x6f: {  	v1 =	vld.idx.msk [tilespmem:v1+s31+$0x0], $0xffff  }
0x70: {  	v3 =	vld.idx.msk [tilespmem:v2+s23+$0x0], $0xffff;
	_ =	sdelay $0x4  }
0x71: {  	v1 =	vadd.f32 v3, v1;
	_ =	sdelay $0x1  }
0x72: {  	v1 =	vmax.f32 v1, $0.0e+00  }
0x73: {  	v1 =	vmul.f32 $1.442695020e+00, v1;
	_ =	sdelay $0x1  }
0x74: {  	(erf) = vpow2.f32 v1;
	_ =	sdelay $0x8  }
0x75: {  	v1 =	vpop (erf)  }
0x76: {  	[tilespmem:$0x5010] =	vst v1  }
0x77: {  	[tilespmem:v2+s29+$0x0] =	vst.idx.add.f32.msk $0xffff, v1  }
0x78: {  	v1 =	vld [tilespmem:$0x4F20]  }
0x79: {  	v2 =	vld [tilespmem:$0x4FA0];
	_ =	sdelay $0x6  }
0x7a: {  	v1 =	vld.idx.msk [tilespmem:v1+s31+$0x0], $0xffff  }
0x7b: {  	v3 =	vld.idx.msk [tilespmem:v2+s23+$0x0], $0xffff;
	_ =	sdelay $0x4  }
0x7c: {  	v1 =	vadd.f32 v3, v1;
	_ =	sdelay $0x1  }
0x7d: {  	v1 =	vmax.f32 v1, $0.0e+00  }
0x7e: {  	v1 =	vmul.f32 $1.442695020e+00, v1;
	_ =	sdelay $0x1  }
0x7f: {  	(erf) = vpow2.f32 v1;
	_ =	sdelay $0x8  }
0x80: {  	v1 =	vpop (erf)  }
0x81: {  	[tilespmem:$0x5020] =	vst v1  }
0x82: {  	[tilespmem:v2+s29+$0x0] =	vst.idx.add.f32.msk $0xffff, v1  }
0x83: {  	v1 =	vld [tilespmem:$0x4F30]  }
0x84: {  	v2 =	vld [tilespmem:$0x4FB0];
	_ =	sdelay $0x6  }
0x85: {  	v1 =	vld.idx.msk [tilespmem:v1+s31+$0x0], $0xffff  }
0x86: {  	v3 =	vld.idx.msk [tilespmem:v2+s23+$0x0], $0xffff;
	_ =	sdelay $0x4  }
0x87: {  	v1 =	vadd.f32 v3, v1;
	_ =	sdelay $0x1  }
0x88: {  	v1 =	vmax.f32 v1, $0.0e+00  }
0x89: {  	v1 =	vmul.f32 $1.442695020e+00, v1;
	_ =	sdelay $0x1  }
0x8a: {  	(erf) = vpow2.f32 v1;
	_ =	sdelay $0x8  }
0x8b: {  	v1 =	vpop (erf)  }
0x8c: {  	[tilespmem:$0x5030] =	vst v1  }
0x8d: {  	[tilespmem:v2+s29+$0x0] =	vst.idx.add.f32.msk $0xffff, v1  }
0x8e: {  	v1 =	vld [tilespmem:$0x4F40]  }
0x8f: {  	v2 =	vld [tilespmem:$0x4FC0];
	_ =	sdelay $0x6  }
0x90: {  	v1 =	vld.idx.msk [tilespmem:v1+s31+$0x0], $0xffff  }
0x91: {  	v3 =	vld.idx.msk [tilespmem:v2+s23+$0x0], $0xffff;
	_ =	sdelay $0x4  }
0x92: {  	v1 =	vadd.f32 v3, v1;
	_ =	sdelay $0x1  }
0x93: {  	v1 =	vmax.f32 v1, $0.0e+00  }
0x94: {  	v1 =	vmul.f32 $1.442695020e+00, v1;
	_ =	sdelay $0x1  }
0x95: {  	(erf) = vpow2.f32 v1;
	_ =	sdelay $0x8  }
0x96: {  	v1 =	vpop (erf)  }
0x97: {  	s4 =	simm.s32 $0x0;
	[tilespmem:$0x5040] =	vst v1  }
0x98: {  	s3 =	sand.u32 $0x3FFFFFF0, s4;
	[tilespmem:v2+s29+$0x0] =	vst.idx.add.f32.msk $0xffff, v1  }
0x99: {  	s5 =	simm.s32 $0x0;
	v1 =	vld [tilespmem:s3+$0x5000]  }
0x9a: {  	s4 =	sand.u32 $0x3FFFF800, s5  }
0x9b: {  	v3 =	vld [tilespmem:s4+$0x50A0]  }
0x9c: {  	v4 =	vld [tilespmem:s4+$0x50B0]  }
0x9d: {  	v10 =	vld [tilespmem:s4+$0x50E0]  }
0x9e: {  	v11 =	vld [tilespmem:s4+$0x50F0];
	v2 =	vbroadcast v1, $0x0  }
0x9f: {  	v12 =	vld [tilespmem:s4+$0x5100]  }
0xa0: {  	v13 =	vld [tilespmem:s4+$0x5110];
	v3 =	vmul.f32 v3, v2  }
0xa1: {  	v14 =	vld [tilespmem:s4+$0x5120];
	v4 =	vmul.f32 v4, v2  }
0xa2: {  	v9 =	vld [tilespmem:s4+$0x5130];
	v23 =	vbroadcast v1, $0x1;
	v22 =	vmul.f32 v10, v2;
	[tilespmem:s4+$0x50A0] =	vst v3  }
0xa3: {  	v7 =	vld [tilespmem:s4+$0x5140];
	v11 =	vmul.f32 v11, v2;
	[tilespmem:s4+$0x50B0] =	vst v4  }
0xa4: {  	v8 =	vld [tilespmem:s4+$0x5150];
	v12 =	vmul.f32 v12, v23;
	[tilespmem:s4+$0x50E0] =	vst v22  }
0xa5: {  	v25 =	vld [tilespmem:s4+$0x5170];
	v13 =	vmul.f32 v13, v23;
	[tilespmem:s4+$0x50F0] =	vst v11  }
0xa6: {  	v26 =	vld [tilespmem:s4+$0x5180];
	v14 =	vmul.f32 v14, v23;
	[tilespmem:s4+$0x5100] =	vst v12  }
0xa7: {  	v27 =	vld [tilespmem:s4+$0x5190];
	v9 =	vmul.f32 v9, v23;
	[tilespmem:s4+$0x5110] =	vst v13  }
0xa8: {  	v6 =	vld [tilespmem:s4+$0x55F0];
	v7 =	vmul.f32 v7, v23;
	[tilespmem:s4+$0x5120] =	vst v14  }
0xa9: {  	v24 =	vld [tilespmem:s4+$0x5160];
	v15 =	vbroadcast v1, $0x2;
	v8 =	vmul.f32 v8, v23;
	[tilespmem:s4+$0x5130] =	vst v9  }
0xaa: {  	v28 =	vld [tilespmem:s4+$0x51A0];
	v10 =	vmul.f32 v25, v23;
	[tilespmem:s4+$0x5140] =	vst v7  }
0xab: {  	v29 =	vld [tilespmem:s4+$0x51B0];
	v5 =	vbroadcast v1, $0xA;
	v32 =	vmul.f32 v26, v15;
	[tilespmem:s4+$0x5150] =	vst v8  }
0xac: {  	v30 =	vld [tilespmem:s4+$0x51C0];
	v34 =	vmul.f32 v27, v15;
	[tilespmem:s4+$0x5170] =	vst v10  }
0xad: {  	v33 =	vld [tilespmem:s4+$0x51E0];
	v3 =	vmul.f32 v6, v5;
	[tilespmem:s4+$0x5180] =	vst v32  }
0xae: {  	v35 =	vld [tilespmem:s4+$0x51F0];
	v11 =	vmul.f32 v24, v23;
	[tilespmem:s4+$0x5190] =	vst v34  }
0xaf: {  	v36 =	vld [tilespmem:s4+$0x5200];
	v9 =	vmul.f32 v28, v15;
	[tilespmem:s4+$0x55F0] =	vst v3  }
0xb0: {  	v31 =	vld [tilespmem:s4+$0x51D0];
	v7 =	vmul.f32 v29, v15;
	[tilespmem:s4+$0x5160] =	vst v11  }
0xb1: {  	v37 =	vld [tilespmem:s4+$0x5210];
	v8 =	vmul.f32 v30, v15;
	[tilespmem:s4+$0x51A0] =	vst v9  }
0xb2: {  	v38 =	vld [tilespmem:s4+$0x5220];
	v41 =	vbroadcast v1, $0x3;
	v10 =	vmul.f32 v33, v15;
	[tilespmem:s4+$0x51B0] =	vst v7  }
0xb3: {  	v39 =	vld [tilespmem:s4+$0x5230];
	v12 =	vmul.f32 v35, v15;
	[tilespmem:s4+$0x51C0] =	vst v8  }
0xb4: {  	v42 =	vld [tilespmem:s4+$0x5250];
	v13 =	vmul.f32 v36, v41;
	[tilespmem:s4+$0x51E0] =	vst v10  }
0xb5: {  	v43 =	vld [tilespmem:s4+$0x5260];
	v11 =	vmul.f32 v31, v15;
	[tilespmem:s4+$0x51F0] =	vst v12  }
0xb6: {  	v44 =	vld [tilespmem:s4+$0x5270];
	v9 =	vmul.f32 v37, v41;
	[tilespmem:s4+$0x5200] =	vst v13  }
0xb7: {  	v40 =	vld [tilespmem:s4+$0x5240];
	v7 =	vmul.f32 v38, v41;
	[tilespmem:s4+$0x51D0] =	vst v11  }
0xb8: {  	v45 =	vld [tilespmem:s4+$0x5280];
	v8 =	vmul.f32 v39, v41;
	[tilespmem:s4+$0x5210] =	vst v9  }
0xb9: {  	v46 =	vld [tilespmem:s4+$0x5290];
	v10 =	vmul.f32 v42, v41;
	[tilespmem:s4+$0x5220] =	vst v7  }
0xba: {  	v47 =	vld [tilespmem:s4+$0x52A0];
	v12 =	vmul.f32 v43, v41;
	[tilespmem:s4+$0x5230] =	vst v8  }
0xbb: {  	v49 =	vld [tilespmem:s4+$0x52C0];
	v50 =	vbroadcast v1, $0x4;
	v13 =	vmul.f32 v44, v41;
	[tilespmem:s4+$0x5250] =	vst v10  }
0xbc: {  	v51 =	vld [tilespmem:s4+$0x52D0];
	v11 =	vmul.f32 v40, v41;
	[tilespmem:s4+$0x5260] =	vst v12  }
0xbd: {  	v52 =	vld [tilespmem:s4+$0x52E0];
	v9 =	vmul.f32 v45, v50;
	[tilespmem:s4+$0x5270] =	vst v13  }
0xbe: {  	v48 =	vld [tilespmem:s4+$0x52B0];
	v7 =	vmul.f32 v46, v50;
	[tilespmem:s4+$0x5240] =	vst v11  }
0xbf: {  	v53 =	vld [tilespmem:s4+$0x52F0];
	v8 =	vmul.f32 v47, v50;
	[tilespmem:s4+$0x5280] =	vst v9  }
0xc0: {  	v54 =	vld [tilespmem:s4+$0x5300];
	v10 =	vmul.f32 v49, v50;
	[tilespmem:s4+$0x5290] =	vst v7  }
0xc1: {  	v55 =	vld [tilespmem:s4+$0x5310];
	v12 =	vmul.f32 v51, v50;
	[tilespmem:s4+$0x52A0] =	vst v8  }
0xc2: {  	v57 =	vld [tilespmem:s4+$0x5330];
	v13 =	vmul.f32 v52, v50;
	[tilespmem:s4+$0x52C0] =	vst v10  }
0xc3: {  	v58 =	vld [tilespmem:s4+$0x5340];
	v59 =	vbroadcast v1, $0x5;
	v11 =	vmul.f32 v48, v50;
	[tilespmem:s4+$0x52D0] =	vst v12  }
0xc4: {  	v60 =	vld [tilespmem:s4+$0x5350];
	v9 =	vmul.f32 v53, v50;
	[tilespmem:s4+$0x52E0] =	vst v13  }
0xc5: {  	v56 =	vld [tilespmem:s4+$0x5320];
	v7 =	vmul.f32 v54, v59;
	[tilespmem:s4+$0x52B0] =	vst v11  }
0xc6: {  	v61 =	vld [tilespmem:s4+$0x5360];
	v8 =	vmul.f32 v55, v59;
	[tilespmem:s4+$0x52F0] =	vst v9  }
0xc7: {  	v62 =	vld [tilespmem:s4+$0x5370];
	v10 =	vmul.f32 v57, v59;
	[tilespmem:s4+$0x5300] =	vst v7  }
0xc8: {  	v63 =	vld [tilespmem:s4+$0x5380];
	v12 =	vmul.f32 v58, v59;
	[tilespmem:s4+$0x5310] =	vst v8  }
0xc9: {  	v19 =	vld [tilespmem:s4+$0x53A0];
	v13 =	vmul.f32 v60, v59;
	[tilespmem:s4+$0x5330] =	vst v10  }
0xca: {  	v20 =	vld [tilespmem:s4+$0x53B0];
	v11 =	vmul.f32 v56, v59;
	[tilespmem:s4+$0x5340] =	vst v12  }
0xcb: {  	v21 =	vld [tilespmem:s4+$0x53C0];
	v22 =	vbroadcast v1, $0x6;
	v9 =	vmul.f32 v61, v59;
	[tilespmem:s4+$0x5350] =	vst v13  }
0xcc: {  	v18 =	vld [tilespmem:s4+$0x5390];
	v7 =	vmul.f32 v62, v59;
	[tilespmem:s4+$0x5320] =	vst v11  }
0xcd: {  	v23 =	vld [tilespmem:s4+$0x53D0];
	v8 =	vmul.f32 v63, v22;
	[tilespmem:s4+$0x5360] =	vst v9  }
0xce: {  	v24 =	vld [tilespmem:s4+$0x53E0];
	v10 =	vmul.f32 v19, v22;
	[tilespmem:s4+$0x5370] =	vst v7  }
0xcf: {  	v25 =	vld [tilespmem:s4+$0x53F0];
	v12 =	vmul.f32 v20, v22;
	[tilespmem:s4+$0x5380] =	vst v8  }
0xd0: {  	v27 =	vld [tilespmem:s4+$0x5410];
	v13 =	vmul.f32 v21, v22;
	[tilespmem:s4+$0x53A0] =	vst v10  }
0xd1: {  	v28 =	vld [tilespmem:s4+$0x5420];
	v11 =	vmul.f32 v18, v22;
	[tilespmem:s4+$0x53B0] =	vst v12  }
0xd2: {  	v29 =	vld [tilespmem:s4+$0x5430];
	v9 =	vmul.f32 v23, v22;
	[tilespmem:s4+$0x53C0] =	vst v13  }
0xd3: {  	v31 =	vbroadcast v1, $0x7;
	v53 =	vld [tilespmem:s4+$0x5580];
	v7 =	vmul.f32 v24, v22;
	[tilespmem:s4+$0x5390] =	vst v11  }
0xd4: {  	v57 =	vld [tilespmem:s4+$0x55C0];
	v8 =	vmul.f32 v25, v22;
	[tilespmem:s4+$0x53D0] =	vst v9  }
0xd5: {  	v58 =	vld [tilespmem:s4+$0x55D0];
	v10 =	vmul.f32 v27, v31;
	[tilespmem:s4+$0x53E0] =	vst v7  }
0xd6: {  	v26 =	vld [tilespmem:s4+$0x5400];
	v12 =	vmul.f32 v28, v31;
	[tilespmem:s4+$0x53F0] =	vst v8  }
0xd7: {  	v30 =	vld [tilespmem:s4+$0x5440];
	v13 =	vmul.f32 v29, v31;
	[tilespmem:s4+$0x5410] =	vst v10  }
0xd8: {  	v32 =	vld [tilespmem:s4+$0x5450];
	v59 =	vmul.f32 v53, v5;
	[tilespmem:s4+$0x5420] =	vst v12  }
0xd9: {  	v33 =	vld [tilespmem:s4+$0x5460];
	v18 =	vmul.f32 v57, v5;
	[tilespmem:s4+$0x5430] =	vst v13  }
0xda: {  	v35 =	vld [tilespmem:s4+$0x5480];
	v20 =	vmul.f32 v58, v5;
	[tilespmem:s4+$0x5580] =	vst v59  }
0xdb: {  	v36 =	vld [tilespmem:s4+$0x5490];
	v11 =	vmul.f32 v26, v31;
	[tilespmem:s4+$0x55C0] =	vst v18  }
0xdc: {  	v37 =	vld [tilespmem:s4+$0x54A0];
	v9 =	vmul.f32 v30, v31;
	[tilespmem:s4+$0x55D0] =	vst v20  }
0xdd: {  	v4 =	vld [tilespmem:s4+$0x5600];
	v40 =	vbroadcast v1, $0x8;
	v7 =	vmul.f32 v32, v31;
	[tilespmem:s4+$0x5400] =	vst v11  }
0xde: {  	v6 =	vld [tilespmem:s4+$0x5610];
	v8 =	vmul.f32 v33, v31;
	[tilespmem:s4+$0x5440] =	vst v9  }
0xdf: {  	v3 =	vld [tilespmem:s4+$0x5850];
	v10 =	vmul.f32 v35, v40;
	[tilespmem:s4+$0x5450] =	vst v7  }
0xe0: {  	v61 =	vld [tilespmem:s4+$0x5080];
	v23 =	vbroadcast v1, $0xB;
	v12 =	vmul.f32 v36, v40;
	[tilespmem:s4+$0x5460] =	vst v8  }
0xe1: {  	v34 =	vld [tilespmem:s4+$0x5470];
	v13 =	vmul.f32 v37, v40;
	[tilespmem:s4+$0x5480] =	vst v10  }
0xe2: {  	v38 =	vld [tilespmem:s4+$0x54B0];
	v27 =	vbroadcast v1, $0xF;
	v4 =	vmul.f32 v4, v23;
	[tilespmem:s4+$0x5490] =	vst v12  }
0xe3: {  	v39 =	vld [tilespmem:s4+$0x54C0];
	v6 =	vmul.f32 v6, v23;
	[tilespmem:s4+$0x54A0] =	vst v13  }
0xe4: {  	v41 =	vld [tilespmem:s4+$0x54D0];
	v3 =	vmul.f32 v3, v27;
	[tilespmem:s4+$0x5600] =	vst v4  }
0xe5: {  	v43 =	vld [tilespmem:s4+$0x54F0];
	v24 =	vmul.f32 v2, v61;
	[tilespmem:s4+$0x5610] =	vst v6  }
0xe6: {  	v44 =	vld [tilespmem:s4+$0x5500];
	v11 =	vmul.f32 v34, v31;
	[tilespmem:s4+$0x5850] =	vst v3  }
0xe7: {  	v45 =	vld [tilespmem:s4+$0x5510];
	v9 =	vmul.f32 v38, v40;
	[tilespmem:s4+$0x5080] =	vst v24  }
0xe8: {  	v63 =	vld [tilespmem:s4+$0x50C0];
	v7 =	vmul.f32 v39, v40;
	[tilespmem:s4+$0x5470] =	vst v11  }
0xe9: {  	v49 =	vbroadcast v1, $0x9;
	v29 =	vld [tilespmem:s4+$0x5670];
	v8 =	vmul.f32 v41, v40;
	[tilespmem:s4+$0x54B0] =	vst v9  }
0xea: {  	v42 =	vld [tilespmem:s4+$0x54E0];
	v10 =	vmul.f32 v43, v40;
	[tilespmem:s4+$0x54C0] =	vst v7  }
0xeb: {  	v46 =	vld [tilespmem:s4+$0x5520];
	v12 =	vmul.f32 v44, v49;
	[tilespmem:s4+$0x54D0] =	vst v8  }
0xec: {  	v47 =	vld [tilespmem:s4+$0x5530];
	v13 =	vmul.f32 v45, v49;
	[tilespmem:s4+$0x54F0] =	vst v10  }
0xed: {  	v48 =	vld [tilespmem:s4+$0x5540];
	v3 =	vmul.f32 v63, v2;
	[tilespmem:s4+$0x5500] =	vst v12  }
0xee: {  	v51 =	vld [tilespmem:s4+$0x5560];
	v6 =	vmul.f32 v29, v23;
	[tilespmem:s4+$0x5510] =	vst v13  }
0xef: {  	v52 =	vld [tilespmem:s4+$0x5570];
	v11 =	vmul.f32 v42, v40;
	[tilespmem:s4+$0x50C0] =	vst v3  }
0xf0: {  	v28 =	vld [tilespmem:s4+$0x5660];
	v9 =	vmul.f32 v46, v49;
	[tilespmem:s4+$0x5670] =	vst v6  }
0xf1: {  	v26 =	vld [tilespmem:s4+$0x5650];
	v7 =	vmul.f32 v47, v49;
	[tilespmem:s4+$0x54E0] =	vst v11  }
0xf2: {  	v30 =	vld [tilespmem:s4+$0x5680];
	v8 =	vmul.f32 v48, v49;
	[tilespmem:s4+$0x5520] =	vst v9  }
0xf3: {  	v50 =	vld [tilespmem:s4+$0x5550];
	v10 =	vmul.f32 v51, v49;
	[tilespmem:s4+$0x5530] =	vst v7  }
0xf4: {  	v54 =	vld [tilespmem:s4+$0x5590];
	v12 =	vmul.f32 v52, v49;
	[tilespmem:s4+$0x5540] =	vst v8  }
0xf5: {  	v55 =	vld [tilespmem:s4+$0x55A0];
	v35 =	vbroadcast v1, $0xC;
	v40 =	vmul.f32 v28, v23;
	[tilespmem:s4+$0x5560] =	vst v10  }
0xf6: {  	v56 =	vld [tilespmem:s4+$0x55B0];
	v32 =	vmul.f32 v26, v23;
	[tilespmem:s4+$0x5570] =	vst v12  }
0xf7: {  	v60 =	vld [tilespmem:s4+$0x55E0];
	v15 =	vmul.f32 v30, v35;
	[tilespmem:s4+$0x5660] =	vst v40  }
0xf8: {  	v62 =	vld [tilespmem:s4+$0x5090];
	v11 =	vmul.f32 v50, v49;
	[tilespmem:s4+$0x5650] =	vst v32  }
0xf9: {  	v19 =	vld [tilespmem:s4+$0x50D0];
	v9 =	vmul.f32 v54, v5;
	[tilespmem:s4+$0x5680] =	vst v15  }
0xfa: {  	v33 =	vld [tilespmem:s4+$0x56B0];
	v7 =	vmul.f32 v55, v5;
	[tilespmem:s4+$0x5550] =	vst v11  }
0xfb: {  	v61 =	vld [tilespmem:s4+$0x5870];
	v8 =	vmul.f32 v56, v5;
	[tilespmem:s4+$0x5590] =	vst v9  }
0xfc: {  	v38 =	vld [tilespmem:s4+$0x56F0];
	v5 =	vmul.f32 v60, v5;
	[tilespmem:s4+$0x55A0] =	vst v7  }
0xfd: {  	v21 =	vld [tilespmem:s4+$0x5620];
	v12 =	vmul.f32 v62, v2;
	[tilespmem:s4+$0x55B0] =	vst v8  }
0xfe: {  	v22 =	vld [tilespmem:s4+$0x5630];
	v2 =	vmul.f32 v19, v2;
	[tilespmem:s4+$0x55E0] =	vst v5  }
0xff: {  	v25 =	vld [tilespmem:s4+$0x5640];
	v62 =	vmul.f32 v33, v35;
	[tilespmem:s4+$0x5090] =	vst v12  }
0x100: {  	v31 =	vld [tilespmem:s4+$0x5690];
	v63 =	vmul.f32 v61, v27;
	[tilespmem:s4+$0x50D0] =	vst v2  }
0x101: {  	v34 =	vld [tilespmem:s4+$0x56C0];
	v15 =	vmul.f32 v38, v35;
	[tilespmem:s4+$0x56B0] =	vst v62  }
0x102: {  	v41 =	vld [tilespmem:s4+$0x5720];
	v7 =	vmul.f32 v21, v23;
	[tilespmem:s4+$0x5870] =	vst v63  }
0x103: {  	v46 =	vld [tilespmem:s4+$0x5760];
	v8 =	vmul.f32 v22, v23;
	[tilespmem:s4+$0x56F0] =	vst v15  }
0x104: {  	v36 =	vld [tilespmem:s4+$0x56D0];
	v5 =	vmul.f32 v25, v23;
	[tilespmem:s4+$0x5620] =	vst v7  }
0x105: {  	v44 =	vbroadcast v1, $0xD;
	v9 =	vmul.f32 v31, v35;
	v2 =	vld [tilespmem:s4+$0x5710];
	[tilespmem:s4+$0x5630] =	vst v8  }
0x106: {  	v37 =	vld [tilespmem:s4+$0x56E0];
	v12 =	vmul.f32 v34, v35;
	[tilespmem:s4+$0x5640] =	vst v5  }
0x107: {  	v39 =	vld [tilespmem:s4+$0x5700];
	v11 =	vmul.f32 v41, v44;
	[tilespmem:s4+$0x5690] =	vst v9  }
0x108: {  	v42 =	vld [tilespmem:s4+$0x5730];
	v51 =	vmul.f32 v46, v44;
	[tilespmem:s4+$0x56C0] =	vst v12  }
0x109: {  	v48 =	vld [tilespmem:s4+$0x5790];
	v8 =	vmul.f32 v36, v35;
	[tilespmem:s4+$0x5720] =	vst v11  }
0x10a: {  	v49 =	vld [tilespmem:s4+$0x57A0];
	[tilespmem:s4+$0x5760] =	vst v51;
	v2 =	vmul.f32 v2, v44  }
0x10b: {  	v50 =	vld [tilespmem:s4+$0x57B0];
	v5 =	vmul.f32 v37, v35;
	[tilespmem:s4+$0x56D0] =	vst v8  }
0x10c: {  	v1 =	vbroadcast v1, $0xE;
	v9 =	vmul.f32 v39, v44;
	[tilespmem:s4+$0x5710] =	vst v2;
	v2 =	vld [tilespmem:s4+$0x5780]  }
0x10d: {  	v60 =	vld [tilespmem:s4+$0x5860];
	v12 =	vmul.f32 v42, v44;
	[tilespmem:s4+$0x56E0] =	vst v5  }
0x10e: {  	v45 =	vld [tilespmem:s4+$0x5750];
	v11 =	vmul.f32 v48, v1;
	[tilespmem:s4+$0x5700] =	vst v9  }
0x10f: {  	v47 =	vld [tilespmem:s4+$0x5770];
	v10 =	vmul.f32 v49, v1;
	[tilespmem:s4+$0x5730] =	vst v12  }
0x110: {  	v43 =	vld [tilespmem:s4+$0x5740];
	v6 =	vmul.f32 v50, v1;
	[tilespmem:s4+$0x5790] =	vst v11  }
0x111: {  	v55 =	vld [tilespmem:s4+$0x5800];
	[tilespmem:s4+$0x57A0] =	vst v10;
	v2 =	vmul.f32 v2, v1  }
0x112: {  	v57 =	vld [tilespmem:s4+$0x5820];
	v4 =	vmul.f32 v60, v27;
	[tilespmem:s4+$0x57B0] =	vst v6  }
0x113: {  	v5 =	vmul.f32 v45, v44;
	[tilespmem:s4+$0x5780] =	vst v2;
	v2 =	vld [tilespmem:s4+$0x57F0]  }
0x114: {  	v52 =	vld [tilespmem:s4+$0x57C0];
	v9 =	vmul.f32 v47, v44;
	[tilespmem:s4+$0x5860] =	vst v4  }
0x115: {  	v56 =	vld [tilespmem:s4+$0x5810];
	v8 =	vmul.f32 v43, v44;
	[tilespmem:s4+$0x5750] =	vst v5  }
0x116: {  	v54 =	vld [tilespmem:s4+$0x57E0];
	v11 =	vmul.f32 v55, v27;
	[tilespmem:s4+$0x5770] =	vst v9  }
0x117: {  	v58 =	vld [tilespmem:s4+$0x5830];
	v6 =	vmul.f32 v57, v27;
	[tilespmem:s4+$0x5740] =	vst v8  }
0x118: {  	v53 =	vld [tilespmem:s4+$0x57D0];
	[tilespmem:s4+$0x5800] =	vst v11;
	v2 =	vmul.f32 v2, v1  }
0x119: {  	v59 =	vld [tilespmem:s4+$0x5840];
	v5 =	vmul.f32 v52, v1;
	[tilespmem:s4+$0x5820] =	vst v6  }
0x11a: {  	[tilespmem:s4+$0x57F0] =	vst v2;
	v2 =	vmul.f32 v56, v27  }
0x11b: {  	v3 =	vld [tilespmem:s4+$0x56A0];
	v9 =	vmul.f32 v54, v1;
	[tilespmem:s4+$0x57C0] =	vst v5  }
0x11c: {  	[tilespmem:s4+$0x5810] =	vst v2;
	v2 =	vmul.f32 v58, v27  }
0x11d: {  	[tilespmem:s4+$0x57E0] =	vst v9;
	v1 =	vmul.f32 v53, v1  }
0x11e: {  	[tilespmem:s4+$0x5830] =	vst v2;
	v2 =	vmul.f32 v59, v27  }
0x11f: {  	[tilespmem:s4+$0x57D0] =	vst v1  }
0x120: {  	s3 =	simm.s32 $0x1;
	[tilespmem:s4+$0x5840] =	vst v2;
	v2 =	vmul.f32 v3, v35  }
.LBB2_7:
0x121: {  	s5 =	sshll.u32 s3, $0x4  }
0x122: {  	p0 =	sne.s32 s3, $0x4;
	[tilespmem:s4+$0x56A0] =	vst v2;
	s4 =	smov.u32 s3;
	s3 =	sadd.s32 $0x1, s3  }
0x123: {  	s5 =	sand.u32 $0x3FFFFFF0, s5  }
0x124: {  	s4 =	sshll.u32 s4, $0xB;
	v1 =	vld [tilespmem:s5+$0x5000]  }
0x125: {  	s4 =	sand.u32 $0x3FFFF800, s4  }
0x126: {  	v8 =	vld [tilespmem:s4+$0x5140]  }
0x127: {  	v9 =	vld [tilespmem:s4+$0x5150]  }
0x128: {  	v10 =	vld [tilespmem:s4+$0x5130]  }
0x129: {  	v2 =	vbroadcast v1, $0x0;
	v3 =	vld [tilespmem:s4+$0x50A0];
	v7 =	vbroadcast v1, $0x4  }
0x12a: {  	v5 =	vld [tilespmem:s4+$0x50B0]  }
0x12b: {  	v6 =	vld [tilespmem:s4+$0x55F0]  }
0x12c: {  	v11 =	vld [tilespmem:s4+$0x50E0]  }
0x12d: {  	v12 =	vld [tilespmem:s4+$0x50F0]  }
0x12e: {  	v4 =	vbroadcast v1, $0xA;
	v3 =	vmul.f32 v3, v2;
	v13 =	vld [tilespmem:s4+$0x5100]  }
0x12f: {  	v5 =	vmul.f32 v5, v2;
	v14 =	vld [tilespmem:s4+$0x5110]  }
0x130: {  	[tilespmem:s4+$0x50A0] =	vst v3;
	v15 =	vld [tilespmem:s4+$0x5120];
	v3 =	vmul.f32 v6, v4  }
0x131: {  	[tilespmem:s4+$0x50B0] =	vst v5;
	v6 =	vmul.f32 v11, v2;
	v11 =	vbroadcast v1, $0x1;
	v5 =	vld [tilespmem:s4+$0x5600]  }
0x132: {  	v12 =	vmul.f32 v12, v2;
	[tilespmem:s4+$0x55F0] =	vst v3;
	v3 =	vld [tilespmem:s4+$0x5850]  }
0x133: {  	[tilespmem:s4+$0x50E0] =	vst v6;
	v13 =	vmul.f32 v13, v11;
	v6 =	vld [tilespmem:s4+$0x5610]  }
0x134: {  	[tilespmem:s4+$0x50F0] =	vst v12;
	v12 =	vmul.f32 v14, v11;
	v14 =	vld [tilespmem:s4+$0x5160]  }
0x135: {  	[tilespmem:s4+$0x5100] =	vst v13;
	v13 =	vmul.f32 v15, v11;
	v15 =	vld [tilespmem:s4+$0x5170]  }
0x136: {  	v10 =	vmul.f32 v10, v11;
	[tilespmem:s4+$0x5110] =	vst v12;
	v12 =	vld [tilespmem:s4+$0x5180]  }
0x137: {  	v8 =	vmul.f32 v8, v11;
	[tilespmem:s4+$0x5120] =	vst v13;
	v13 =	vld [tilespmem:s4+$0x5190]  }
0x138: {  	v9 =	vmul.f32 v9, v11;
	[tilespmem:s4+$0x5130] =	vst v10;
	v10 =	vld [tilespmem:s4+$0x51A0]  }
0x139: {  	[tilespmem:s4+$0x5140] =	vst v8;
	v8 =	vmul.f32 v14, v11;
	v14 =	vbroadcast v1, $0x2;
	v16 =	vld [tilespmem:s4+$0x51B0]  }
0x13a: {  	[tilespmem:s4+$0x5150] =	vst v9;
	v9 =	vmul.f32 v15, v11;
	v11 =	vld [tilespmem:s4+$0x51C0]  }
0x13b: {  	[tilespmem:s4+$0x5160] =	vst v8;
	v8 =	vmul.f32 v12, v14;
	v12 =	vld [tilespmem:s4+$0x51D0]  }
0x13c: {  	[tilespmem:s4+$0x5170] =	vst v9;
	v9 =	vmul.f32 v13, v14;
	v13 =	vld [tilespmem:s4+$0x51E0]  }
0x13d: {  	[tilespmem:s4+$0x5180] =	vst v8;
	v8 =	vmul.f32 v10, v14;
	v10 =	vld [tilespmem:s4+$0x51F0]  }
0x13e: {  	[tilespmem:s4+$0x5190] =	vst v9;
	v9 =	vmul.f32 v16, v14;
	v15 =	vld [tilespmem:s4+$0x5200]  }
0x13f: {  	[tilespmem:s4+$0x51A0] =	vst v8;
	v8 =	vmul.f32 v11, v14;
	v11 =	vld [tilespmem:s4+$0x5210]  }
0x140: {  	[tilespmem:s4+$0x51B0] =	vst v9;
	v9 =	vmul.f32 v12, v14;
	v12 =	vld [tilespmem:s4+$0x5220]  }
0x141: {  	[tilespmem:s4+$0x51C0] =	vst v8;
	v8 =	vmul.f32 v13, v14;
	v13 =	vbroadcast v1, $0x3;
	v16 =	vld [tilespmem:s4+$0x5230]  }
0x142: {  	[tilespmem:s4+$0x51D0] =	vst v9;
	v9 =	vmul.f32 v10, v14;
	v10 =	vld [tilespmem:s4+$0x5240]  }
0x143: {  	[tilespmem:s4+$0x51E0] =	vst v8;
	v8 =	vmul.f32 v15, v13;
	v14 =	vld [tilespmem:s4+$0x5250]  }
0x144: {  	[tilespmem:s4+$0x51F0] =	vst v9;
	v9 =	vmul.f32 v11, v13;
	v11 =	vld [tilespmem:s4+$0x5260]  }
0x145: {  	[tilespmem:s4+$0x5200] =	vst v8;
	v8 =	vmul.f32 v12, v13;
	v12 =	vld [tilespmem:s4+$0x5270]  }
0x146: {  	[tilespmem:s4+$0x5210] =	vst v9;
	v9 =	vmul.f32 v16, v13;
	v15 =	vld [tilespmem:s4+$0x5280]  }
0x147: {  	[tilespmem:s4+$0x5220] =	vst v8;
	v8 =	vmul.f32 v10, v13;
	v10 =	vld [tilespmem:s4+$0x5290]  }
0x148: {  	[tilespmem:s4+$0x5230] =	vst v9;
	v9 =	vmul.f32 v14, v13;
	v14 =	vld [tilespmem:s4+$0x52A0]  }
0x149: {  	[tilespmem:s4+$0x5240] =	vst v8;
	v8 =	vmul.f32 v11, v13;
	v11 =	vld [tilespmem:s4+$0x52B0]  }
0x14a: {  	[tilespmem:s4+$0x5250] =	vst v9;
	v9 =	vmul.f32 v12, v13;
	v12 =	vld [tilespmem:s4+$0x52C0]  }
0x14b: {  	[tilespmem:s4+$0x5260] =	vst v8;
	v8 =	vmul.f32 v15, v7;
	v13 =	vld [tilespmem:s4+$0x52D0]  }
0x14c: {  	[tilespmem:s4+$0x5270] =	vst v9;
	v9 =	vmul.f32 v10, v7;
	v10 =	vld [tilespmem:s4+$0x52E0]  }
0x14d: {  	[tilespmem:s4+$0x5280] =	vst v8;
	v8 =	vmul.f32 v14, v7;
	v14 =	vld [tilespmem:s4+$0x52F0]  }
0x14e: {  	[tilespmem:s4+$0x5290] =	vst v9;
	v9 =	vmul.f32 v11, v7;
	v11 =	vld [tilespmem:s4+$0x5300]  }
0x14f: {  	[tilespmem:s4+$0x52A0] =	vst v8;
	v8 =	vmul.f32 v12, v7;
	v12 =	vld [tilespmem:s4+$0x5310]  }
0x150: {  	[tilespmem:s4+$0x52B0] =	vst v9;
	v9 =	vmul.f32 v13, v7;
	v13 =	vld [tilespmem:s4+$0x5320]  }
0x151: {  	[tilespmem:s4+$0x52C0] =	vst v8;
	v8 =	vmul.f32 v10, v7;
	v10 =	vbroadcast v1, $0x5;
	v15 =	vld [tilespmem:s4+$0x5330]  }
0x152: {  	[tilespmem:s4+$0x52D0] =	vst v9;
	v7 =	vmul.f32 v14, v7;
	v9 =	vld [tilespmem:s4+$0x5340]  }
0x153: {  	[tilespmem:s4+$0x52E0] =	vst v8;
	v8 =	vmul.f32 v11, v10;
	v11 =	vld [tilespmem:s4+$0x5350]  }
0x154: {  	[tilespmem:s4+$0x52F0] =	vst v7;
	v7 =	vmul.f32 v12, v10;
	v12 =	vld [tilespmem:s4+$0x5360]  }
0x155: {  	[tilespmem:s4+$0x5300] =	vst v8;
	v8 =	vmul.f32 v13, v10;
	v13 =	vld [tilespmem:s4+$0x5370]  }
0x156: {  	[tilespmem:s4+$0x5310] =	vst v7;
	v7 =	vmul.f32 v15, v10;
	v14 =	vld [tilespmem:s4+$0x5380]  }
0x157: {  	[tilespmem:s4+$0x5320] =	vst v8;
	v8 =	vmul.f32 v9, v10;
	v9 =	vld [tilespmem:s4+$0x5390]  }
0x158: {  	[tilespmem:s4+$0x5330] =	vst v7;
	v7 =	vmul.f32 v11, v10;
	v11 =	vld [tilespmem:s4+$0x53A0]  }
0x159: {  	[tilespmem:s4+$0x5340] =	vst v8;
	v8 =	vmul.f32 v12, v10;
	v12 =	vbroadcast v1, $0x6;
	v15 =	vld [tilespmem:s4+$0x53B0]  }
0x15a: {  	[tilespmem:s4+$0x5350] =	vst v7;
	v7 =	vmul.f32 v13, v10;
	v10 =	vld [tilespmem:s4+$0x53C0]  }
0x15b: {  	[tilespmem:s4+$0x5360] =	vst v8;
	v8 =	vmul.f32 v14, v12;
	v13 =	vld [tilespmem:s4+$0x53D0]  }
0x15c: {  	[tilespmem:s4+$0x5370] =	vst v7;
	v7 =	vmul.f32 v9, v12;
	v9 =	vld [tilespmem:s4+$0x53E0]  }
0x15d: {  	[tilespmem:s4+$0x5380] =	vst v8;
	v8 =	vmul.f32 v11, v12;
	v11 =	vld [tilespmem:s4+$0x53F0]  }
0x15e: {  	[tilespmem:s4+$0x5390] =	vst v7;
	v7 =	vmul.f32 v15, v12;
	v14 =	vld [tilespmem:s4+$0x5400]  }
0x15f: {  	[tilespmem:s4+$0x53A0] =	vst v8;
	v8 =	vmul.f32 v10, v12;
	v10 =	vld [tilespmem:s4+$0x5410]  }
0x160: {  	[tilespmem:s4+$0x53B0] =	vst v7;
	v7 =	vmul.f32 v13, v12;
	v13 =	vld [tilespmem:s4+$0x5420]  }
0x161: {  	[tilespmem:s4+$0x53C0] =	vst v8;
	v8 =	vmul.f32 v9, v12;
	v9 =	vbroadcast v1, $0x7;
	v15 =	vld [tilespmem:s4+$0x5430]  }
0x162: {  	[tilespmem:s4+$0x53D0] =	vst v7;
	v7 =	vmul.f32 v11, v12;
	v11 =	vld [tilespmem:s4+$0x5440]  }
0x163: {  	[tilespmem:s4+$0x53E0] =	vst v8;
	v8 =	vmul.f32 v14, v9;
	v12 =	vld [tilespmem:s4+$0x5450]  }
0x164: {  	[tilespmem:s4+$0x53F0] =	vst v7;
	v7 =	vmul.f32 v10, v9;
	v10 =	vld [tilespmem:s4+$0x5460]  }
0x165: {  	[tilespmem:s4+$0x5400] =	vst v8;
	v8 =	vmul.f32 v13, v9;
	v13 =	vld [tilespmem:s4+$0x5470]  }
0x166: {  	[tilespmem:s4+$0x5410] =	vst v7;
	v7 =	vmul.f32 v15, v9;
	v14 =	vld [tilespmem:s4+$0x5480]  }
0x167: {  	[tilespmem:s4+$0x5420] =	vst v8;
	v8 =	vmul.f32 v11, v9;
	v11 =	vld [tilespmem:s4+$0x5490]  }
0x168: {  	[tilespmem:s4+$0x5430] =	vst v7;
	v7 =	vmul.f32 v12, v9;
	v12 =	vld [tilespmem:s4+$0x54A0]  }
0x169: {  	[tilespmem:s4+$0x5440] =	vst v8;
	v8 =	vmul.f32 v10, v9;
	v10 =	vbroadcast v1, $0x8;
	v15 =	vld [tilespmem:s4+$0x54B0]  }
0x16a: {  	[tilespmem:s4+$0x5450] =	vst v7;
	v7 =	vmul.f32 v13, v9;
	v9 =	vld [tilespmem:s4+$0x54C0]  }
0x16b: {  	[tilespmem:s4+$0x5460] =	vst v8;
	v8 =	vmul.f32 v14, v10;
	v13 =	vld [tilespmem:s4+$0x54D0]  }
0x16c: {  	[tilespmem:s4+$0x5470] =	vst v7;
	v7 =	vmul.f32 v11, v10;
	v11 =	vld [tilespmem:s4+$0x54E0]  }
0x16d: {  	[tilespmem:s4+$0x5480] =	vst v8;
	v8 =	vmul.f32 v12, v10;
	v12 =	vld [tilespmem:s4+$0x54F0]  }
0x16e: {  	[tilespmem:s4+$0x5490] =	vst v7;
	v7 =	vmul.f32 v15, v10;
	v14 =	vld [tilespmem:s4+$0x5500]  }
0x16f: {  	[tilespmem:s4+$0x54A0] =	vst v8;
	v8 =	vmul.f32 v9, v10;
	v9 =	vld [tilespmem:s4+$0x5510]  }
0x170: {  	[tilespmem:s4+$0x54B0] =	vst v7;
	v7 =	vmul.f32 v13, v10;
	v13 =	vld [tilespmem:s4+$0x5520]  }
0x171: {  	[tilespmem:s4+$0x54C0] =	vst v8;
	v8 =	vmul.f32 v11, v10;
	v11 =	vbroadcast v1, $0x9;
	v15 =	vld [tilespmem:s4+$0x5530]  }
0x172: {  	[tilespmem:s4+$0x54D0] =	vst v7;
	v7 =	vmul.f32 v12, v10;
	v10 =	vld [tilespmem:s4+$0x5540]  }
0x173: {  	[tilespmem:s4+$0x54E0] =	vst v8;
	v8 =	vmul.f32 v14, v11;
	v12 =	vld [tilespmem:s4+$0x5550]  }
0x174: {  	[tilespmem:s4+$0x54F0] =	vst v7;
	v7 =	vmul.f32 v9, v11;
	v9 =	vld [tilespmem:s4+$0x5560]  }
0x175: {  	[tilespmem:s4+$0x5500] =	vst v8;
	v8 =	vmul.f32 v13, v11;
	v13 =	vld [tilespmem:s4+$0x5570]  }
0x176: {  	[tilespmem:s4+$0x5510] =	vst v7;
	v7 =	vmul.f32 v15, v11;
	v14 =	vld [tilespmem:s4+$0x5580]  }
0x177: {  	[tilespmem:s4+$0x5520] =	vst v8;
	v8 =	vmul.f32 v10, v11;
	v10 =	vld [tilespmem:s4+$0x5590]  }
0x178: {  	[tilespmem:s4+$0x5530] =	vst v7;
	v7 =	vmul.f32 v12, v11;
	v12 =	vld [tilespmem:s4+$0x55A0]  }
0x179: {  	[tilespmem:s4+$0x5540] =	vst v8;
	v8 =	vmul.f32 v9, v11;
	v9 =	vld [tilespmem:s4+$0x55B0]  }
0x17a: {  	[tilespmem:s4+$0x5550] =	vst v7;
	v7 =	vmul.f32 v13, v11;
	v11 =	vld [tilespmem:s4+$0x55C0]  }
0x17b: {  	[tilespmem:s4+$0x5560] =	vst v8;
	v8 =	vmul.f32 v14, v4;
	v13 =	vld [tilespmem:s4+$0x55D0]  }
0x17c: {  	[tilespmem:s4+$0x5570] =	vst v7;
	v7 =	vmul.f32 v10, v4;
	v10 =	vld [tilespmem:s4+$0x55E0]  }
0x17d: {  	v14 =	vld [tilespmem:s4+$0x5080];
	[tilespmem:s4+$0x5580] =	vst v8;
	v8 =	vmul.f32 v12, v4  }
0x17e: {  	v12 =	vld [tilespmem:s4+$0x5090];
	[tilespmem:s4+$0x5590] =	vst v7;
	v7 =	vmul.f32 v9, v4  }
0x17f: {  	v9 =	vld [tilespmem:s4+$0x50C0];
	[tilespmem:s4+$0x55A0] =	vst v8;
	v8 =	vmul.f32 v11, v4  }
0x180: {  	v11 =	vld [tilespmem:s4+$0x50D0];
	[tilespmem:s4+$0x55B0] =	vst v7;
	v7 =	vmul.f32 v13, v4  }
0x181: {  	[tilespmem:s4+$0x55C0] =	vst v8;
	v8 =	vmul.f32 v10, v4;
	v10 =	vbroadcast v1, $0xB;
	v13 =	vld [tilespmem:s4+$0x5620]  }
0x182: {  	v4 =	vbroadcast v1, $0xF;
	v14 =	vmul.f32 v2, v14;
	[tilespmem:s4+$0x55D0] =	vst v7;
	v7 =	vld [tilespmem:s4+$0x5630]  }
0x183: {  	v12 =	vmul.f32 v12, v2;
	[tilespmem:s4+$0x55E0] =	vst v8;
	v5 =	vmul.f32 v5, v10;
	v8 =	vld [tilespmem:s4+$0x5640]  }
0x184: {  	v6 =	vmul.f32 v6, v10;
	[tilespmem:s4+$0x5080] =	vst v14;
	v9 =	vmul.f32 v9, v2;
	v14 =	vld [tilespmem:s4+$0x5650]  }
0x185: {  	v3 =	vmul.f32 v3, v4;
	v11 =	vmul.f32 v11, v2;
	[tilespmem:s4+$0x5600] =	vst v5;
	v2 =	vld [tilespmem:s4+$0x5660]  }
0x186: {  	[tilespmem:s4+$0x5610] =	vst v6;
	v5 =	vmul.f32 v13, v10;
	v6 =	vld [tilespmem:s4+$0x5670]  }
0x187: {  	v7 =	vmul.f32 v7, v10;
	v13 =	vld [tilespmem:s4+$0x5680];
	[tilespmem:s4+$0x5850] =	vst v3  }
0x188: {  	[tilespmem:s4+$0x5090] =	vst v12;
	v3 =	vmul.f32 v8, v10;
	v8 =	vld [tilespmem:s4+$0x5690]  }
0x189: {  	[tilespmem:s4+$0x50C0] =	vst v9;
	v9 =	vmul.f32 v14, v10;
	v12 =	vld [tilespmem:s4+$0x56A0]  }
0x18a: {  	v14 =	vbroadcast v1, $0xC;
	[tilespmem:s4+$0x5620] =	vst v5;
	v5 =	vmul.f32 v2, v10;
	v15 =	vld [tilespmem:s4+$0x56B0]  }
0x18b: {  	[tilespmem:s4+$0x5650] =	vst v9;
	v6 =	vmul.f32 v6, v10;
	v9 =	vld [tilespmem:s4+$0x56C0]  }
0x18c: {  	[tilespmem:s4+$0x5630] =	vst v7;
	v2 =	vmul.f32 v13, v14;
	v7 =	vld [tilespmem:s4+$0x56D0]  }
0x18d: {  	[tilespmem:s4+$0x5640] =	vst v3;
	v3 =	vmul.f32 v8, v14;
	v8 =	vld [tilespmem:s4+$0x56E0]  }
0x18e: {  	[tilespmem:s4+$0x5680] =	vst v2;
	v2 =	vmul.f32 v12, v14;
	v10 =	vld [tilespmem:s4+$0x56F0]  }
0x18f: {  	[tilespmem:s4+$0x5690] =	vst v3;
	v3 =	vld [tilespmem:s4+$0x5700]  }
0x190: {  	[tilespmem:s4+$0x50D0] =	vst v11;
	v9 =	vmul.f32 v9, v14;
	v11 =	vld [tilespmem:s4+$0x5710]  }
0x191: {  	[tilespmem:s4+$0x5660] =	vst v5;
	v5 =	vmul.f32 v7, v14;
	v7 =	vld [tilespmem:s4+$0x5720]  }
0x192: {  	[tilespmem:s4+$0x56C0] =	vst v9;
	v8 =	vmul.f32 v8, v14;
	v9 =	vbroadcast v1, $0xD;
	v12 =	vld [tilespmem:s4+$0x5730]  }
0x193: {  	[tilespmem:s4+$0x56D0] =	vst v5;
	v5 =	vmul.f32 v10, v14;
	v10 =	vld [tilespmem:s4+$0x5740]  }
0x194: {  	[tilespmem:s4+$0x56E0] =	vst v8;
	v3 =	vmul.f32 v3, v9;
	v8 =	vld [tilespmem:s4+$0x5750]  }
0x195: {  	[tilespmem:s4+$0x56F0] =	vst v5;
	v5 =	vmul.f32 v11, v9;
	v11 =	vld [tilespmem:s4+$0x5760]  }
0x196: {  	[tilespmem:s4+$0x5700] =	vst v3;
	v3 =	vmul.f32 v7, v9;
	v7 =	vld [tilespmem:s4+$0x5770]  }
0x197: {  	[tilespmem:s4+$0x5710] =	vst v5;
	v5 =	vmul.f32 v12, v9;
	v12 =	vld [tilespmem:s4+$0x5780]  }
0x198: {  	[tilespmem:s4+$0x5720] =	vst v3;
	v3 =	vmul.f32 v10, v9;
	v10 =	vld [tilespmem:s4+$0x5790]  }
0x199: {  	[tilespmem:s4+$0x5730] =	vst v5;
	v5 =	vmul.f32 v8, v9;
	v8 =	vld [tilespmem:s4+$0x57A0]  }
0x19a: {  	v1 =	vbroadcast v1, $0xE;
	[tilespmem:s4+$0x5670] =	vst v6;
	v6 =	vmul.f32 v11, v9;
	v11 =	vld [tilespmem:s4+$0x57B0]  }
0x19b: {  	[tilespmem:s4+$0x5750] =	vst v5;
	v5 =	vmul.f32 v7, v9;
	v7 =	vld [tilespmem:s4+$0x57C0]  }
0x19c: {  	[tilespmem:s4+$0x5760] =	vst v6;
	v6 =	vmul.f32 v12, v1;
	v9 =	vld [tilespmem:s4+$0x57D0]  }
0x19d: {  	[tilespmem:s4+$0x5770] =	vst v5;
	v5 =	vmul.f32 v10, v1;
	v10 =	vld [tilespmem:s4+$0x57E0]  }
0x19e: {  	[tilespmem:s4+$0x5780] =	vst v6;
	v6 =	vmul.f32 v8, v1;
	v8 =	vld [tilespmem:s4+$0x57F0]  }
0x19f: {  	[tilespmem:s4+$0x5790] =	vst v5;
	v5 =	vmul.f32 v11, v1;
	v11 =	vld [tilespmem:s4+$0x5800]  }
0x1a0: {  	[tilespmem:s4+$0x57A0] =	vst v6;
	v6 =	vmul.f32 v7, v1;
	v7 =	vld [tilespmem:s4+$0x5810]  }
0x1a1: {  	[tilespmem:s4+$0x57B0] =	vst v5;
	v5 =	vmul.f32 v9, v1;
	v9 =	vld [tilespmem:s4+$0x5820]  }
0x1a2: {  	[tilespmem:s4+$0x57C0] =	vst v6;
	v6 =	vmul.f32 v10, v1;
	v10 =	vld [tilespmem:s4+$0x5830]  }
0x1a3: {  	[tilespmem:s4+$0x5740] =	vst v3;
	v1 =	vmul.f32 v8, v1;
	v3 =	vld [tilespmem:s4+$0x5840]  }
0x1a4: {  	[tilespmem:s4+$0x57E0] =	vst v6;
	v6 =	vmul.f32 v11, v4;
	v8 =	vld [tilespmem:s4+$0x5860]  }
0x1a5: {  	[tilespmem:s4+$0x57F0] =	vst v1;
	v1 =	vmul.f32 v7, v4;
	v7 =	vld [tilespmem:s4+$0x5870]  }
0x1a6: {  	[tilespmem:s4+$0x5800] =	vst v6;
	v6 =	vmul.f32 v9, v4  }
0x1a7: {  	[tilespmem:s4+$0x5810] =	vst v1;
	v1 =	vmul.f32 v10, v4  }
0x1a8: {  	v9 =	vmul.f32 v15, v14;
	[tilespmem:s4+$0x5820] =	vst v6  }
0x1a9: {  	[tilespmem:s4+$0x5830] =	vst v1;
	v1 =	vmul.f32 v3, v4  }
.Ltmp2:
0x1aa: {  	[tilespmem:s4+$0x56B0] =	vst v9;
	v3 =	vmul.f32 v7, v4;
	(pc) =	sbr.rel @p0 .LBB2_7-.Ltmp2, $4  }
0x1ab: {  	[tilespmem:s4+$0x5840] =	vst v1  }
0x1ac: {  	v1 =	vmul.f32 v8, v4;
	[tilespmem:s4+$0x5870] =	vst v3  }
0x1ad: {  	[tilespmem:s4+$0x57D0] =	vst v5  }
0x1ae: {  	[tilespmem:s4+$0x5860] =	vst v1  }
0x1af: {  	s0 =	sadd.s32 $0x1, s0  }
0x1b0: {  	p0 =	sne.s32 s0, $0x7D  }
.Ltmp3:
0x1b1: {  	[tilespmem:s4+$0x56A0] =	vst v2;
	(pc) =	sbr.rel @p0 .LBB2_6-.Ltmp3, $4  }
0x1b2: {  	[spmem:s2] =	stream.indirect.scatter.add.f32 [tilespmem:s21], [sflag:$0x2], $0x80, s25, s26, $0xb8;
	[tilespmem:$0x1E080] =	vst v63  }
0x1b3: {  	_ =	swait.ge [sflag:s22], $0x2800  }
0x1b4: {  	[sflag:s22] =	ssyncset.done $0x0  }
0x1b5: {  	[sflag:s22] =	ssyncadd.s32 $0xFFFFD800  }
0x1b6: {  	s0 =	stileid.u32  }
0x1b7: {  	s0 =	sshll.u32 s0, $0x6  }
0x1b8: {  	[bflag:$0x0] =	sbarrier.arrive $0xFFFF;
	s3 =	sshrl.u32 s9, $0x3;
	s0 =	sor.u32 $0x1C02, s0  }
0x1b9: {  	[hbm:s18], [sflag:s0] =	dma.local [spmem:s3], $0x2800  }
0x1ba: {  	s30 =	sadd.s32 $0x1, s30;
	_ =	swait.ge [sflag:s22], $0x2800  }
0x1bb: {  	p0 =	sne.s32 s30, s20;
	[sflag:s22] =	ssyncset.done $0x0  }
.Ltmp4:
0x1bc: {  	s5 =	simm.s32 $0x0;
	[sflag:s22] =	ssyncadd.s32 $0xFFFFD800;
	(pc) =	sbr.rel @p0 .LBB2_1-.Ltmp4, $4  }
0x1bd: {  	[hbm4b:s19+s5] =	stream.linear.scatter [tilespmem:s29], [sflag:$0x2], $0x2800, $0x38;
	[tilespmem:$0x1E080] =	vst v63  }
0x1be: {  	_ =	swait.ge [sflag:s22], $0x2800  }
0x1bf: {  	[sflag:s22] =	ssyncset.done $0x0  }
0x1c0: {  	[sflag:s22] =	ssyncadd.s32 $0xFFFFD800  }
0x1c1: {  	_ =	sfence.sel $0x180000  }
0x1c2: {  	[bflag:$0x0] =	sbarrier.arrive $0xFFFF  }
0x1c3: {  	_ =	strace $0x90000047  }
0x1c4: {  	s0 =	stileid.u32;
	[bflag:$0x2] =	sbarrier.arrive $0xFFFF  }
0x1c5: {  	p0 =	sne.s32 s0, $0x0;
	s0 =	rddreg [dreg:$0x3]  }
0x1c6: {  	s0 =	sadd.s32 @!p0 $0x100000, s0  }
0x1c7: {  	[sflag:s0] =	ssyncadd.tile.s32 @!p0 $0x1;
	_ =	shalt  }
.Lfunc_end2:
_tile_overlayer_lowered:
.L_overlay_start_2:
0x1c8: {  	(tag) =	ssettag $0x2  }
0x1c9: {  	s0 =	rddreg [dreg:$0x0];
	s2 =	stileid.u32  }
0x1ca: {  	s1 =	rddreg [dreg:$0x1];
	p0 =	sne.s32 s2, $0x0  }
0x1cb: {  	s3 =	rddreg [dreg:$0x2];
	[bflag:$0x3] =	sbarrier.arrive $0xFFFF;
	s2 =	simm.s32 @!p0 $0x1C02  }
0x1cc: {  	[timem:s3], [sflag:s2] =	dma.local @!p0 [hbm:s0], s1  }
0x1cd: {  	s0 =	simm.s32 @!p0 $0x2  }
0x1ce: {  	_ =	swait.ge @!p0 [sflag:s0], s1  }
0x1cf: {  	s1 =	ssub.s32 @!p0 $0x0, s1;
	[sflag:s0] =	ssyncset.done @!p0 $0x0  }
0x1d0: {  	[sflag:s0] =	ssyncadd.s32 @!p0 s1  }
0x1d1: {  	[bflag:$0x3] =	sbarrier.arrive $0xFFFF  }
0x1d2: {  	_ =	shalt  }

</sc_bundles>
